<compile_context>
chip_gen: v7x
topology: tpu7x:2x2x1
jax: 0.10.2.dev20260603
libtpu: 0.0.44.dev20260713+nightly
codegen_flags: <defaults>
</compile_context>

<pallas_src>
import functools

import jax
import jax.numpy as jnp
from jax import lax
from jax.experimental import pallas as pl
from jax.experimental.pallas import tpu as pltpu
from jax.experimental.pallas import tpu_sc as plsc

B = 8
N = 4096
S = 1024
KNN = 16
CIN = 128
COUT = 256
ROWS = B * S * KNN

_BIG = 3.0e38



def _fps_body(init_ref, x_ref, cx_ref, cy_ref, cz_ref):
    X = x_ref[:, 0, :]
    Y = x_ref[:, 1, :]
    Z = x_ref[:, 2, :]
    lanes = lax.broadcasted_iota(jnp.int32, (B, N), 1)

    far0 = init_ref[:, 0:1]
    l128 = lax.broadcasted_iota(jnp.int32, (B, 128), 1)

    oh0 = (lanes == far0).astype(jnp.float32)

    def body(j, carry):
        dist, oh, bx, by, bz = carry
        cx = jnp.sum(oh * X, axis=1, keepdims=True)
        cy = jnp.sum(oh * Y, axis=1, keepdims=True)
        cz = jnp.sum(oh * Z, axis=1, keepdims=True)
        sel = l128 == j
        bx = jnp.where(sel, cx, bx)
        by = jnp.where(sel, cy, by)
        bz = jnp.where(sel, cz, bz)
        d = (X - cx) ** 2 + (Y - cy) ** 2 + (Z - cz) ** 2
        dist = jnp.minimum(dist, d)
        m = jnp.max(dist, axis=1, keepdims=True)
        oh = (dist == m).astype(jnp.float32)
        return dist, oh, bx, by, bz

    dist = jnp.full((B, N), 1.0e10, dtype=jnp.float32)
    oh = oh0
    zf = jnp.zeros((B, 128), jnp.float32)
    for o in range(S // 128):
        dist, oh, bx, by, bz = lax.fori_loop(
            0, 128, body, (dist, oh, zf, zf, zf))
        cx_ref[:, o * 128:(o + 1) * 128] = bx
        cy_ref[:, o * 128:(o + 1) * 128] = by
        cz_ref[:, o * 128:(o + 1) * 128] = bz


def _fps_call(xyz3, init):
    return pl.pallas_call(
        _fps_body,
        out_shape=(
            jax.ShapeDtypeStruct((B, S), jnp.float32),
            jax.ShapeDtypeStruct((B, S), jnp.float32),
            jax.ShapeDtypeStruct((B, S), jnp.float32),
        ),
    )(init, xyz3)



_QT = 256


def _knn_body(x_ref, q_ref, idx_ref):
    X = x_ref[0, 0:1, :]
    Y = x_ref[0, 1:2, :]
    Z = x_ref[0, 2:3, :]
    qx = q_ref[0, :, 0:1]
    qy = q_ref[0, :, 1:2]
    qz = q_ref[0, :, 2:3]
    vals = (qx - X) ** 2 + (qy - Y) ** 2 + (qz - Z) ** 2
    lanes = lax.broadcasted_iota(jnp.int32, (_QT, N), 1)
    l16 = lax.broadcasted_iota(jnp.int32, (_QT, KNN), 1)
    out = jnp.zeros((_QT, KNN), dtype=jnp.int32)
    for k in range(KNN):
        m = jnp.min(vals, axis=1, keepdims=True)
        eqm = vals == m
        am = jnp.min(jnp.where(eqm, lanes, N), axis=1, keepdims=True)
        out = jnp.where(l16 == k, am, out)
        vals = jnp.where(eqm, _BIG, vals)
    idx_ref[0] = out


def _knn_call(xyz3, new_xyz):
    return pl.pallas_call(
        _knn_body,
        grid=(B, S // _QT),
        in_specs=[
            pl.BlockSpec((1, 3, N), lambda b, s: (b, 0, 0)),
            pl.BlockSpec((1, _QT, 3), lambda b, s: (b, s, 0)),
        ],
        out_specs=pl.BlockSpec((1, _QT, KNN), lambda b, s: (b, s, 0)),
        out_shape=jax.ShapeDtypeStruct((B, S, KNN), jnp.int32),
    )(xyz3, new_xyz)



_NW = 32
_RPW = ROWS // _NW
_CH = 128
_NCH = _RPW // _CH


def _gather_body(feat_hbm, xt_hbm, yt_hbm, zt_hbm, idx_hbm, gfeat_hbm, gxyzf_hbm,
                 idx_a, idx_b, frows_a, frows_b, xrows_v, xt_v, yt_v, zt_v,
                 sem_a, sem_b):
    wid = lax.axis_index("s") * 2 + lax.axis_index("c")
    base = wid * _RPW
    half = (wid % 2) * (4 * N)
    pltpu.sync_copy(xt_hbm.at[pl.ds(half, 4 * N)], xt_v)
    pltpu.sync_copy(yt_hbm.at[pl.ds(half, 4 * N)], yt_v)
    pltpu.sync_copy(zt_hbm.at[pl.ds(half, 4 * N)], zt_v)

    zeros16 = jnp.zeros((16,), jnp.float32)

    def zinit(j, carry):
        xrows_v[pl.ds(j * 16, 16)] = zeros16
        return carry

    lax.fori_loop(0, _CH * 16 // 16, zinit, 0)

    def xyz_block(idxbuf, off):
        for j in range(_CH // 16):
            iv = idxbuf[pl.ds(j * 16, 16)] - half
            pos = (lax.iota(jnp.int32, 16) + j * 16) * 16
            for ci, tv in ((0, xt_v), (1, yt_v), (2, zt_v)):
                vals = plsc.load_gather(tv, [iv])
                plsc.store_scatter(xrows_v, [pos + ci], vals)
        pltpu.sync_copy(xrows_v, gxyzf_hbm.at[pl.ds(off * 16, _CH * 16)])

    pltpu.sync_copy(idx_hbm.at[pl.ds(base, _CH)], idx_a)
    pltpu.async_copy(feat_hbm.at[idx_a], frows_a, sem_a)

    def pair(c2, carry):
        off_e = base + (2 * c2) * _CH
        off_o = off_e + _CH
        pltpu.sync_copy(idx_hbm.at[pl.ds(off_o, _CH)], idx_b)
        pltpu.async_copy(feat_hbm.at[idx_b], frows_b, sem_b)
        xyz_block(idx_a, off_e)
        pltpu.make_async_copy(feat_hbm.at[idx_a], frows_a, sem_a).wait()
        pltpu.sync_copy(frows_a, gfeat_hbm.at[pl.ds(off_e, _CH)])

        @pl.when(c2 < _NCH // 2 - 1)
        def _():
            pltpu.sync_copy(idx_hbm.at[pl.ds(off_o + _CH, _CH)], idx_a)
            pltpu.async_copy(feat_hbm.at[idx_a], frows_a, sem_a)

        xyz_block(idx_b, off_o)
        pltpu.make_async_copy(feat_hbm.at[idx_b], frows_b, sem_b).wait()
        pltpu.sync_copy(frows_b, gfeat_hbm.at[pl.ds(off_o, _CH)])
        return carry

    lax.fori_loop(0, _NCH // 2, pair, 0)


@functools.lru_cache(maxsize=None)
def _make_gather():
    return pl.kernel(
        _gather_body,
        out_type=(
            jax.ShapeDtypeStruct((ROWS, CIN), jnp.float32),
            jax.ShapeDtypeStruct((ROWS * 16,), jnp.float32),
        ),
        mesh=plsc.VectorSubcoreMesh(core_axis_name="c", subcore_axis_name="s"),
        compiler_params=pltpu.CompilerParams(needs_layout_passes=False),
        scratch_types=[
            pltpu.VMEM((_CH,), jnp.int32),
            pltpu.VMEM((_CH,), jnp.int32),
            pltpu.VMEM((_CH, CIN), jnp.float32),
            pltpu.VMEM((_CH, CIN), jnp.float32),
            pltpu.VMEM((_CH * 16,), jnp.float32),
            pltpu.VMEM((4 * N,), jnp.float32),
            pltpu.VMEM((4 * N,), jnp.float32),
            pltpu.VMEM((4 * N,), jnp.float32),
            pltpu.SemaphoreType.DMA,
            pltpu.SemaphoreType.DMA,
        ],
    )


def _gather_call(feat_flat, xt, yt, zt, idx_flat):
    gfeat, gxyzf = _make_gather()(feat_flat, xt, yt, zt, idx_flat)
    return gfeat, gxyzf.reshape(ROWS, 16)



_RT = 2048


def _matmul_ext(gf, gx, qx, w_ref):
    y = jnp.dot(gf, w_ref[0:CIN, :], preferred_element_type=jnp.float32)
    y += jnp.dot(gx, w_ref[CIN:CIN + 16, :], preferred_element_type=jnp.float32)
    y += jnp.dot(qx, w_ref[CIN + 16:CIN + 32, :], preferred_element_type=jnp.float32)
    return y


def _mlp1_body(gf_ref, gx_ref, qx_ref, w_ref, s_ref, ss_ref):
    i = pl.program_id(0)
    y = _matmul_ext(gf_ref[...], gx_ref[...], qx_ref[...], w_ref)

    @pl.when(i == 0)
    def _():
        s_ref[...] = jnp.zeros_like(s_ref)
        ss_ref[...] = jnp.zeros_like(ss_ref)

    s_ref[...] += jnp.sum(y, axis=0, keepdims=True)
    ss_ref[...] += jnp.sum(y * y, axis=0, keepdims=True)


_GT = B * S // _RT


def _mlp1_call(gfeat, gxyz, qexp, wext):
    return pl.pallas_call(
        _mlp1_body,
        grid=(ROWS // _RT,),
        in_specs=[
            pl.BlockSpec((_RT, CIN), lambda i: (i, 0)),
            pl.BlockSpec((_RT, 16), lambda i: (i, 0)),
            pl.BlockSpec((_RT, 16), lambda i: (i % _GT, 0)),
            pl.BlockSpec((CIN + 32, COUT), lambda i: (0, 0)),
        ],
        out_specs=(
            pl.BlockSpec((1, COUT), lambda i: (0, 0)),
            pl.BlockSpec((1, COUT), lambda i: (0, 0)),
        ),
        out_shape=(
            jax.ShapeDtypeStruct((1, COUT), jnp.float32),
            jax.ShapeDtypeStruct((1, COUT), jnp.float32),
        ),
    )(gfeat, gxyz, qexp, wext)


def _mlp2_body(gf_ref, gx_ref, qx_ref, w_ref, w2_ref, sc_ref, sh_ref,
               s_ref, ss_ref):
    i = pl.program_id(0)
    y = _matmul_ext(gf_ref[...], gx_ref[...], qx_ref[...], w_ref)
    h = jnp.maximum(y * sc_ref[...] + sh_ref[...], 0.0)
    y2 = jnp.dot(h, w2_ref[...], preferred_element_type=jnp.float32)

    @pl.when(i == 0)
    def _():
        s_ref[...] = jnp.zeros_like(s_ref)
        ss_ref[...] = jnp.zeros_like(ss_ref)

    s_ref[...] += jnp.sum(y2, axis=0, keepdims=True)
    ss_ref[...] += jnp.sum(y2 * y2, axis=0, keepdims=True)


def _mlp2_call(gfeat, gxyz, qexp, wext, w2t, sc1, sh1):
    return pl.pallas_call(
        _mlp2_body,
        grid=(ROWS // _RT,),
        in_specs=[
            pl.BlockSpec((_RT, CIN), lambda i: (i, 0)),
            pl.BlockSpec((_RT, 16), lambda i: (i, 0)),
            pl.BlockSpec((_RT, 16), lambda i: (i % _GT, 0)),
            pl.BlockSpec((CIN + 32, COUT), lambda i: (0, 0)),
            pl.BlockSpec((COUT, COUT), lambda i: (0, 0)),
            pl.BlockSpec((1, COUT), lambda i: (0, 0)),
            pl.BlockSpec((1, COUT), lambda i: (0, 0)),
        ],
        out_specs=(
            pl.BlockSpec((1, COUT), lambda i: (0, 0)),
            pl.BlockSpec((1, COUT), lambda i: (0, 0)),
        ),
        out_shape=(
            jax.ShapeDtypeStruct((1, COUT), jnp.float32),
            jax.ShapeDtypeStruct((1, COUT), jnp.float32),
        ),
    )(gfeat, gxyz, qexp, wext, w2t, sc1, sh1)


def _mlp3_body(gf_ref, gx_ref, qx_ref, w_ref, w2_ref, sc1_ref, sh1_ref,
               sc2_ref, sh2_ref, o_ref):
    k = pl.program_id(1)
    y = _matmul_ext(gf_ref[...], gx_ref[...], qx_ref[...], w_ref)
    h = jnp.maximum(y * sc1_ref[...] + sh1_ref[...], 0.0)
    y2 = jnp.dot(h, w2_ref[...], preferred_element_type=jnp.float32)
    z = jnp.maximum(y2 * sc2_ref[...] + sh2_ref[...], 0.0)

    @pl.when(k == 0)
    def _():
        o_ref[...] = z

    @pl.when(k > 0)
    def _():
        o_ref[...] = jnp.maximum(o_ref[...], z)


def _mlp3_call(gfeat, gxyz, qexp, wext, w2t, sc1, sh1, sc2, sh2):
    return pl.pallas_call(
        _mlp3_body,
        grid=(_GT, KNN),
        in_specs=[
            pl.BlockSpec((_RT, CIN), lambda g, k: (k * _GT + g, 0)),
            pl.BlockSpec((_RT, 16), lambda g, k: (k * _GT + g, 0)),
            pl.BlockSpec((_RT, 16), lambda g, k: (g, 0)),
            pl.BlockSpec((CIN + 32, COUT), lambda g, k: (0, 0)),
            pl.BlockSpec((COUT, COUT), lambda g, k: (0, 0)),
            pl.BlockSpec((1, COUT), lambda g, k: (0, 0)),
            pl.BlockSpec((1, COUT), lambda g, k: (0, 0)),
            pl.BlockSpec((1, COUT), lambda g, k: (0, 0)),
            pl.BlockSpec((1, COUT), lambda g, k: (0, 0)),
        ],
        out_specs=pl.BlockSpec((_RT, COUT), lambda g, k: (g, 0)),
        out_shape=jax.ShapeDtypeStruct((B * S, COUT), jnp.float32),
    )(gfeat, gxyz, qexp, wext, w2t, sc1, sh1, sc2, sh2)



def kernel(xyz, feat, W1, g1, b1, W2, g2, b2):
    xyz3 = jnp.transpose(xyz, (0, 2, 1))
    far0 = jax.random.randint(jax.random.key(1), (B,), 0, N, dtype=jnp.int32)
    init = jnp.broadcast_to(far0[:, None], (B, 128))

    cxs, cys, czs = _fps_call(xyz3, init)
    new_xyz = jnp.stack([cxs, cys, czs], axis=-1)

    idx = _knn_call(xyz3, new_xyz)

    idx_km = jnp.transpose(idx, (2, 0, 1))
    idx_flat = (idx_km + (jnp.arange(B, dtype=jnp.int32) * N)[None, :, None])
    idx_flat = idx_flat.reshape(ROWS).astype(jnp.int32)

    feat_flat = feat.reshape(B * N, CIN)
    xt = xyz[:, :, 0].reshape(B * N)
    yt = xyz[:, :, 1].reshape(B * N)
    zt = xyz[:, :, 2].reshape(B * N)
    gfeat, gxyz = _gather_call(feat_flat, xt, yt, zt, idx_flat)

    qexp = jnp.pad(new_xyz, ((0, 0), (0, 0), (0, 13))).reshape(B * S, 16)

    w1t = W1.T
    zpad = jnp.zeros((13, COUT), dtype=jnp.float32)
    wext = jnp.concatenate(
        [w1t[:CIN], w1t[CIN:], zpad, -w1t[CIN:], zpad], axis=0)

    s1, ss1 = _mlp1_call(gfeat, gxyz, qexp, wext)
    n = jnp.float32(ROWS)
    m1 = s1 / n
    v1 = ss1 / n - m1 * m1
    sc1 = g1[None, :] * lax.rsqrt(v1 + 1e-5)
    sh1 = b1[None, :] - m1 * sc1

    s2, ss2 = _mlp2_call(gfeat, gxyz, qexp, wext, W2.T, sc1, sh1)
    m2 = s2 / n
    v2 = ss2 / n - m2 * m2
    sc2 = g2[None, :] * lax.rsqrt(v2 + 1e-5)
    sh2 = b2[None, :] - m2 * sc2

    nf = _mlp3_call(gfeat, gxyz, qexp, wext, W2.T, sc1, sh1, sc2, sh2)
    return new_xyz, nf.reshape(B, S, COUT)

# --- scband reference (transcript-rebuilt; emitter-appended) ---
"""Pipeline reference for scband-transition-down-24988119728693 (READ-ONLY COPY).

The authoritative reference and input builder live on the scoring server;
editing this copy changes nothing except your own understanding.
"""

import jax, jax.numpy as jnp
import numpy as np

NPOINT = 1024
K = 16
C_IN = 128
C_OUT = 256


def setup_inputs(seed: int = 0):
    key = jax.random.key(seed)
    k1, k2, k3, k4 = jax.random.split(key, 4)
    xyz = jax.random.uniform(k1, (8, 4096, 3), dtype=jnp.float32)
    feat = jax.random.normal(k2, (8, 4096, 128), dtype=jnp.float32)
    W1 = jax.random.normal(k3, (C_OUT, C_IN + 3), dtype=jnp.float32) * 0.05
    W2 = jax.random.normal(k4, (C_OUT, C_OUT), dtype=jnp.float32) * 0.05
    g1 = jnp.ones((C_OUT,), dtype=jnp.float32)
    b1 = jnp.zeros((C_OUT,), dtype=jnp.float32)
    g2 = jnp.ones((C_OUT,), dtype=jnp.float32)
    b2 = jnp.zeros((C_OUT,), dtype=jnp.float32)
    return {"xyz": xyz, "feat": feat, "W1": W1, "g1": g1, "b1": b1, "W2": W2, "g2": g2, "b2": b2}


def farthest_point_sample(xyz, npoint):
    B, N, _ = xyz.shape
    batch_idx = jnp.arange(B)
    farthest = jax.random.randint(jax.random.key(1), (B,), 0, N, dtype=jnp.int32)
    distance = jnp.full((B, N), 1e10, dtype=jnp.float32)
    centroids = jnp.zeros((B, npoint), dtype=jnp.int32)

    def body(i, state):
        centroids, distance, farthest = state
        centroids = centroids.at[:, i].set(farthest)
        centroid = xyz[batch_idx, farthest][:, None, :]  # [B,1,3]
        dist = jnp.sum((xyz - centroid) ** 2, axis=-1)
        distance = jnp.minimum(distance, dist)
        farthest = jnp.argmax(distance, axis=-1).astype(jnp.int32)
        return centroids, distance, farthest

    centroids, _, _ = jax.lax.fori_loop(0, npoint, body, (centroids, distance, farthest))
    return centroids


def index_points(points, idx):
    # points: [B, N, C]; idx: [B, ...] -> [B, ..., C]
    return jax.vmap(lambda p, i: p[i])(points, idx)


def bn_relu(x, g, b):
    # training-mode batchnorm over all dims except channel (last)
    m = jnp.mean(x, axis=(0, 1, 2), keepdims=True)
    v = jnp.var(x, axis=(0, 1, 2), keepdims=True)
    xh = (x - m) / jnp.sqrt(v + 1e-5)
    return jax.nn.relu(g * xh + b)


def reference(xyz, feat, W1, g1, b1, W2, g2, b2):
    fps_idx = farthest_point_sample(xyz, NPOINT)          # [B, S]
    new_xyz = index_points(xyz, fps_idx)                  # [B, S, 3]
    dist = jnp.sum((new_xyz[:, :, None, :] - xyz[:, None, :, :]) ** 2, axis=-1)  # [B,S,N]
    _, idx = jax.lax.top_k(-dist, K)                      # [B, S, K] smallest distances
    grouped_xyz = index_points(xyz, idx)                  # [B, S, K, 3]
    grouped_feat = index_points(feat, idx)                # [B, S, K, C]
    rel_xyz = grouped_xyz - new_xyz[:, :, None, :]
    x = jnp.concatenate([grouped_feat, rel_xyz], axis=-1)  # [B, S, K, C+3]
    x = x @ W1.T
    x = bn_relu(x, g1, b1)
    x = x @ W2.T
    x = bn_relu(x, g2, b2)
    new_feat = jnp.max(x, axis=2)                         # max over K -> [B, S, C_out]
    return new_xyz, new_feat

if __name__ == "__main__":
    import jax
    _d = setup_inputs()
    print(jax.jit(kernel)(*tuple(_d.values())))

</pallas_src>

<mosaic_0001>
#map = affine_map<(d0, d1) -> (0, 0)>
#map1 = affine_map<(d0, d1) -> (0)>
module attributes {stable_mosaic.version = 14 : i64} {
  func.func @_gather_body(%arg0: i32, %arg1: i32, %arg2: memref<32768x128xf32, #tpu.memory_space<hbm>>, %arg3: memref<32768xf32, #tpu.memory_space<hbm>>, %arg4: memref<32768xf32, #tpu.memory_space<hbm>>, %arg5: memref<32768xf32, #tpu.memory_space<hbm>>, %arg6: memref<131072xi32, #tpu.memory_space<hbm>>, %arg7: memref<131072x128xf32, #tpu.memory_space<hbm>>, %arg8: memref<2097152xf32, #tpu.memory_space<hbm>>, %arg9: memref<128xi32, #tpu.memory_space<vmem>>, %arg10: memref<128xi32, #tpu.memory_space<vmem>>, %arg11: memref<128x128xf32, #tpu.memory_space<vmem>>, %arg12: memref<128x128xf32, #tpu.memory_space<vmem>>, %arg13: memref<2048xf32, #tpu.memory_space<vmem>>, %arg14: memref<16384xf32, #tpu.memory_space<vmem>>, %arg15: memref<16384xf32, #tpu.memory_space<vmem>>, %arg16: memref<16384xf32, #tpu.memory_space<vmem>>, %arg17: memref<!tpu.dma_semaphore, #tpu.memory_space<semaphore_mem>>, %arg18: memref<!tpu.dma_semaphore, #tpu.memory_space<semaphore_mem>>) attributes {dimension_semantics = [#tpu.dimension_semantics<core_parallel>, #tpu.dimension_semantics<subcore_parallel>], iteration_bounds = array<i64: 2, 16>, scalar_prefetch = 0 : i64, scratch_operands = 10 : i64, tpu.core_type = #tpu.core_type<sc_vector_subcore>, window_params = [{transform_indices = #map}, {transform_indices = #map1}, {transform_indices = #map1}, {transform_indices = #map1}, {transform_indices = #map1}, {transform_indices = #map}, {transform_indices = #map1}]} {
    %mul3A = arith.constant 2 : i32
    %mul3A_0 = arith.muli %arg1, %mul3A : i32
    %add3A = arith.addi %mul3A_0, %arg0 : i32
    %mul3A_1 = arith.constant 4096 : i32
    %mul3A_2 = arith.muli %add3A, %mul3A_1 : i32
    %jit3A = arith.constant 2 : i32
    %eq3A = arith.constant 0 : i32
    %eq3A_3 = arith.cmpi eq, %jit3A, %eq3A : i32
    %jit3A_4 = arith.constant 1 : i32
    %select_n3A = arith.select %eq3A_3, %jit3A_4, %jit3A : i32
    %rem3A = arith.remsi %add3A, %select_n3A : i32
    %ne3A = arith.constant 0 : i32
    %ne3A_5 = arith.cmpi ne, %rem3A, %ne3A : i32
    %lt3A = arith.constant 0 : i32
    %lt3A_6 = arith.cmpi slt, %rem3A, %lt3A : i32
    %lt3A_7 = arith.constant 0 : i32
    %lt3A_8 = arith.cmpi slt, %select_n3A, %lt3A_7 : i32
    %ne3A_9 = arith.xori %lt3A_6, %lt3A_8 : i1
    %and3A = arith.andi %ne3A_9, %ne3A_5 : i1
    %add3A_10 = arith.addi %rem3A, %select_n3A : i32
    %select_n3A_11 = arith.select %and3A, %add3A_10, %rem3A : i32
    %mul3A_12 = arith.constant 16384 : i32
    %mul3A_13 = arith.muli %select_n3A_11, %mul3A_12 : i32
    "tpu.region"() ({
      %run_scoped3A = tpu.sem_alloc : memref<!tpu.dma_semaphore, #tpu.memory_space<semaphore_mem>>
      %dma_start3A_28 = tpu.memref_slice %arg3[%mul3A_13] : memref<32768xf32, #tpu.memory_space<hbm>> -> memref<16384xf32, #tpu.memory_space<hbm>>
      %dma_start3A_29 = tpu.memref_slice %arg3[%mul3A_13] : memref<32768xf32, #tpu.memory_space<hbm>> -> memref<16384xf32, #tpu.memory_space<hbm>>
      tpu.enqueue_dma source(%dma_start3A_29 : memref<16384xf32, #tpu.memory_space<hbm>>) target(%arg14 : memref<16384xf32, #tpu.memory_space<vmem>>) target_semaphore(%run_scoped3A : memref<!tpu.dma_semaphore, #tpu.memory_space<semaphore_mem>>)
      %dma_wait3A = tpu.memref_slice %arg3[%mul3A_13] : memref<32768xf32, #tpu.memory_space<hbm>> -> memref<16384xf32, #tpu.memory_space<hbm>>
      %dma_wait3A_30 = tpu.memref_slice %arg3[%mul3A_13] : memref<32768xf32, #tpu.memory_space<hbm>> -> memref<16384xf32, #tpu.memory_space<hbm>>
      tpu.wait_dma2 semaphore(%run_scoped3A : memref<!tpu.dma_semaphore, #tpu.memory_space<semaphore_mem>>) src(%dma_wait3A_30 : memref<16384xf32, #tpu.memory_space<hbm>>) dst(%arg14 : memref<16384xf32, #tpu.memory_space<vmem>>)
      tpu.yield
    }) : () -> ()
    "tpu.region"() ({
      %run_scoped3A = tpu.sem_alloc : memref<!tpu.dma_semaphore, #tpu.memory_space<semaphore_mem>>
      %dma_start3A_28 = tpu.memref_slice %arg4[%mul3A_13] : memref<32768xf32, #tpu.memory_space<hbm>> -> memref<16384xf32, #tpu.memory_space<hbm>>
      %dma_start3A_29 = tpu.memref_slice %arg4[%mul3A_13] : memref<32768xf32, #tpu.memory_space<hbm>> -> memref<16384xf32, #tpu.memory_space<hbm>>
      tpu.enqueue_dma source(%dma_start3A_29 : memref<16384xf32, #tpu.memory_space<hbm>>) target(%arg15 : memref<16384xf32, #tpu.memory_space<vmem>>) target_semaphore(%run_scoped3A : memref<!tpu.dma_semaphore, #tpu.memory_space<semaphore_mem>>)
      %dma_wait3A = tpu.memref_slice %arg4[%mul3A_13] : memref<32768xf32, #tpu.memory_space<hbm>> -> memref<16384xf32, #tpu.memory_space<hbm>>
      %dma_wait3A_30 = tpu.memref_slice %arg4[%mul3A_13] : memref<32768xf32, #tpu.memory_space<hbm>> -> memref<16384xf32, #tpu.memory_space<hbm>>
      tpu.wait_dma2 semaphore(%run_scoped3A : memref<!tpu.dma_semaphore, #tpu.memory_space<semaphore_mem>>) src(%dma_wait3A_30 : memref<16384xf32, #tpu.memory_space<hbm>>) dst(%arg15 : memref<16384xf32, #tpu.memory_space<vmem>>)
      tpu.yield
    }) : () -> ()
    "tpu.region"() ({
      %run_scoped3A = tpu.sem_alloc : memref<!tpu.dma_semaphore, #tpu.memory_space<semaphore_mem>>
      %dma_start3A_28 = tpu.memref_slice %arg5[%mul3A_13] : memref<32768xf32, #tpu.memory_space<hbm>> -> memref<16384xf32, #tpu.memory_space<hbm>>
      %dma_start3A_29 = tpu.memref_slice %arg5[%mul3A_13] : memref<32768xf32, #tpu.memory_space<hbm>> -> memref<16384xf32, #tpu.memory_space<hbm>>
      tpu.enqueue_dma source(%dma_start3A_29 : memref<16384xf32, #tpu.memory_space<hbm>>) target(%arg16 : memref<16384xf32, #tpu.memory_space<vmem>>) target_semaphore(%run_scoped3A : memref<!tpu.dma_semaphore, #tpu.memory_space<semaphore_mem>>)
      %dma_wait3A = tpu.memref_slice %arg5[%mul3A_13] : memref<32768xf32, #tpu.memory_space<hbm>> -> memref<16384xf32, #tpu.memory_space<hbm>>
      %dma_wait3A_30 = tpu.memref_slice %arg5[%mul3A_13] : memref<32768xf32, #tpu.memory_space<hbm>> -> memref<16384xf32, #tpu.memory_space<hbm>>
      tpu.wait_dma2 semaphore(%run_scoped3A : memref<!tpu.dma_semaphore, #tpu.memory_space<semaphore_mem>>) src(%dma_wait3A_30 : memref<16384xf32, #tpu.memory_space<hbm>>) dst(%arg16 : memref<16384xf32, #tpu.memory_space<vmem>>)
      tpu.yield
    }) : () -> ()
    %broadcast_in_dim3A = arith.constant 0.000000e+00 : f32
    %broadcast_in_dim3A_14 = vector.broadcast %broadcast_in_dim3A : f32 to vector<16xf32>
    %scan3A = arith.constant 0 : i32
    %scan3A_15 = arith.constant 0 : i32
    %scan3A_16 = arith.constant 128 : i32
    %scan3A_17 = arith.addi %scan3A_15, %scan3A_16 : i32
    %scan3A_18 = arith.constant 1 : i32
    scf.for %scan3A_28 = %scan3A_15 to %scan3A_17 step %scan3A_18  : i32 {
      %mul3A_29 = arith.constant 16 : i32
      %mul3A_30 = arith.muli %scan3A_28, %mul3A_29 : i32
      %swap3A = arith.index_cast %mul3A_30 : i32 to index
      %swap3A_31 = tpu.vector_load %arg13[%swap3A] {strides = array<i32>} : memref<2048xf32, #tpu.memory_space<vmem>>, vector<16xf32>,
      tpu.vector_store %arg13[%swap3A], %broadcast_in_dim3A_14 {strides = array<i32>} : memref<2048xf32, #tpu.memory_space<vmem>>, vector<16xf32>,
    }
    %scan3A_19 = arith.constant 128 : i32
    "tpu.region"() ({
      %run_scoped3A = tpu.sem_alloc : memref<!tpu.dma_semaphore, #tpu.memory_space<semaphore_mem>>
      %dma_start3A_28 = tpu.memref_slice %arg6[%mul3A_2] : memref<131072xi32, #tpu.memory_space<hbm>> -> memref<128xi32, #tpu.memory_space<hbm>>
      %dma_start3A_29 = tpu.memref_slice %arg6[%mul3A_2] : memref<131072xi32, #tpu.memory_space<hbm>> -> memref<128xi32, #tpu.memory_space<hbm>>
      tpu.enqueue_dma source(%dma_start3A_29 : memref<128xi32, #tpu.memory_space<hbm>>) target(%arg9 : memref<128xi32, #tpu.memory_space<vmem>>) target_semaphore(%run_scoped3A : memref<!tpu.dma_semaphore, #tpu.memory_space<semaphore_mem>>)
      %dma_wait3A = tpu.memref_slice %arg6[%mul3A_2] : memref<131072xi32, #tpu.memory_space<hbm>> -> memref<128xi32, #tpu.memory_space<hbm>>
      %dma_wait3A_30 = tpu.memref_slice %arg6[%mul3A_2] : memref<131072xi32, #tpu.memory_space<hbm>> -> memref<128xi32, #tpu.memory_space<hbm>>
      tpu.wait_dma2 semaphore(%run_scoped3A : memref<!tpu.dma_semaphore, #tpu.memory_space<semaphore_mem>>) src(%dma_wait3A_30 : memref<128xi32, #tpu.memory_space<hbm>>) dst(%arg9 : memref<128xi32, #tpu.memory_space<vmem>>)
      tpu.yield
    }) : () -> ()
    %dma_start3A = arith.constant 0 : i32
    %dma_start3A_20 = arith.constant 0 : i32
    %dma_start3A_21 = tpu.memref_slice %arg2[%dma_start3A, %dma_start3A_20] : memref<32768x128xf32, #tpu.memory_space<hbm>> -> memref<32768x128xf32, #tpu.memory_space<hbm>>
    tpu.enqueue_indirect_dma source(%dma_start3A_21 : memref<32768x128xf32, #tpu.memory_space<hbm>>) target(%arg11 : memref<128x128xf32, #tpu.memory_space<vmem>>) offsets(%arg9 : memref<128xi32, #tpu.memory_space<vmem>>) semaphore(%arg17 : memref<!tpu.dma_semaphore, #tpu.memory_space<semaphore_mem>>)
    %scan3A_22 = arith.constant 0 : i32
    %scan3A_23 = arith.constant 0 : i32
    %scan3A_24 = arith.constant 16 : i32
    %scan3A_25 = arith.addi %scan3A_23, %scan3A_24 : i32
    %scan3A_26 = arith.constant 1 : i32
    scf.for %scan3A_28 = %scan3A_23 to %scan3A_25 step %scan3A_26  : i32 {
      %mul3A_29 = arith.constant 2 : i32
      %mul3A_30 = arith.muli %mul3A_29, %scan3A_28 : i32
      %mul3A_31 = arith.constant 128 : i32
      %mul3A_32 = arith.muli %mul3A_30, %mul3A_31 : i32
      %add3A_33 = arith.addi %mul3A_2, %mul3A_32 : i32
      %add3A_34 = arith.constant 128 : i32
      %add3A_35 = arith.addi %add3A_33, %add3A_34 : i32
      "tpu.region"() ({
        %run_scoped3A = tpu.sem_alloc : memref<!tpu.dma_semaphore, #tpu.memory_space<semaphore_mem>>
        %dma_start3A_415 = tpu.memref_slice %arg6[%add3A_35] : memref<131072xi32, #tpu.memory_space<hbm>> -> memref<128xi32, #tpu.memory_space<hbm>>
        %dma_start3A_416 = tpu.memref_slice %arg6[%add3A_35] : memref<131072xi32, #tpu.memory_space<hbm>> -> memref<128xi32, #tpu.memory_space<hbm>>
        tpu.enqueue_dma source(%dma_start3A_416 : memref<128xi32, #tpu.memory_space<hbm>>) target(%arg10 : memref<128xi32, #tpu.memory_space<vmem>>) target_semaphore(%run_scoped3A : memref<!tpu.dma_semaphore, #tpu.memory_space<semaphore_mem>>)
        %dma_wait3A_417 = tpu.memref_slice %arg6[%add3A_35] : memref<131072xi32, #tpu.memory_space<hbm>> -> memref<128xi32, #tpu.memory_space<hbm>>
        %dma_wait3A_418 = tpu.memref_slice %arg6[%add3A_35] : memref<131072xi32, #tpu.memory_space<hbm>> -> memref<128xi32, #tpu.memory_space<hbm>>
        tpu.wait_dma2 semaphore(%run_scoped3A : memref<!tpu.dma_semaphore, #tpu.memory_space<semaphore_mem>>) src(%dma_wait3A_418 : memref<128xi32, #tpu.memory_space<hbm>>) dst(%arg10 : memref<128xi32, #tpu.memory_space<vmem>>)
        tpu.yield
      }) : () -> ()
      %dma_start3A_36 = arith.constant 0 : i32
      %dma_start3A_37 = arith.constant 0 : i32
      %dma_start3A_38 = tpu.memref_slice %arg2[%dma_start3A_36, %dma_start3A_37] : memref<32768x128xf32, #tpu.memory_space<hbm>> -> memref<32768x128xf32, #tpu.memory_space<hbm>>
      tpu.enqueue_indirect_dma source(%dma_start3A_38 : memref<32768x128xf32, #tpu.memory_space<hbm>>) target(%arg12 : memref<128x128xf32, #tpu.memory_space<vmem>>) offsets(%arg10 : memref<128xi32, #tpu.memory_space<vmem>>) semaphore(%arg18 : memref<!tpu.dma_semaphore, #tpu.memory_space<semaphore_mem>>)
      %get3A = arith.constant 0 : index
      %get3A_39 = tpu.vector_load %arg9[%get3A] {strides = array<i32>} : memref<128xi32, #tpu.memory_space<vmem>>, vector<16xi32>,
      %sub3A = vector.broadcast %mul3A_13 : i32 to vector<16xi32>
      %sub3A_40 = arith.subi %get3A_39, %sub3A : vector<16xi32>
      %iota3A = tpu.iota {dimensions = array<i32: 0>} : vector<16xi32>
      %add3A_41 = arith.constant 0 : i32
      %add3A_42 = vector.broadcast %add3A_41 : i32 to vector<16xi32>
      %add3A_43 = arith.addi %iota3A, %add3A_42 : vector<16xi32>
      %mul3A_44 = arith.constant 16 : i32
      %mul3A_45 = vector.broadcast %mul3A_44 : i32 to vector<16xi32>
      %mul3A_46 = arith.muli %add3A_43, %mul3A_45 : vector<16xi32>
      %gather3A = tpu.vector_load_idx %arg14[%sub3A_40] : memref<16384xf32, #tpu.memory_space<vmem>>[vector<16xi32>], vector<16xf32>,
      %add3A_47 = arith.constant 0 : i32
      %add3A_48 = vector.broadcast %add3A_47 : i32 to vector<16xi32>
      %add3A_49 = arith.addi %mul3A_46, %add3A_48 : vector<16xi32>
      tpu.vector_store_idx %arg13[%add3A_49], %gather3A : memref<2048xf32, #tpu.memory_space<vmem>>[vector<16xi32>], vector<16xf32>,
      %gather3A_50 = tpu.vector_load_idx %arg15[%sub3A_40] : memref<16384xf32, #tpu.memory_space<vmem>>[vector<16xi32>], vector<16xf32>,
      %add3A_51 = arith.constant 1 : i32
      %add3A_52 = vector.broadcast %add3A_51 : i32 to vector<16xi32>
      %add3A_53 = arith.addi %mul3A_46, %add3A_52 : vector<16xi32>
      tpu.vector_store_idx %arg13[%add3A_53], %gather3A_50 : memref<2048xf32, #tpu.memory_space<vmem>>[vector<16xi32>], vector<16xf32>,
      %gather3A_54 = tpu.vector_load_idx %arg16[%sub3A_40] : memref<16384xf32, #tpu.memory_space<vmem>>[vector<16xi32>], vector<16xf32>,
      %add3A_55 = arith.constant 2 : i32
      %add3A_56 = vector.broadcast %add3A_55 : i32 to vector<16xi32>
      %add3A_57 = arith.addi %mul3A_46, %add3A_56 : vector<16xi32>
      tpu.vector_store_idx %arg13[%add3A_57], %gather3A_54 : memref<2048xf32, #tpu.memory_space<vmem>>[vector<16xi32>], vector<16xf32>,
      %get3A_58 = arith.constant 16 : index
      %get3A_59 = tpu.vector_load %arg9[%get3A_58] {strides = array<i32>} : memref<128xi32, #tpu.memory_space<vmem>>, vector<16xi32>,
      %sub3A_60 = vector.broadcast %mul3A_13 : i32 to vector<16xi32>
      %sub3A_61 = arith.subi %get3A_59, %sub3A_60 : vector<16xi32>
      %iota3A_62 = tpu.iota {dimensions = array<i32: 0>} : vector<16xi32>
      %add3A_63 = arith.constant 16 : i32
      %add3A_64 = vector.broadcast %add3A_63 : i32 to vector<16xi32>
      %add3A_65 = arith.addi %iota3A_62, %add3A_64 : vector<16xi32>
      %mul3A_66 = arith.constant 16 : i32
      %mul3A_67 = vector.broadcast %mul3A_66 : i32 to vector<16xi32>
      %mul3A_68 = arith.muli %add3A_65, %mul3A_67 : vector<16xi32>
      %gather3A_69 = tpu.vector_load_idx %arg14[%sub3A_61] : memref<16384xf32, #tpu.memory_space<vmem>>[vector<16xi32>], vector<16xf32>,
      %add3A_70 = arith.constant 0 : i32
      %add3A_71 = vector.broadcast %add3A_70 : i32 to vector<16xi32>
      %add3A_72 = arith.addi %mul3A_68, %add3A_71 : vector<16xi32>
      tpu.vector_store_idx %arg13[%add3A_72], %gather3A_69 : memref<2048xf32, #tpu.memory_space<vmem>>[vector<16xi32>], vector<16xf32>,
      %gather3A_73 = tpu.vector_load_idx %arg15[%sub3A_61] : memref<16384xf32, #tpu.memory_space<vmem>>[vector<16xi32>], vector<16xf32>,
      %add3A_74 = arith.constant 1 : i32
      %add3A_75 = vector.broadcast %add3A_74 : i32 to vector<16xi32>
      %add3A_76 = arith.addi %mul3A_68, %add3A_75 : vector<16xi32>
      tpu.vector_store_idx %arg13[%add3A_76], %gather3A_73 : memref<2048xf32, #tpu.memory_space<vmem>>[vector<16xi32>], vector<16xf32>,
      %gather3A_77 = tpu.vector_load_idx %arg16[%sub3A_61] : memref<16384xf32, #tpu.memory_space<vmem>>[vector<16xi32>], vector<16xf32>,
      %add3A_78 = arith.constant 2 : i32
      %add3A_79 = vector.broadcast %add3A_78 : i32 to vector<16xi32>
      %add3A_80 = arith.addi %mul3A_68, %add3A_79 : vector<16xi32>
      tpu.vector_store_idx %arg13[%add3A_80], %gather3A_77 : memref<2048xf32, #tpu.memory_space<vmem>>[vector<16xi32>], vector<16xf32>,
      %get3A_81 = arith.constant 32 : index
      %get3A_82 = tpu.vector_load %arg9[%get3A_81] {strides = array<i32>} : memref<128xi32, #tpu.memory_space<vmem>>, vector<16xi32>,
      %sub3A_83 = vector.broadcast %mul3A_13 : i32 to vector<16xi32>
      %sub3A_84 = arith.subi %get3A_82, %sub3A_83 : vector<16xi32>
      %iota3A_85 = tpu.iota {dimensions = array<i32: 0>} : vector<16xi32>
      %add3A_86 = arith.constant 32 : i32
      %add3A_87 = vector.broadcast %add3A_86 : i32 to vector<16xi32>
      %add3A_88 = arith.addi %iota3A_85, %add3A_87 : vector<16xi32>
      %mul3A_89 = arith.constant 16 : i32
      %mul3A_90 = vector.broadcast %mul3A_89 : i32 to vector<16xi32>
      %mul3A_91 = arith.muli %add3A_88, %mul3A_90 : vector<16xi32>
      %gather3A_92 = tpu.vector_load_idx %arg14[%sub3A_84] : memref<16384xf32, #tpu.memory_space<vmem>>[vector<16xi32>], vector<16xf32>,
      %add3A_93 = arith.constant 0 : i32
      %add3A_94 = vector.broadcast %add3A_93 : i32 to vector<16xi32>
      %add3A_95 = arith.addi %mul3A_91, %add3A_94 : vector<16xi32>
      tpu.vector_store_idx %arg13[%add3A_95], %gather3A_92 : memref<2048xf32, #tpu.memory_space<vmem>>[vector<16xi32>], vector<16xf32>,
      %gather3A_96 = tpu.vector_load_idx %arg15[%sub3A_84] : memref<16384xf32, #tpu.memory_space<vmem>>[vector<16xi32>], vector<16xf32>,
      %add3A_97 = arith.constant 1 : i32
      %add3A_98 = vector.broadcast %add3A_97 : i32 to vector<16xi32>
      %add3A_99 = arith.addi %mul3A_91, %add3A_98 : vector<16xi32>
      tpu.vector_store_idx %arg13[%add3A_99], %gather3A_96 : memref<2048xf32, #tpu.memory_space<vmem>>[vector<16xi32>], vector<16xf32>,
      %gather3A_100 = tpu.vector_load_idx %arg16[%sub3A_84] : memref<16384xf32, #tpu.memory_space<vmem>>[vector<16xi32>], vector<16xf32>,
      %add3A_101 = arith.constant 2 : i32
      %add3A_102 = vector.broadcast %add3A_101 : i32 to vector<16xi32>
      %add3A_103 = arith.addi %mul3A_91, %add3A_102 : vector<16xi32>
      tpu.vector_store_idx %arg13[%add3A_103], %gather3A_100 : memref<2048xf32, #tpu.memory_space<vmem>>[vector<16xi32>], vector<16xf32>,
      %get3A_104 = arith.constant 48 : index
      %get3A_105 = tpu.vector_load %arg9[%get3A_104] {strides = array<i32>} : memref<128xi32, #tpu.memory_space<vmem>>, vector<16xi32>,
      %sub3A_106 = vector.broadcast %mul3A_13 : i32 to vector<16xi32>
      %sub3A_107 = arith.subi %get3A_105, %sub3A_106 : vector<16xi32>
      %iota3A_108 = tpu.iota {dimensions = array<i32: 0>} : vector<16xi32>
      %add3A_109 = arith.constant 48 : i32
      %add3A_110 = vector.broadcast %add3A_109 : i32 to vector<16xi32>
      %add3A_111 = arith.addi %iota3A_108, %add3A_110 : vector<16xi32>
      %mul3A_112 = arith.constant 16 : i32
      %mul3A_113 = vector.broadcast %mul3A_112 : i32 to vector<16xi32>
      %mul3A_114 = arith.muli %add3A_111, %mul3A_113 : vector<16xi32>
      %gather3A_115 = tpu.vector_load_idx %arg14[%sub3A_107] : memref<16384xf32, #tpu.memory_space<vmem>>[vector<16xi32>], vector<16xf32>,
      %add3A_116 = arith.constant 0 : i32
      %add3A_117 = vector.broadcast %add3A_116 : i32 to vector<16xi32>
      %add3A_118 = arith.addi %mul3A_114, %add3A_117 : vector<16xi32>
      tpu.vector_store_idx %arg13[%add3A_118], %gather3A_115 : memref<2048xf32, #tpu.memory_space<vmem>>[vector<16xi32>], vector<16xf32>,
      %gather3A_119 = tpu.vector_load_idx %arg15[%sub3A_107] : memref<16384xf32, #tpu.memory_space<vmem>>[vector<16xi32>], vector<16xf32>,
      %add3A_120 = arith.constant 1 : i32
      %add3A_121 = vector.broadcast %add3A_120 : i32 to vector<16xi32>
      %add3A_122 = arith.addi %mul3A_114, %add3A_121 : vector<16xi32>
      tpu.vector_store_idx %arg13[%add3A_122], %gather3A_119 : memref<2048xf32, #tpu.memory_space<vmem>>[vector<16xi32>], vector<16xf32>,
      %gather3A_123 = tpu.vector_load_idx %arg16[%sub3A_107] : memref<16384xf32, #tpu.memory_space<vmem>>[vector<16xi32>], vector<16xf32>,
      %add3A_124 = arith.constant 2 : i32
      %add3A_125 = vector.broadcast %add3A_124 : i32 to vector<16xi32>
      %add3A_126 = arith.addi %mul3A_114, %add3A_125 : vector<16xi32>
      tpu.vector_store_idx %arg13[%add3A_126], %gather3A_123 : memref<2048xf32, #tpu.memory_space<vmem>>[vector<16xi32>], vector<16xf32>,
      %get3A_127 = arith.constant 64 : index
      %get3A_128 = tpu.vector_load %arg9[%get3A_127] {strides = array<i32>} : memref<128xi32, #tpu.memory_space<vmem>>, vector<16xi32>,
      %sub3A_129 = vector.broadcast %mul3A_13 : i32 to vector<16xi32>
      %sub3A_130 = arith.subi %get3A_128, %sub3A_129 : vector<16xi32>
      %iota3A_131 = tpu.iota {dimensions = array<i32: 0>} : vector<16xi32>
      %add3A_132 = arith.constant 64 : i32
      %add3A_133 = vector.broadcast %add3A_132 : i32 to vector<16xi32>
      %add3A_134 = arith.addi %iota3A_131, %add3A_133 : vector<16xi32>
      %mul3A_135 = arith.constant 16 : i32
      %mul3A_136 = vector.broadcast %mul3A_135 : i32 to vector<16xi32>
      %mul3A_137 = arith.muli %add3A_134, %mul3A_136 : vector<16xi32>
      %gather3A_138 = tpu.vector_load_idx %arg14[%sub3A_130] : memref<16384xf32, #tpu.memory_space<vmem>>[vector<16xi32>], vector<16xf32>,
      %add3A_139 = arith.constant 0 : i32
      %add3A_140 = vector.broadcast %add3A_139 : i32 to vector<16xi32>
      %add3A_141 = arith.addi %mul3A_137, %add3A_140 : vector<16xi32>
      tpu.vector_store_idx %arg13[%add3A_141], %gather3A_138 : memref<2048xf32, #tpu.memory_space<vmem>>[vector<16xi32>], vector<16xf32>,
      %gather3A_142 = tpu.vector_load_idx %arg15[%sub3A_130] : memref<16384xf32, #tpu.memory_space<vmem>>[vector<16xi32>], vector<16xf32>,
      %add3A_143 = arith.constant 1 : i32
      %add3A_144 = vector.broadcast %add3A_143 : i32 to vector<16xi32>
      %add3A_145 = arith.addi %mul3A_137, %add3A_144 : vector<16xi32>
      tpu.vector_store_idx %arg13[%add3A_145], %gather3A_142 : memref<2048xf32, #tpu.memory_space<vmem>>[vector<16xi32>], vector<16xf32>,
      %gather3A_146 = tpu.vector_load_idx %arg16[%sub3A_130] : memref<16384xf32, #tpu.memory_space<vmem>>[vector<16xi32>], vector<16xf32>,
      %add3A_147 = arith.constant 2 : i32
      %add3A_148 = vector.broadcast %add3A_147 : i32 to vector<16xi32>
      %add3A_149 = arith.addi %mul3A_137, %add3A_148 : vector<16xi32>
      tpu.vector_store_idx %arg13[%add3A_149], %gather3A_146 : memref<2048xf32, #tpu.memory_space<vmem>>[vector<16xi32>], vector<16xf32>,
      %get3A_150 = arith.constant 80 : index
      %get3A_151 = tpu.vector_load %arg9[%get3A_150] {strides = array<i32>} : memref<128xi32, #tpu.memory_space<vmem>>, vector<16xi32>,
      %sub3A_152 = vector.broadcast %mul3A_13 : i32 to vector<16xi32>
      %sub3A_153 = arith.subi %get3A_151, %sub3A_152 : vector<16xi32>
      %iota3A_154 = tpu.iota {dimensions = array<i32: 0>} : vector<16xi32>
      %add3A_155 = arith.constant 80 : i32
      %add3A_156 = vector.broadcast %add3A_155 : i32 to vector<16xi32>
      %add3A_157 = arith.addi %iota3A_154, %add3A_156 : vector<16xi32>
      %mul3A_158 = arith.constant 16 : i32
      %mul3A_159 = vector.broadcast %mul3A_158 : i32 to vector<16xi32>
      %mul3A_160 = arith.muli %add3A_157, %mul3A_159 : vector<16xi32>
      %gather3A_161 = tpu.vector_load_idx %arg14[%sub3A_153] : memref<16384xf32, #tpu.memory_space<vmem>>[vector<16xi32>], vector<16xf32>,
      %add3A_162 = arith.constant 0 : i32
      %add3A_163 = vector.broadcast %add3A_162 : i32 to vector<16xi32>
      %add3A_164 = arith.addi %mul3A_160, %add3A_163 : vector<16xi32>
      tpu.vector_store_idx %arg13[%add3A_164], %gather3A_161 : memref<2048xf32, #tpu.memory_space<vmem>>[vector<16xi32>], vector<16xf32>,
      %gather3A_165 = tpu.vector_load_idx %arg15[%sub3A_153] : memref<16384xf32, #tpu.memory_space<vmem>>[vector<16xi32>], vector<16xf32>,
      %add3A_166 = arith.constant 1 : i32
      %add3A_167 = vector.broadcast %add3A_166 : i32 to vector<16xi32>
      %add3A_168 = arith.addi %mul3A_160, %add3A_167 : vector<16xi32>
      tpu.vector_store_idx %arg13[%add3A_168], %gather3A_165 : memref<2048xf32, #tpu.memory_space<vmem>>[vector<16xi32>], vector<16xf32>,
      %gather3A_169 = tpu.vector_load_idx %arg16[%sub3A_153] : memref<16384xf32, #tpu.memory_space<vmem>>[vector<16xi32>], vector<16xf32>,
      %add3A_170 = arith.constant 2 : i32
      %add3A_171 = vector.broadcast %add3A_170 : i32 to vector<16xi32>
      %add3A_172 = arith.addi %mul3A_160, %add3A_171 : vector<16xi32>
      tpu.vector_store_idx %arg13[%add3A_172], %gather3A_169 : memref<2048xf32, #tpu.memory_space<vmem>>[vector<16xi32>], vector<16xf32>,
      %get3A_173 = arith.constant 96 : index
      %get3A_174 = tpu.vector_load %arg9[%get3A_173] {strides = array<i32>} : memref<128xi32, #tpu.memory_space<vmem>>, vector<16xi32>,
      %sub3A_175 = vector.broadcast %mul3A_13 : i32 to vector<16xi32>
      %sub3A_176 = arith.subi %get3A_174, %sub3A_175 : vector<16xi32>
      %iota3A_177 = tpu.iota {dimensions = array<i32: 0>} : vector<16xi32>
      %add3A_178 = arith.constant 96 : i32
      %add3A_179 = vector.broadcast %add3A_178 : i32 to vector<16xi32>
      %add3A_180 = arith.addi %iota3A_177, %add3A_179 : vector<16xi32>
      %mul3A_181 = arith.constant 16 : i32
      %mul3A_182 = vector.broadcast %mul3A_181 : i32 to vector<16xi32>
      %mul3A_183 = arith.muli %add3A_180, %mul3A_182 : vector<16xi32>
      %gather3A_184 = tpu.vector_load_idx %arg14[%sub3A_176] : memref<16384xf32, #tpu.memory_space<vmem>>[vector<16xi32>], vector<16xf32>,
      %add3A_185 = arith.constant 0 : i32
      %add3A_186 = vector.broadcast %add3A_185 : i32 to vector<16xi32>
      %add3A_187 = arith.addi %mul3A_183, %add3A_186 : vector<16xi32>
      tpu.vector_store_idx %arg13[%add3A_187], %gather3A_184 : memref<2048xf32, #tpu.memory_space<vmem>>[vector<16xi32>], vector<16xf32>,
      %gather3A_188 = tpu.vector_load_idx %arg15[%sub3A_176] : memref<16384xf32, #tpu.memory_space<vmem>>[vector<16xi32>], vector<16xf32>,
      %add3A_189 = arith.constant 1 : i32
      %add3A_190 = vector.broadcast %add3A_189 : i32 to vector<16xi32>
      %add3A_191 = arith.addi %mul3A_183, %add3A_190 : vector<16xi32>
      tpu.vector_store_idx %arg13[%add3A_191], %gather3A_188 : memref<2048xf32, #tpu.memory_space<vmem>>[vector<16xi32>], vector<16xf32>,
      %gather3A_192 = tpu.vector_load_idx %arg16[%sub3A_176] : memref<16384xf32, #tpu.memory_space<vmem>>[vector<16xi32>], vector<16xf32>,
      %add3A_193 = arith.constant 2 : i32
      %add3A_194 = vector.broadcast %add3A_193 : i32 to vector<16xi32>
      %add3A_195 = arith.addi %mul3A_183, %add3A_194 : vector<16xi32>
      tpu.vector_store_idx %arg13[%add3A_195], %gather3A_192 : memref<2048xf32, #tpu.memory_space<vmem>>[vector<16xi32>], vector<16xf32>,
      %get3A_196 = arith.constant 112 : index
      %get3A_197 = tpu.vector_load %arg9[%get3A_196] {strides = array<i32>} : memref<128xi32, #tpu.memory_space<vmem>>, vector<16xi32>,
      %sub3A_198 = vector.broadcast %mul3A_13 : i32 to vector<16xi32>
      %sub3A_199 = arith.subi %get3A_197, %sub3A_198 : vector<16xi32>
      %iota3A_200 = tpu.iota {dimensions = array<i32: 0>} : vector<16xi32>
      %add3A_201 = arith.constant 112 : i32
      %add3A_202 = vector.broadcast %add3A_201 : i32 to vector<16xi32>
      %add3A_203 = arith.addi %iota3A_200, %add3A_202 : vector<16xi32>
      %mul3A_204 = arith.constant 16 : i32
      %mul3A_205 = vector.broadcast %mul3A_204 : i32 to vector<16xi32>
      %mul3A_206 = arith.muli %add3A_203, %mul3A_205 : vector<16xi32>
      %gather3A_207 = tpu.vector_load_idx %arg14[%sub3A_199] : memref<16384xf32, #tpu.memory_space<vmem>>[vector<16xi32>], vector<16xf32>,
      %add3A_208 = arith.constant 0 : i32
      %add3A_209 = vector.broadcast %add3A_208 : i32 to vector<16xi32>
      %add3A_210 = arith.addi %mul3A_206, %add3A_209 : vector<16xi32>
      tpu.vector_store_idx %arg13[%add3A_210], %gather3A_207 : memref<2048xf32, #tpu.memory_space<vmem>>[vector<16xi32>], vector<16xf32>,
      %gather3A_211 = tpu.vector_load_idx %arg15[%sub3A_199] : memref<16384xf32, #tpu.memory_space<vmem>>[vector<16xi32>], vector<16xf32>,
      %add3A_212 = arith.constant 1 : i32
      %add3A_213 = vector.broadcast %add3A_212 : i32 to vector<16xi32>
      %add3A_214 = arith.addi %mul3A_206, %add3A_213 : vector<16xi32>
      tpu.vector_store_idx %arg13[%add3A_214], %gather3A_211 : memref<2048xf32, #tpu.memory_space<vmem>>[vector<16xi32>], vector<16xf32>,
      %gather3A_215 = tpu.vector_load_idx %arg16[%sub3A_199] : memref<16384xf32, #tpu.memory_space<vmem>>[vector<16xi32>], vector<16xf32>,
      %add3A_216 = arith.constant 2 : i32
      %add3A_217 = vector.broadcast %add3A_216 : i32 to vector<16xi32>
      %add3A_218 = arith.addi %mul3A_206, %add3A_217 : vector<16xi32>
      tpu.vector_store_idx %arg13[%add3A_218], %gather3A_215 : memref<2048xf32, #tpu.memory_space<vmem>>[vector<16xi32>], vector<16xf32>,
      %mul3A_219 = arith.constant 16 : i32
      %mul3A_220 = arith.muli %add3A_33, %mul3A_219 : i32
      "tpu.region"() ({
        %run_scoped3A = tpu.sem_alloc : memref<!tpu.dma_semaphore, #tpu.memory_space<semaphore_mem>>
        %dma_start3A_415 = tpu.memref_slice %arg8[%mul3A_220] : memref<2097152xf32, #tpu.memory_space<hbm>> -> memref<2048xf32, #tpu.memory_space<hbm>>
        %dma_start3A_416 = tpu.memref_slice %arg8[%mul3A_220] : memref<2097152xf32, #tpu.memory_space<hbm>> -> memref<2048xf32, #tpu.memory_space<hbm>>
        tpu.enqueue_dma source(%arg13 : memref<2048xf32, #tpu.memory_space<vmem>>) target(%dma_start3A_416 : memref<2048xf32, #tpu.memory_space<hbm>>) target_semaphore(%run_scoped3A : memref<!tpu.dma_semaphore, #tpu.memory_space<semaphore_mem>>)
        %dma_wait3A_417 = tpu.memref_slice %arg8[%mul3A_220] : memref<2097152xf32, #tpu.memory_space<hbm>> -> memref<2048xf32, #tpu.memory_space<hbm>>
        %dma_wait3A_418 = tpu.memref_slice %arg8[%mul3A_220] : memref<2097152xf32, #tpu.memory_space<hbm>> -> memref<2048xf32, #tpu.memory_space<hbm>>
        tpu.wait_dma2 semaphore(%run_scoped3A : memref<!tpu.dma_semaphore, #tpu.memory_space<semaphore_mem>>) src(%arg13 : memref<2048xf32, #tpu.memory_space<vmem>>) dst(%dma_wait3A_418 : memref<2048xf32, #tpu.memory_space<hbm>>)
        tpu.yield
      }) : () -> ()
      %dma_wait3A = arith.constant 0 : i32
      %dma_wait3A_221 = arith.constant 0 : i32
      %dma_wait3A_222 = tpu.memref_slice %arg2[%dma_wait3A, %dma_wait3A_221] : memref<32768x128xf32, #tpu.memory_space<hbm>> -> memref<32768x128xf32, #tpu.memory_space<hbm>>
      tpu.wait_indirect_dma semaphore(%arg17 : memref<!tpu.dma_semaphore, #tpu.memory_space<semaphore_mem>>) src(%dma_wait3A_222 : memref<32768x128xf32, #tpu.memory_space<hbm>>) dst(%arg11 : memref<128x128xf32, #tpu.memory_space<vmem>>)
      "tpu.region"() ({
        %run_scoped3A = tpu.sem_alloc : memref<!tpu.dma_semaphore, #tpu.memory_space<semaphore_mem>>
        %dma_start3A_415 = arith.constant 0 : i32
        %dma_start3A_416 = tpu.memref_slice %arg7[%add3A_33, %dma_start3A_415] : memref<131072x128xf32, #tpu.memory_space<hbm>> -> memref<128x128xf32, #tpu.memory_space<hbm>>
        %dma_start3A_417 = arith.constant 0 : i32
        %dma_start3A_418 = tpu.memref_slice %arg7[%add3A_33, %dma_start3A_417] : memref<131072x128xf32, #tpu.memory_space<hbm>> -> memref<128x128xf32, #tpu.memory_space<hbm>>
        tpu.enqueue_dma source(%arg11 : memref<128x128xf32, #tpu.memory_space<vmem>>) target(%dma_start3A_418 : memref<128x128xf32, #tpu.memory_space<hbm>>) target_semaphore(%run_scoped3A : memref<!tpu.dma_semaphore, #tpu.memory_space<semaphore_mem>>)
        %dma_wait3A_419 = arith.constant 0 : i32
        %dma_wait3A_420 = tpu.memref_slice %arg7[%add3A_33, %dma_wait3A_419] : memref<131072x128xf32, #tpu.memory_space<hbm>> -> memref<128x128xf32, #tpu.memory_space<hbm>>
        %dma_wait3A_421 = arith.constant 0 : i32
        %dma_wait3A_422 = tpu.memref_slice %arg7[%add3A_33, %dma_wait3A_421] : memref<131072x128xf32, #tpu.memory_space<hbm>> -> memref<128x128xf32, #tpu.memory_space<hbm>>
        tpu.wait_dma2 semaphore(%run_scoped3A : memref<!tpu.dma_semaphore, #tpu.memory_space<semaphore_mem>>) src(%arg11 : memref<128x128xf32, #tpu.memory_space<vmem>>) dst(%dma_wait3A_422 : memref<128x128xf32, #tpu.memory_space<hbm>>)
        tpu.yield
      }) : () -> ()
      %lt3A_223 = arith.constant 15 : i32
      %lt3A_224 = arith.cmpi slt, %scan3A_28, %lt3A_223 : i32
      %convert_element_type3A = arith.extui %lt3A_224 : i1 to i32
      %cond3A = arith.constant 0 : i32
      %cond3A_225 = arith.cmpi ne, %convert_element_type3A, %cond3A : i32
      scf.if %cond3A_225 {
        %add3A_415 = arith.constant 128 : i32
        %add3A_416 = arith.addi %add3A_35, %add3A_415 : i32
        "tpu.region"() ({
          %run_scoped3A = tpu.sem_alloc : memref<!tpu.dma_semaphore, #tpu.memory_space<semaphore_mem>>
          %dma_start3A_420 = tpu.memref_slice %arg6[%add3A_416] : memref<131072xi32, #tpu.memory_space<hbm>> -> memref<128xi32, #tpu.memory_space<hbm>>
          %dma_start3A_421 = tpu.memref_slice %arg6[%add3A_416] : memref<131072xi32, #tpu.memory_space<hbm>> -> memref<128xi32, #tpu.memory_space<hbm>>
          tpu.enqueue_dma source(%dma_start3A_421 : memref<128xi32, #tpu.memory_space<hbm>>) target(%arg9 : memref<128xi32, #tpu.memory_space<vmem>>) target_semaphore(%run_scoped3A : memref<!tpu.dma_semaphore, #tpu.memory_space<semaphore_mem>>)
          %dma_wait3A_422 = tpu.memref_slice %arg6[%add3A_416] : memref<131072xi32, #tpu.memory_space<hbm>> -> memref<128xi32, #tpu.memory_space<hbm>>
          %dma_wait3A_423 = tpu.memref_slice %arg6[%add3A_416] : memref<131072xi32, #tpu.memory_space<hbm>> -> memref<128xi32, #tpu.memory_space<hbm>>
          tpu.wait_dma2 semaphore(%run_scoped3A : memref<!tpu.dma_semaphore, #tpu.memory_space<semaphore_mem>>) src(%dma_wait3A_423 : memref<128xi32, #tpu.memory_space<hbm>>) dst(%arg9 : memref<128xi32, #tpu.memory_space<vmem>>)
          tpu.yield
        }) : () -> ()
        %dma_start3A_417 = arith.constant 0 : i32
        %dma_start3A_418 = arith.constant 0 : i32
        %dma_start3A_419 = tpu.memref_slice %arg2[%dma_start3A_417, %dma_start3A_418] : memref<32768x128xf32, #tpu.memory_space<hbm>> -> memref<32768x128xf32, #tpu.memory_space<hbm>>
        tpu.enqueue_indirect_dma source(%dma_start3A_419 : memref<32768x128xf32, #tpu.memory_space<hbm>>) target(%arg11 : memref<128x128xf32, #tpu.memory_space<vmem>>) offsets(%arg9 : memref<128xi32, #tpu.memory_space<vmem>>) semaphore(%arg17 : memref<!tpu.dma_semaphore, #tpu.memory_space<semaphore_mem>>)
      } else {
      }
      %get3A_226 = arith.constant 0 : index
      %get3A_227 = tpu.vector_load %arg10[%get3A_226] {strides = array<i32>} : memref<128xi32, #tpu.memory_space<vmem>>, vector<16xi32>,
      %sub3A_228 = vector.broadcast %mul3A_13 : i32 to vector<16xi32>
      %sub3A_229 = arith.subi %get3A_227, %sub3A_228 : vector<16xi32>
      %iota3A_230 = tpu.iota {dimensions = array<i32: 0>} : vector<16xi32>
      %add3A_231 = arith.constant 0 : i32
      %add3A_232 = vector.broadcast %add3A_231 : i32 to vector<16xi32>
      %add3A_233 = arith.addi %iota3A_230, %add3A_232 : vector<16xi32>
      %mul3A_234 = arith.constant 16 : i32
      %mul3A_235 = vector.broadcast %mul3A_234 : i32 to vector<16xi32>
      %mul3A_236 = arith.muli %add3A_233, %mul3A_235 : vector<16xi32>
      %gather3A_237 = tpu.vector_load_idx %arg14[%sub3A_229] : memref<16384xf32, #tpu.memory_space<vmem>>[vector<16xi32>], vector<16xf32>,
      %add3A_238 = arith.constant 0 : i32
      %add3A_239 = vector.broadcast %add3A_238 : i32 to vector<16xi32>
      %add3A_240 = arith.addi %mul3A_236, %add3A_239 : vector<16xi32>
      tpu.vector_store_idx %arg13[%add3A_240], %gather3A_237 : memref<2048xf32, #tpu.memory_space<vmem>>[vector<16xi32>], vector<16xf32>,
      %gather3A_241 = tpu.vector_load_idx %arg15[%sub3A_229] : memref<16384xf32, #tpu.memory_space<vmem>>[vector<16xi32>], vector<16xf32>,
      %add3A_242 = arith.constant 1 : i32
      %add3A_243 = vector.broadcast %add3A_242 : i32 to vector<16xi32>
      %add3A_244 = arith.addi %mul3A_236, %add3A_243 : vector<16xi32>
      tpu.vector_store_idx %arg13[%add3A_244], %gather3A_241 : memref<2048xf32, #tpu.memory_space<vmem>>[vector<16xi32>], vector<16xf32>,
      %gather3A_245 = tpu.vector_load_idx %arg16[%sub3A_229] : memref<16384xf32, #tpu.memory_space<vmem>>[vector<16xi32>], vector<16xf32>,
      %add3A_246 = arith.constant 2 : i32
      %add3A_247 = vector.broadcast %add3A_246 : i32 to vector<16xi32>
      %add3A_248 = arith.addi %mul3A_236, %add3A_247 : vector<16xi32>
      tpu.vector_store_idx %arg13[%add3A_248], %gather3A_245 : memref<2048xf32, #tpu.memory_space<vmem>>[vector<16xi32>], vector<16xf32>,
      %get3A_249 = arith.constant 16 : index
      %get3A_250 = tpu.vector_load %arg10[%get3A_249] {strides = array<i32>} : memref<128xi32, #tpu.memory_space<vmem>>, vector<16xi32>,
      %sub3A_251 = vector.broadcast %mul3A_13 : i32 to vector<16xi32>
      %sub3A_252 = arith.subi %get3A_250, %sub3A_251 : vector<16xi32>
      %iota3A_253 = tpu.iota {dimensions = array<i32: 0>} : vector<16xi32>
      %add3A_254 = arith.constant 16 : i32
      %add3A_255 = vector.broadcast %add3A_254 : i32 to vector<16xi32>
      %add3A_256 = arith.addi %iota3A_253, %add3A_255 : vector<16xi32>
      %mul3A_257 = arith.constant 16 : i32
      %mul3A_258 = vector.broadcast %mul3A_257 : i32 to vector<16xi32>
      %mul3A_259 = arith.muli %add3A_256, %mul3A_258 : vector<16xi32>
      %gather3A_260 = tpu.vector_load_idx %arg14[%sub3A_252] : memref<16384xf32, #tpu.memory_space<vmem>>[vector<16xi32>], vector<16xf32>,
      %add3A_261 = arith.constant 0 : i32
      %add3A_262 = vector.broadcast %add3A_261 : i32 to vector<16xi32>
      %add3A_263 = arith.addi %mul3A_259, %add3A_262 : vector<16xi32>
      tpu.vector_store_idx %arg13[%add3A_263], %gather3A_260 : memref<2048xf32, #tpu.memory_space<vmem>>[vector<16xi32>], vector<16xf32>,
      %gather3A_264 = tpu.vector_load_idx %arg15[%sub3A_252] : memref<16384xf32, #tpu.memory_space<vmem>>[vector<16xi32>], vector<16xf32>,
      %add3A_265 = arith.constant 1 : i32
      %add3A_266 = vector.broadcast %add3A_265 : i32 to vector<16xi32>
      %add3A_267 = arith.addi %mul3A_259, %add3A_266 : vector<16xi32>
      tpu.vector_store_idx %arg13[%add3A_267], %gather3A_264 : memref<2048xf32, #tpu.memory_space<vmem>>[vector<16xi32>], vector<16xf32>,
      %gather3A_268 = tpu.vector_load_idx %arg16[%sub3A_252] : memref<16384xf32, #tpu.memory_space<vmem>>[vector<16xi32>], vector<16xf32>,
      %add3A_269 = arith.constant 2 : i32
      %add3A_270 = vector.broadcast %add3A_269 : i32 to vector<16xi32>
      %add3A_271 = arith.addi %mul3A_259, %add3A_270 : vector<16xi32>
      tpu.vector_store_idx %arg13[%add3A_271], %gather3A_268 : memref<2048xf32, #tpu.memory_space<vmem>>[vector<16xi32>], vector<16xf32>,
      %get3A_272 = arith.constant 32 : index
      %get3A_273 = tpu.vector_load %arg10[%get3A_272] {strides = array<i32>} : memref<128xi32, #tpu.memory_space<vmem>>, vector<16xi32>,
      %sub3A_274 = vector.broadcast %mul3A_13 : i32 to vector<16xi32>
      %sub3A_275 = arith.subi %get3A_273, %sub3A_274 : vector<16xi32>
      %iota3A_276 = tpu.iota {dimensions = array<i32: 0>} : vector<16xi32>
      %add3A_277 = arith.constant 32 : i32
      %add3A_278 = vector.broadcast %add3A_277 : i32 to vector<16xi32>
      %add3A_279 = arith.addi %iota3A_276, %add3A_278 : vector<16xi32>
      %mul3A_280 = arith.constant 16 : i32
      %mul3A_281 = vector.broadcast %mul3A_280 : i32 to vector<16xi32>
      %mul3A_282 = arith.muli %add3A_279, %mul3A_281 : vector<16xi32>
      %gather3A_283 = tpu.vector_load_idx %arg14[%sub3A_275] : memref<16384xf32, #tpu.memory_space<vmem>>[vector<16xi32>], vector<16xf32>,
      %add3A_284 = arith.constant 0 : i32
      %add3A_285 = vector.broadcast %add3A_284 : i32 to vector<16xi32>
      %add3A_286 = arith.addi %mul3A_282, %add3A_285 : vector<16xi32>
      tpu.vector_store_idx %arg13[%add3A_286], %gather3A_283 : memref<2048xf32, #tpu.memory_space<vmem>>[vector<16xi32>], vector<16xf32>,
      %gather3A_287 = tpu.vector_load_idx %arg15[%sub3A_275] : memref<16384xf32, #tpu.memory_space<vmem>>[vector<16xi32>], vector<16xf32>,
      %add3A_288 = arith.constant 1 : i32
      %add3A_289 = vector.broadcast %add3A_288 : i32 to vector<16xi32>
      %add3A_290 = arith.addi %mul3A_282, %add3A_289 : vector<16xi32>
      tpu.vector_store_idx %arg13[%add3A_290], %gather3A_287 : memref<2048xf32, #tpu.memory_space<vmem>>[vector<16xi32>], vector<16xf32>,
      %gather3A_291 = tpu.vector_load_idx %arg16[%sub3A_275] : memref<16384xf32, #tpu.memory_space<vmem>>[vector<16xi32>], vector<16xf32>,
      %add3A_292 = arith.constant 2 : i32
      %add3A_293 = vector.broadcast %add3A_292 : i32 to vector<16xi32>
      %add3A_294 = arith.addi %mul3A_282, %add3A_293 : vector<16xi32>
      tpu.vector_store_idx %arg13[%add3A_294], %gather3A_291 : memref<2048xf32, #tpu.memory_space<vmem>>[vector<16xi32>], vector<16xf32>,
      %get3A_295 = arith.constant 48 : index
      %get3A_296 = tpu.vector_load %arg10[%get3A_295] {strides = array<i32>} : memref<128xi32, #tpu.memory_space<vmem>>, vector<16xi32>,
      %sub3A_297 = vector.broadcast %mul3A_13 : i32 to vector<16xi32>
      %sub3A_298 = arith.subi %get3A_296, %sub3A_297 : vector<16xi32>
      %iota3A_299 = tpu.iota {dimensions = array<i32: 0>} : vector<16xi32>
      %add3A_300 = arith.constant 48 : i32
      %add3A_301 = vector.broadcast %add3A_300 : i32 to vector<16xi32>
      %add3A_302 = arith.addi %iota3A_299, %add3A_301 : vector<16xi32>
      %mul3A_303 = arith.constant 16 : i32
      %mul3A_304 = vector.broadcast %mul3A_303 : i32 to vector<16xi32>
      %mul3A_305 = arith.muli %add3A_302, %mul3A_304 : vector<16xi32>
      %gather3A_306 = tpu.vector_load_idx %arg14[%sub3A_298] : memref<16384xf32, #tpu.memory_space<vmem>>[vector<16xi32>], vector<16xf32>,
      %add3A_307 = arith.constant 0 : i32
      %add3A_308 = vector.broadcast %add3A_307 : i32 to vector<16xi32>
      %add3A_309 = arith.addi %mul3A_305, %add3A_308 : vector<16xi32>
      tpu.vector_store_idx %arg13[%add3A_309], %gather3A_306 : memref<2048xf32, #tpu.memory_space<vmem>>[vector<16xi32>], vector<16xf32>,
      %gather3A_310 = tpu.vector_load_idx %arg15[%sub3A_298] : memref<16384xf32, #tpu.memory_space<vmem>>[vector<16xi32>], vector<16xf32>,
      %add3A_311 = arith.constant 1 : i32
      %add3A_312 = vector.broadcast %add3A_311 : i32 to vector<16xi32>
      %add3A_313 = arith.addi %mul3A_305, %add3A_312 : vector<16xi32>
      tpu.vector_store_idx %arg13[%add3A_313], %gather3A_310 : memref<2048xf32, #tpu.memory_space<vmem>>[vector<16xi32>], vector<16xf32>,
      %gather3A_314 = tpu.vector_load_idx %arg16[%sub3A_298] : memref<16384xf32, #tpu.memory_space<vmem>>[vector<16xi32>], vector<16xf32>,
      %add3A_315 = arith.constant 2 : i32
      %add3A_316 = vector.broadcast %add3A_315 : i32 to vector<16xi32>
      %add3A_317 = arith.addi %mul3A_305, %add3A_316 : vector<16xi32>
      tpu.vector_store_idx %arg13[%add3A_317], %gather3A_314 : memref<2048xf32, #tpu.memory_space<vmem>>[vector<16xi32>], vector<16xf32>,
      %get3A_318 = arith.constant 64 : index
      %get3A_319 = tpu.vector_load %arg10[%get3A_318] {strides = array<i32>} : memref<128xi32, #tpu.memory_space<vmem>>, vector<16xi32>,
      %sub3A_320 = vector.broadcast %mul3A_13 : i32 to vector<16xi32>
      %sub3A_321 = arith.subi %get3A_319, %sub3A_320 : vector<16xi32>
      %iota3A_322 = tpu.iota {dimensions = array<i32: 0>} : vector<16xi32>
      %add3A_323 = arith.constant 64 : i32
      %add3A_324 = vector.broadcast %add3A_323 : i32 to vector<16xi32>
      %add3A_325 = arith.addi %iota3A_322, %add3A_324 : vector<16xi32>
      %mul3A_326 = arith.constant 16 : i32
      %mul3A_327 = vector.broadcast %mul3A_326 : i32 to vector<16xi32>
      %mul3A_328 = arith.muli %add3A_325, %mul3A_327 : vector<16xi32>
      %gather3A_329 = tpu.vector_load_idx %arg14[%sub3A_321] : memref<16384xf32, #tpu.memory_space<vmem>>[vector<16xi32>], vector<16xf32>,
      %add3A_330 = arith.constant 0 : i32
      %add3A_331 = vector.broadcast %add3A_330 : i32 to vector<16xi32>
      %add3A_332 = arith.addi %mul3A_328, %add3A_331 : vector<16xi32>
      tpu.vector_store_idx %arg13[%add3A_332], %gather3A_329 : memref<2048xf32, #tpu.memory_space<vmem>>[vector<16xi32>], vector<16xf32>,
      %gather3A_333 = tpu.vector_load_idx %arg15[%sub3A_321] : memref<16384xf32, #tpu.memory_space<vmem>>[vector<16xi32>], vector<16xf32>,
      %add3A_334 = arith.constant 1 : i32
      %add3A_335 = vector.broadcast %add3A_334 : i32 to vector<16xi32>
      %add3A_336 = arith.addi %mul3A_328, %add3A_335 : vector<16xi32>
      tpu.vector_store_idx %arg13[%add3A_336], %gather3A_333 : memref<2048xf32, #tpu.memory_space<vmem>>[vector<16xi32>], vector<16xf32>,
      %gather3A_337 = tpu.vector_load_idx %arg16[%sub3A_321] : memref<16384xf32, #tpu.memory_space<vmem>>[vector<16xi32>], vector<16xf32>,
      %add3A_338 = arith.constant 2 : i32
      %add3A_339 = vector.broadcast %add3A_338 : i32 to vector<16xi32>
      %add3A_340 = arith.addi %mul3A_328, %add3A_339 : vector<16xi32>
      tpu.vector_store_idx %arg13[%add3A_340], %gather3A_337 : memref<2048xf32, #tpu.memory_space<vmem>>[vector<16xi32>], vector<16xf32>,
      %get3A_341 = arith.constant 80 : index
      %get3A_342 = tpu.vector_load %arg10[%get3A_341] {strides = array<i32>} : memref<128xi32, #tpu.memory_space<vmem>>, vector<16xi32>,
      %sub3A_343 = vector.broadcast %mul3A_13 : i32 to vector<16xi32>
      %sub3A_344 = arith.subi %get3A_342, %sub3A_343 : vector<16xi32>
      %iota3A_345 = tpu.iota {dimensions = array<i32: 0>} : vector<16xi32>
      %add3A_346 = arith.constant 80 : i32
      %add3A_347 = vector.broadcast %add3A_346 : i32 to vector<16xi32>
      %add3A_348 = arith.addi %iota3A_345, %add3A_347 : vector<16xi32>
      %mul3A_349 = arith.constant 16 : i32
      %mul3A_350 = vector.broadcast %mul3A_349 : i32 to vector<16xi32>
      %mul3A_351 = arith.muli %add3A_348, %mul3A_350 : vector<16xi32>
      %gather3A_352 = tpu.vector_load_idx %arg14[%sub3A_344] : memref<16384xf32, #tpu.memory_space<vmem>>[vector<16xi32>], vector<16xf32>,
      %add3A_353 = arith.constant 0 : i32
      %add3A_354 = vector.broadcast %add3A_353 : i32 to vector<16xi32>
      %add3A_355 = arith.addi %mul3A_351, %add3A_354 : vector<16xi32>
      tpu.vector_store_idx %arg13[%add3A_355], %gather3A_352 : memref<2048xf32, #tpu.memory_space<vmem>>[vector<16xi32>], vector<16xf32>,
      %gather3A_356 = tpu.vector_load_idx %arg15[%sub3A_344] : memref<16384xf32, #tpu.memory_space<vmem>>[vector<16xi32>], vector<16xf32>,
      %add3A_357 = arith.constant 1 : i32
      %add3A_358 = vector.broadcast %add3A_357 : i32 to vector<16xi32>
      %add3A_359 = arith.addi %mul3A_351, %add3A_358 : vector<16xi32>
      tpu.vector_store_idx %arg13[%add3A_359], %gather3A_356 : memref<2048xf32, #tpu.memory_space<vmem>>[vector<16xi32>], vector<16xf32>,
      %gather3A_360 = tpu.vector_load_idx %arg16[%sub3A_344] : memref<16384xf32, #tpu.memory_space<vmem>>[vector<16xi32>], vector<16xf32>,
      %add3A_361 = arith.constant 2 : i32
      %add3A_362 = vector.broadcast %add3A_361 : i32 to vector<16xi32>
      %add3A_363 = arith.addi %mul3A_351, %add3A_362 : vector<16xi32>
      tpu.vector_store_idx %arg13[%add3A_363], %gather3A_360 : memref<2048xf32, #tpu.memory_space<vmem>>[vector<16xi32>], vector<16xf32>,
      %get3A_364 = arith.constant 96 : index
      %get3A_365 = tpu.vector_load %arg10[%get3A_364] {strides = array<i32>} : memref<128xi32, #tpu.memory_space<vmem>>, vector<16xi32>,
      %sub3A_366 = vector.broadcast %mul3A_13 : i32 to vector<16xi32>
      %sub3A_367 = arith.subi %get3A_365, %sub3A_366 : vector<16xi32>
      %iota3A_368 = tpu.iota {dimensions = array<i32: 0>} : vector<16xi32>
      %add3A_369 = arith.constant 96 : i32
      %add3A_370 = vector.broadcast %add3A_369 : i32 to vector<16xi32>
      %add3A_371 = arith.addi %iota3A_368, %add3A_370 : vector<16xi32>
      %mul3A_372 = arith.constant 16 : i32
      %mul3A_373 = vector.broadcast %mul3A_372 : i32 to vector<16xi32>
      %mul3A_374 = arith.muli %add3A_371, %mul3A_373 : vector<16xi32>
      %gather3A_375 = tpu.vector_load_idx %arg14[%sub3A_367] : memref<16384xf32, #tpu.memory_space<vmem>>[vector<16xi32>], vector<16xf32>,
      %add3A_376 = arith.constant 0 : i32
      %add3A_377 = vector.broadcast %add3A_376 : i32 to vector<16xi32>
      %add3A_378 = arith.addi %mul3A_374, %add3A_377 : vector<16xi32>
      tpu.vector_store_idx %arg13[%add3A_378], %gather3A_375 : memref<2048xf32, #tpu.memory_space<vmem>>[vector<16xi32>], vector<16xf32>,
      %gather3A_379 = tpu.vector_load_idx %arg15[%sub3A_367] : memref<16384xf32, #tpu.memory_space<vmem>>[vector<16xi32>], vector<16xf32>,
      %add3A_380 = arith.constant 1 : i32
      %add3A_381 = vector.broadcast %add3A_380 : i32 to vector<16xi32>
      %add3A_382 = arith.addi %mul3A_374, %add3A_381 : vector<16xi32>
      tpu.vector_store_idx %arg13[%add3A_382], %gather3A_379 : memref<2048xf32, #tpu.memory_space<vmem>>[vector<16xi32>], vector<16xf32>,
      %gather3A_383 = tpu.vector_load_idx %arg16[%sub3A_367] : memref<16384xf32, #tpu.memory_space<vmem>>[vector<16xi32>], vector<16xf32>,
      %add3A_384 = arith.constant 2 : i32
      %add3A_385 = vector.broadcast %add3A_384 : i32 to vector<16xi32>
      %add3A_386 = arith.addi %mul3A_374, %add3A_385 : vector<16xi32>
      tpu.vector_store_idx %arg13[%add3A_386], %gather3A_383 : memref<2048xf32, #tpu.memory_space<vmem>>[vector<16xi32>], vector<16xf32>,
      %get3A_387 = arith.constant 112 : index
      %get3A_388 = tpu.vector_load %arg10[%get3A_387] {strides = array<i32>} : memref<128xi32, #tpu.memory_space<vmem>>, vector<16xi32>,
      %sub3A_389 = vector.broadcast %mul3A_13 : i32 to vector<16xi32>
      %sub3A_390 = arith.subi %get3A_388, %sub3A_389 : vector<16xi32>
      %iota3A_391 = tpu.iota {dimensions = array<i32: 0>} : vector<16xi32>
      %add3A_392 = arith.constant 112 : i32
      %add3A_393 = vector.broadcast %add3A_392 : i32 to vector<16xi32>
      %add3A_394 = arith.addi %iota3A_391, %add3A_393 : vector<16xi32>
      %mul3A_395 = arith.constant 16 : i32
      %mul3A_396 = vector.broadcast %mul3A_395 : i32 to vector<16xi32>
      %mul3A_397 = arith.muli %add3A_394, %mul3A_396 : vector<16xi32>
      %gather3A_398 = tpu.vector_load_idx %arg14[%sub3A_390] : memref<16384xf32, #tpu.memory_space<vmem>>[vector<16xi32>], vector<16xf32>,
      %add3A_399 = arith.constant 0 : i32
      %add3A_400 = vector.broadcast %add3A_399 : i32 to vector<16xi32>
      %add3A_401 = arith.addi %mul3A_397, %add3A_400 : vector<16xi32>
      tpu.vector_store_idx %arg13[%add3A_401], %gather3A_398 : memref<2048xf32, #tpu.memory_space<vmem>>[vector<16xi32>], vector<16xf32>,
      %gather3A_402 = tpu.vector_load_idx %arg15[%sub3A_390] : memref<16384xf32, #tpu.memory_space<vmem>>[vector<16xi32>], vector<16xf32>,
      %add3A_403 = arith.constant 1 : i32
      %add3A_404 = vector.broadcast %add3A_403 : i32 to vector<16xi32>
      %add3A_405 = arith.addi %mul3A_397, %add3A_404 : vector<16xi32>
      tpu.vector_store_idx %arg13[%add3A_405], %gather3A_402 : memref<2048xf32, #tpu.memory_space<vmem>>[vector<16xi32>], vector<16xf32>,
      %gather3A_406 = tpu.vector_load_idx %arg16[%sub3A_390] : memref<16384xf32, #tpu.memory_space<vmem>>[vector<16xi32>], vector<16xf32>,
      %add3A_407 = arith.constant 2 : i32
      %add3A_408 = vector.broadcast %add3A_407 : i32 to vector<16xi32>
      %add3A_409 = arith.addi %mul3A_397, %add3A_408 : vector<16xi32>
      tpu.vector_store_idx %arg13[%add3A_409], %gather3A_406 : memref<2048xf32, #tpu.memory_space<vmem>>[vector<16xi32>], vector<16xf32>,
      %mul3A_410 = arith.constant 16 : i32
      %mul3A_411 = arith.muli %add3A_35, %mul3A_410 : i32
      "tpu.region"() ({
        %run_scoped3A = tpu.sem_alloc : memref<!tpu.dma_semaphore, #tpu.memory_space<semaphore_mem>>
        %dma_start3A_415 = tpu.memref_slice %arg8[%mul3A_411] : memref<2097152xf32, #tpu.memory_space<hbm>> -> memref<2048xf32, #tpu.memory_space<hbm>>
        %dma_start3A_416 = tpu.memref_slice %arg8[%mul3A_411] : memref<2097152xf32, #tpu.memory_space<hbm>> -> memref<2048xf32, #tpu.memory_space<hbm>>
        tpu.enqueue_dma source(%arg13 : memref<2048xf32, #tpu.memory_space<vmem>>) target(%dma_start3A_416 : memref<2048xf32, #tpu.memory_space<hbm>>) target_semaphore(%run_scoped3A : memref<!tpu.dma_semaphore, #tpu.memory_space<semaphore_mem>>)
        %dma_wait3A_417 = tpu.memref_slice %arg8[%mul3A_411] : memref<2097152xf32, #tpu.memory_space<hbm>> -> memref<2048xf32, #tpu.memory_space<hbm>>
        %dma_wait3A_418 = tpu.memref_slice %arg8[%mul3A_411] : memref<2097152xf32, #tpu.memory_space<hbm>> -> memref<2048xf32, #tpu.memory_space<hbm>>
        tpu.wait_dma2 semaphore(%run_scoped3A : memref<!tpu.dma_semaphore, #tpu.memory_space<semaphore_mem>>) src(%arg13 : memref<2048xf32, #tpu.memory_space<vmem>>) dst(%dma_wait3A_418 : memref<2048xf32, #tpu.memory_space<hbm>>)
        tpu.yield
      }) : () -> ()
      %dma_wait3A_412 = arith.constant 0 : i32
      %dma_wait3A_413 = arith.constant 0 : i32
      %dma_wait3A_414 = tpu.memref_slice %arg2[%dma_wait3A_412, %dma_wait3A_413] : memref<32768x128xf32, #tpu.memory_space<hbm>> -> memref<32768x128xf32, #tpu.memory_space<hbm>>
      tpu.wait_indirect_dma semaphore(%arg18 : memref<!tpu.dma_semaphore, #tpu.memory_space<semaphore_mem>>) src(%dma_wait3A_414 : memref<32768x128xf32, #tpu.memory_space<hbm>>) dst(%arg12 : memref<128x128xf32, #tpu.memory_space<vmem>>)
      "tpu.region"() ({
        %run_scoped3A = tpu.sem_alloc : memref<!tpu.dma_semaphore, #tpu.memory_space<semaphore_mem>>
        %dma_start3A_415 = arith.constant 0 : i32
        %dma_start3A_416 = tpu.memref_slice %arg7[%add3A_35, %dma_start3A_415] : memref<131072x128xf32, #tpu.memory_space<hbm>> -> memref<128x128xf32, #tpu.memory_space<hbm>>
        %dma_start3A_417 = arith.constant 0 : i32
        %dma_start3A_418 = tpu.memref_slice %arg7[%add3A_35, %dma_start3A_417] : memref<131072x128xf32, #tpu.memory_space<hbm>> -> memref<128x128xf32, #tpu.memory_space<hbm>>
        tpu.enqueue_dma source(%arg12 : memref<128x128xf32, #tpu.memory_space<vmem>>) target(%dma_start3A_418 : memref<128x128xf32, #tpu.memory_space<hbm>>) target_semaphore(%run_scoped3A : memref<!tpu.dma_semaphore, #tpu.memory_space<semaphore_mem>>)
        %dma_wait3A_419 = arith.constant 0 : i32
        %dma_wait3A_420 = tpu.memref_slice %arg7[%add3A_35, %dma_wait3A_419] : memref<131072x128xf32, #tpu.memory_space<hbm>> -> memref<128x128xf32, #tpu.memory_space<hbm>>
        %dma_wait3A_421 = arith.constant 0 : i32
        %dma_wait3A_422 = tpu.memref_slice %arg7[%add3A_35, %dma_wait3A_421] : memref<131072x128xf32, #tpu.memory_space<hbm>> -> memref<128x128xf32, #tpu.memory_space<hbm>>
        tpu.wait_dma2 semaphore(%run_scoped3A : memref<!tpu.dma_semaphore, #tpu.memory_space<semaphore_mem>>) src(%arg12 : memref<128x128xf32, #tpu.memory_space<vmem>>) dst(%dma_wait3A_422 : memref<128x128xf32, #tpu.memory_space<hbm>>)
        tpu.yield
      }) : () -> ()
    }
    %scan3A_27 = arith.constant 16 : i32
    return
  }
}

module attributes {stable_mosaic.version = 14 : i64} {
  func.func @_fps_body(%arg0: memref<8x128xi32, #tpu.memory_space<vmem>>, %arg1: memref<8x3x4096xf32, #tpu.memory_space<vmem>>, %arg2: memref<8x1024xf32, #tpu.memory_space<vmem>>, %arg3: memref<8x1024xf32, #tpu.memory_space<vmem>>, %arg4: memref<8x1024xf32, #tpu.memory_space<vmem>>) attributes {dimension_semantics = [], scalar_prefetch = 0 : i64, scratch_operands = 0 : i64, tpu.core_type = #tpu.core_type<tc>} {
    %get3A = arith.constant 0 : index
    %get3A_0 = arith.constant 0 : index
    %get3A_1 = arith.constant 0 : index
    %get3A_2 = vector.load %arg1[%get3A, %get3A_0, %get3A_1] : memref<8x3x4096xf32, #tpu.memory_space<vmem>>, vector<8x1x4096xf32>
    %get3A_3 = vector.shape_cast %get3A_2 : vector<8x1x4096xf32> to vector<8x4096xf32>
    %get3A_4 = arith.constant 0 : index
    %get3A_5 = arith.constant 1 : index
    %get3A_6 = arith.constant 0 : index
    %get3A_7 = vector.load %arg1[%get3A_4, %get3A_5, %get3A_6] : memref<8x3x4096xf32, #tpu.memory_space<vmem>>, vector<8x1x4096xf32>
    %get3A_8 = vector.shape_cast %get3A_7 : vector<8x1x4096xf32> to vector<8x4096xf32>
    %get3A_9 = arith.constant 0 : index
    %get3A_10 = arith.constant 2 : index
    %get3A_11 = arith.constant 0 : index
    %get3A_12 = vector.load %arg1[%get3A_9, %get3A_10, %get3A_11] : memref<8x3x4096xf32, #tpu.memory_space<vmem>>, vector<8x1x4096xf32>
    %get3A_13 = vector.shape_cast %get3A_12 : vector<8x1x4096xf32> to vector<8x4096xf32>
    %iota3A = tpu.iota {dimensions = array<i32: 1>} : vector<8x4096xi32>
    %get3A_14 = arith.constant 0 : index
    %get3A_15 = arith.constant 0 : index
    %get3A_16 = vector.load %arg0[%get3A_14, %get3A_15] : memref<8x128xi32, #tpu.memory_space<vmem>>, vector<8x1xi32>
    %iota3A_17 = tpu.iota {dimensions = array<i32: 1>} : vector<8x128xi32>
    %eq3A = vector.broadcast %get3A_16 : vector<8x1xi32> to vector<8x4096xi32>
    %eq3A_18 = arith.cmpi eq, %iota3A, %eq3A : vector<8x4096xi32>
    %convert_element_type3A = arith.extui %eq3A_18 : vector<8x4096xi1> to vector<8x4096xi32>
    %convert_element_type3A_19 = arith.sitofp %convert_element_type3A : vector<8x4096xi32> to vector<8x4096xf32>
    %broadcast_in_dim3A = arith.constant 1.000000e+10 : f32
    %broadcast_in_dim3A_20 = vector.broadcast %broadcast_in_dim3A : f32 to vector<8x4096xf32>
    %broadcast_in_dim3A_21 = arith.constant 0.000000e+00 : f32
    %broadcast_in_dim3A_22 = vector.broadcast %broadcast_in_dim3A_21 : f32 to vector<8x128xf32>
    %scan3A = arith.constant 0 : i32
    %scan3A_23 = arith.constant 128 : i32
    %scan3A_24 = arith.addi %scan3A, %scan3A_23 : i32
    %scan3A_25 = arith.constant 1 : i32
    %scan3A_26:5 = scf.for %scan3A_141 = %scan3A to %scan3A_24 step %scan3A_25 iter_args(%scan3A_142 = %broadcast_in_dim3A_20, %scan3A_143 = %convert_element_type3A_19, %scan3A_144 = %broadcast_in_dim3A_22, %scan3A_145 = %broadcast_in_dim3A_22, %scan3A_146 = %broadcast_in_dim3A_22) -> (vector<8x4096xf32>, vector<8x4096xf32>, vector<8x128xf32>, vector<8x128xf32>, vector<8x128xf32>)  : i32 {
      %mul3A = arith.mulf %scan3A_143, %get3A_3 : vector<8x4096xf32>
      %reduce_sum3A = arith.constant dense<0.000000e+00> : vector<8xf32>
      %reduce_sum3A_147 = vector.multi_reduction <add>, %mul3A, %reduce_sum3A [1] : vector<8x4096xf32> to vector<8xf32>
      %broadcast_in_dim3A_148 = vector.shape_cast %reduce_sum3A_147 : vector<8xf32> to vector<8x1xf32>
      %mul3A_149 = arith.mulf %scan3A_143, %get3A_8 : vector<8x4096xf32>
      %reduce_sum3A_150 = arith.constant dense<0.000000e+00> : vector<8xf32>
      %reduce_sum3A_151 = vector.multi_reduction <add>, %mul3A_149, %reduce_sum3A_150 [1] : vector<8x4096xf32> to vector<8xf32>
      %broadcast_in_dim3A_152 = vector.shape_cast %reduce_sum3A_151 : vector<8xf32> to vector<8x1xf32>
      %mul3A_153 = arith.mulf %scan3A_143, %get3A_13 : vector<8x4096xf32>
      %reduce_sum3A_154 = arith.constant dense<0.000000e+00> : vector<8xf32>
      %reduce_sum3A_155 = vector.multi_reduction <add>, %mul3A_153, %reduce_sum3A_154 [1] : vector<8x4096xf32> to vector<8xf32>
      %broadcast_in_dim3A_156 = vector.shape_cast %reduce_sum3A_155 : vector<8xf32> to vector<8x1xf32>
      %eq3A_157 = vector.broadcast %scan3A_141 : i32 to vector<8x128xi32>
      %eq3A_158 = arith.cmpi eq, %iota3A_17, %eq3A_157 : vector<8x128xi32>
      %broadcast_in_dim3A_159 = vector.shape_cast %broadcast_in_dim3A_148 : vector<8x1xf32> to vector<8x1xf32>
      %broadcast_in_dim3A_160 = vector.broadcast %broadcast_in_dim3A_159 : vector<8x1xf32> to vector<8x128xf32>
      %select_n3A = arith.select %eq3A_158, %broadcast_in_dim3A_160, %scan3A_144 : vector<8x128xi1>, vector<8x128xf32>
      %broadcast_in_dim3A_161 = vector.shape_cast %broadcast_in_dim3A_152 : vector<8x1xf32> to vector<8x1xf32>
      %broadcast_in_dim3A_162 = vector.broadcast %broadcast_in_dim3A_161 : vector<8x1xf32> to vector<8x128xf32>
      %select_n3A_163 = arith.select %eq3A_158, %broadcast_in_dim3A_162, %scan3A_145 : vector<8x128xi1>, vector<8x128xf32>
      %broadcast_in_dim3A_164 = vector.shape_cast %broadcast_in_dim3A_156 : vector<8x1xf32> to vector<8x1xf32>
      %broadcast_in_dim3A_165 = vector.broadcast %broadcast_in_dim3A_164 : vector<8x1xf32> to vector<8x128xf32>
      %select_n3A_166 = arith.select %eq3A_158, %broadcast_in_dim3A_165, %scan3A_146 : vector<8x128xi1>, vector<8x128xf32>
      %sub3A = vector.broadcast %broadcast_in_dim3A_148 : vector<8x1xf32> to vector<8x4096xf32>
      %sub3A_167 = arith.subf %get3A_3, %sub3A : vector<8x4096xf32>
      %integer_pow3A = arith.mulf %sub3A_167, %sub3A_167 : vector<8x4096xf32>
      %sub3A_168 = vector.broadcast %broadcast_in_dim3A_152 : vector<8x1xf32> to vector<8x4096xf32>
      %sub3A_169 = arith.subf %get3A_8, %sub3A_168 : vector<8x4096xf32>
      %integer_pow3A_170 = arith.mulf %sub3A_169, %sub3A_169 : vector<8x4096xf32>
      %add3A = arith.addf %integer_pow3A, %integer_pow3A_170 : vector<8x4096xf32>
      %sub3A_171 = vector.broadcast %broadcast_in_dim3A_156 : vector<8x1xf32> to vector<8x4096xf32>
      %sub3A_172 = arith.subf %get3A_13, %sub3A_171 : vector<8x4096xf32>
      %integer_pow3A_173 = arith.mulf %sub3A_172, %sub3A_172 : vector<8x4096xf32>
      %add3A_174 = arith.addf %add3A, %integer_pow3A_173 : vector<8x4096xf32>
      %min3A = arith.minimumf %scan3A_142, %add3A_174 : vector<8x4096xf32>
      %reduce_max3A = arith.constant dense<0xFF800000> : vector<8xf32>
      %reduce_max3A_175 = vector.multi_reduction <maximumf>, %min3A, %reduce_max3A [1] : vector<8x4096xf32> to vector<8xf32>
      %broadcast_in_dim3A_176 = vector.shape_cast %reduce_max3A_175 : vector<8xf32> to vector<8x1xf32>
      %eq3A_177 = vector.broadcast %broadcast_in_dim3A_176 : vector<8x1xf32> to vector<8x4096xf32>
      %eq3A_178 = arith.cmpf oeq, %min3A, %eq3A_177 : vector<8x4096xf32>
      %convert_element_type3A_179 = arith.extui %eq3A_178 : vector<8x4096xi1> to vector<8x4096xi32>
      %convert_element_type3A_180 = arith.sitofp %convert_element_type3A_179 : vector<8x4096xi32> to vector<8x4096xf32>
      scf.yield %min3A, %convert_element_type3A_180, %select_n3A, %select_n3A_163, %select_n3A_166 : vector<8x4096xf32>, vector<8x4096xf32>, vector<8x128xf32>, vector<8x128xf32>, vector<8x128xf32>
    }
    %scan3A_27 = arith.constant 128 : i32
    %swap3A = arith.constant 0 : index
    %swap3A_28 = arith.constant 0 : index
    %swap3A_29 = vector.load %arg2[%swap3A, %swap3A_28] : memref<8x1024xf32, #tpu.memory_space<vmem>>, vector<8x128xf32>
    tpu.vector_store %arg2[%swap3A, %swap3A_28], %scan3A_26#2 {strides = array<i32>} : memref<8x1024xf32, #tpu.memory_space<vmem>>, vector<8x128xf32>,
    %swap3A_30 = arith.constant 0 : index
    %swap3A_31 = arith.constant 0 : index
    %swap3A_32 = vector.load %arg3[%swap3A_30, %swap3A_31] : memref<8x1024xf32, #tpu.memory_space<vmem>>, vector<8x128xf32>
    tpu.vector_store %arg3[%swap3A_30, %swap3A_31], %scan3A_26#3 {strides = array<i32>} : memref<8x1024xf32, #tpu.memory_space<vmem>>, vector<8x128xf32>,
    %swap3A_33 = arith.constant 0 : index
    %swap3A_34 = arith.constant 0 : index
    %swap3A_35 = vector.load %arg4[%swap3A_33, %swap3A_34] : memref<8x1024xf32, #tpu.memory_space<vmem>>, vector<8x128xf32>
    tpu.vector_store %arg4[%swap3A_33, %swap3A_34], %scan3A_26#4 {strides = array<i32>} : memref<8x1024xf32, #tpu.memory_space<vmem>>, vector<8x128xf32>,
    %scan3A_36 = arith.constant 0 : i32
    %scan3A_37 = arith.constant 128 : i32
    %scan3A_38 = arith.addi %scan3A_36, %scan3A_37 : i32
    %scan3A_39 = arith.constant 1 : i32
    %scan3A_40:5 = scf.for %scan3A_141 = %scan3A_36 to %scan3A_38 step %scan3A_39 iter_args(%scan3A_142 = %scan3A_26#0, %scan3A_143 = %scan3A_26#1, %scan3A_144 = %broadcast_in_dim3A_22, %scan3A_145 = %broadcast_in_dim3A_22, %scan3A_146 = %broadcast_in_dim3A_22) -> (vector<8x4096xf32>, vector<8x4096xf32>, vector<8x128xf32>, vector<8x128xf32>, vector<8x128xf32>)  : i32 {
      %mul3A = arith.mulf %scan3A_143, %get3A_3 : vector<8x4096xf32>
      %reduce_sum3A = arith.constant dense<0.000000e+00> : vector<8xf32>
      %reduce_sum3A_147 = vector.multi_reduction <add>, %mul3A, %reduce_sum3A [1] : vector<8x4096xf32> to vector<8xf32>
      %broadcast_in_dim3A_148 = vector.shape_cast %reduce_sum3A_147 : vector<8xf32> to vector<8x1xf32>
      %mul3A_149 = arith.mulf %scan3A_143, %get3A_8 : vector<8x4096xf32>
      %reduce_sum3A_150 = arith.constant dense<0.000000e+00> : vector<8xf32>
      %reduce_sum3A_151 = vector.multi_reduction <add>, %mul3A_149, %reduce_sum3A_150 [1] : vector<8x4096xf32> to vector<8xf32>
      %broadcast_in_dim3A_152 = vector.shape_cast %reduce_sum3A_151 : vector<8xf32> to vector<8x1xf32>
      %mul3A_153 = arith.mulf %scan3A_143, %get3A_13 : vector<8x4096xf32>
      %reduce_sum3A_154 = arith.constant dense<0.000000e+00> : vector<8xf32>
      %reduce_sum3A_155 = vector.multi_reduction <add>, %mul3A_153, %reduce_sum3A_154 [1] : vector<8x4096xf32> to vector<8xf32>
      %broadcast_in_dim3A_156 = vector.shape_cast %reduce_sum3A_155 : vector<8xf32> to vector<8x1xf32>
      %eq3A_157 = vector.broadcast %scan3A_141 : i32 to vector<8x128xi32>
      %eq3A_158 = arith.cmpi eq, %iota3A_17, %eq3A_157 : vector<8x128xi32>
      %broadcast_in_dim3A_159 = vector.shape_cast %broadcast_in_dim3A_148 : vector<8x1xf32> to vector<8x1xf32>
      %broadcast_in_dim3A_160 = vector.broadcast %broadcast_in_dim3A_159 : vector<8x1xf32> to vector<8x128xf32>
      %select_n3A = arith.select %eq3A_158, %broadcast_in_dim3A_160, %scan3A_144 : vector<8x128xi1>, vector<8x128xf32>
      %broadcast_in_dim3A_161 = vector.shape_cast %broadcast_in_dim3A_152 : vector<8x1xf32> to vector<8x1xf32>
      %broadcast_in_dim3A_162 = vector.broadcast %broadcast_in_dim3A_161 : vector<8x1xf32> to vector<8x128xf32>
      %select_n3A_163 = arith.select %eq3A_158, %broadcast_in_dim3A_162, %scan3A_145 : vector<8x128xi1>, vector<8x128xf32>
      %broadcast_in_dim3A_164 = vector.shape_cast %broadcast_in_dim3A_156 : vector<8x1xf32> to vector<8x1xf32>
      %broadcast_in_dim3A_165 = vector.broadcast %broadcast_in_dim3A_164 : vector<8x1xf32> to vector<8x128xf32>
      %select_n3A_166 = arith.select %eq3A_158, %broadcast_in_dim3A_165, %scan3A_146 : vector<8x128xi1>, vector<8x128xf32>
      %sub3A = vector.broadcast %broadcast_in_dim3A_148 : vector<8x1xf32> to vector<8x4096xf32>
      %sub3A_167 = arith.subf %get3A_3, %sub3A : vector<8x4096xf32>
      %integer_pow3A = arith.mulf %sub3A_167, %sub3A_167 : vector<8x4096xf32>
      %sub3A_168 = vector.broadcast %broadcast_in_dim3A_152 : vector<8x1xf32> to vector<8x4096xf32>
      %sub3A_169 = arith.subf %get3A_8, %sub3A_168 : vector<8x4096xf32>
      %integer_pow3A_170 = arith.mulf %sub3A_169, %sub3A_169 : vector<8x4096xf32>
      %add3A = arith.addf %integer_pow3A, %integer_pow3A_170 : vector<8x4096xf32>
      %sub3A_171 = vector.broadcast %broadcast_in_dim3A_156 : vector<8x1xf32> to vector<8x4096xf32>
      %sub3A_172 = arith.subf %get3A_13, %sub3A_171 : vector<8x4096xf32>
      %integer_pow3A_173 = arith.mulf %sub3A_172, %sub3A_172 : vector<8x4096xf32>
      %add3A_174 = arith.addf %add3A, %integer_pow3A_173 : vector<8x4096xf32>
      %min3A = arith.minimumf %scan3A_142, %add3A_174 : vector<8x4096xf32>
      %reduce_max3A = arith.constant dense<0xFF800000> : vector<8xf32>
      %reduce_max3A_175 = vector.multi_reduction <maximumf>, %min3A, %reduce_max3A [1] : vector<8x4096xf32> to vector<8xf32>
      %broadcast_in_dim3A_176 = vector.shape_cast %reduce_max3A_175 : vector<8xf32> to vector<8x1xf32>
      %eq3A_177 = vector.broadcast %broadcast_in_dim3A_176 : vector<8x1xf32> to vector<8x4096xf32>
      %eq3A_178 = arith.cmpf oeq, %min3A, %eq3A_177 : vector<8x4096xf32>
      %convert_element_type3A_179 = arith.extui %eq3A_178 : vector<8x4096xi1> to vector<8x4096xi32>
      %convert_element_type3A_180 = arith.sitofp %convert_element_type3A_179 : vector<8x4096xi32> to vector<8x4096xf32>
      scf.yield %min3A, %convert_element_type3A_180, %select_n3A, %select_n3A_163, %select_n3A_166 : vector<8x4096xf32>, vector<8x4096xf32>, vector<8x128xf32>, vector<8x128xf32>, vector<8x128xf32>
    }
    %scan3A_41 = arith.constant 128 : i32
    %swap3A_42 = arith.constant 0 : index
    %swap3A_43 = arith.constant 128 : index
    %swap3A_44 = vector.load %arg2[%swap3A_42, %swap3A_43] : memref<8x1024xf32, #tpu.memory_space<vmem>>, vector<8x128xf32>
    tpu.vector_store %arg2[%swap3A_42, %swap3A_43], %scan3A_40#2 {strides = array<i32>} : memref<8x1024xf32, #tpu.memory_space<vmem>>, vector<8x128xf32>,
    %swap3A_45 = arith.constant 0 : index
    %swap3A_46 = arith.constant 128 : index
    %swap3A_47 = vector.load %arg3[%swap3A_45, %swap3A_46] : memref<8x1024xf32, #tpu.memory_space<vmem>>, vector<8x128xf32>
    tpu.vector_store %arg3[%swap3A_45, %swap3A_46], %scan3A_40#3 {strides = array<i32>} : memref<8x1024xf32, #tpu.memory_space<vmem>>, vector<8x128xf32>,
    %swap3A_48 = arith.constant 0 : index
    %swap3A_49 = arith.constant 128 : index
    %swap3A_50 = vector.load %arg4[%swap3A_48, %swap3A_49] : memref<8x1024xf32, #tpu.memory_space<vmem>>, vector<8x128xf32>
    tpu.vector_store %arg4[%swap3A_48, %swap3A_49], %scan3A_40#4 {strides = array<i32>} : memref<8x1024xf32, #tpu.memory_space<vmem>>, vector<8x128xf32>,
    %scan3A_51 = arith.constant 0 : i32
    %scan3A_52 = arith.constant 128 : i32
    %scan3A_53 = arith.addi %scan3A_51, %scan3A_52 : i32
    %scan3A_54 = arith.constant 1 : i32
    %scan3A_55:5 = scf.for %scan3A_141 = %scan3A_51 to %scan3A_53 step %scan3A_54 iter_args(%scan3A_142 = %scan3A_40#0, %scan3A_143 = %scan3A_40#1, %scan3A_144 = %broadcast_in_dim3A_22, %scan3A_145 = %broadcast_in_dim3A_22, %scan3A_146 = %broadcast_in_dim3A_22) -> (vector<8x4096xf32>, vector<8x4096xf32>, vector<8x128xf32>, vector<8x128xf32>, vector<8x128xf32>)  : i32 {
      %mul3A = arith.mulf %scan3A_143, %get3A_3 : vector<8x4096xf32>
      %reduce_sum3A = arith.constant dense<0.000000e+00> : vector<8xf32>
      %reduce_sum3A_147 = vector.multi_reduction <add>, %mul3A, %reduce_sum3A [1] : vector<8x4096xf32> to vector<8xf32>
      %broadcast_in_dim3A_148 = vector.shape_cast %reduce_sum3A_147 : vector<8xf32> to vector<8x1xf32>
      %mul3A_149 = arith.mulf %scan3A_143, %get3A_8 : vector<8x4096xf32>
      %reduce_sum3A_150 = arith.constant dense<0.000000e+00> : vector<8xf32>
      %reduce_sum3A_151 = vector.multi_reduction <add>, %mul3A_149, %reduce_sum3A_150 [1] : vector<8x4096xf32> to vector<8xf32>
      %broadcast_in_dim3A_152 = vector.shape_cast %reduce_sum3A_151 : vector<8xf32> to vector<8x1xf32>
      %mul3A_153 = arith.mulf %scan3A_143, %get3A_13 : vector<8x4096xf32>
      %reduce_sum3A_154 = arith.constant dense<0.000000e+00> : vector<8xf32>
      %reduce_sum3A_155 = vector.multi_reduction <add>, %mul3A_153, %reduce_sum3A_154 [1] : vector<8x4096xf32> to vector<8xf32>
      %broadcast_in_dim3A_156 = vector.shape_cast %reduce_sum3A_155 : vector<8xf32> to vector<8x1xf32>
      %eq3A_157 = vector.broadcast %scan3A_141 : i32 to vector<8x128xi32>
      %eq3A_158 = arith.cmpi eq, %iota3A_17, %eq3A_157 : vector<8x128xi32>
      %broadcast_in_dim3A_159 = vector.shape_cast %broadcast_in_dim3A_148 : vector<8x1xf32> to vector<8x1xf32>
      %broadcast_in_dim3A_160 = vector.broadcast %broadcast_in_dim3A_159 : vector<8x1xf32> to vector<8x128xf32>
      %select_n3A = arith.select %eq3A_158, %broadcast_in_dim3A_160, %scan3A_144 : vector<8x128xi1>, vector<8x128xf32>
      %broadcast_in_dim3A_161 = vector.shape_cast %broadcast_in_dim3A_152 : vector<8x1xf32> to vector<8x1xf32>
      %broadcast_in_dim3A_162 = vector.broadcast %broadcast_in_dim3A_161 : vector<8x1xf32> to vector<8x128xf32>
      %select_n3A_163 = arith.select %eq3A_158, %broadcast_in_dim3A_162, %scan3A_145 : vector<8x128xi1>, vector<8x128xf32>
      %broadcast_in_dim3A_164 = vector.shape_cast %broadcast_in_dim3A_156 : vector<8x1xf32> to vector<8x1xf32>
      %broadcast_in_dim3A_165 = vector.broadcast %broadcast_in_dim3A_164 : vector<8x1xf32> to vector<8x128xf32>
      %select_n3A_166 = arith.select %eq3A_158, %broadcast_in_dim3A_165, %scan3A_146 : vector<8x128xi1>, vector<8x128xf32>
      %sub3A = vector.broadcast %broadcast_in_dim3A_148 : vector<8x1xf32> to vector<8x4096xf32>
      %sub3A_167 = arith.subf %get3A_3, %sub3A : vector<8x4096xf32>
      %integer_pow3A = arith.mulf %sub3A_167, %sub3A_167 : vector<8x4096xf32>
      %sub3A_168 = vector.broadcast %broadcast_in_dim3A_152 : vector<8x1xf32> to vector<8x4096xf32>
      %sub3A_169 = arith.subf %get3A_8, %sub3A_168 : vector<8x4096xf32>
      %integer_pow3A_170 = arith.mulf %sub3A_169, %sub3A_169 : vector<8x4096xf32>
      %add3A = arith.addf %integer_pow3A, %integer_pow3A_170 : vector<8x4096xf32>
      %sub3A_171 = vector.broadcast %broadcast_in_dim3A_156 : vector<8x1xf32> to vector<8x4096xf32>
      %sub3A_172 = arith.subf %get3A_13, %sub3A_171 : vector<8x4096xf32>
      %integer_pow3A_173 = arith.mulf %sub3A_172, %sub3A_172 : vector<8x4096xf32>
      %add3A_174 = arith.addf %add3A, %integer_pow3A_173 : vector<8x4096xf32>
      %min3A = arith.minimumf %scan3A_142, %add3A_174 : vector<8x4096xf32>
      %reduce_max3A = arith.constant dense<0xFF800000> : vector<8xf32>
      %reduce_max3A_175 = vector.multi_reduction <maximumf>, %min3A, %reduce_max3A [1] : vector<8x4096xf32> to vector<8xf32>
      %broadcast_in_dim3A_176 = vector.shape_cast %reduce_max3A_175 : vector<8xf32> to vector<8x1xf32>
      %eq3A_177 = vector.broadcast %broadcast_in_dim3A_176 : vector<8x1xf32> to vector<8x4096xf32>
      %eq3A_178 = arith.cmpf oeq, %min3A, %eq3A_177 : vector<8x4096xf32>
      %convert_element_type3A_179 = arith.extui %eq3A_178 : vector<8x4096xi1> to vector<8x4096xi32>
      %convert_element_type3A_180 = arith.sitofp %convert_element_type3A_179 : vector<8x4096xi32> to vector<8x4096xf32>
      scf.yield %min3A, %convert_element_type3A_180, %select_n3A, %select_n3A_163, %select_n3A_166 : vector<8x4096xf32>, vector<8x4096xf32>, vector<8x128xf32>, vector<8x128xf32>, vector<8x128xf32>
    }
    %scan3A_56 = arith.constant 128 : i32
    %swap3A_57 = arith.constant 0 : index
    %swap3A_58 = arith.constant 256 : index
    %swap3A_59 = vector.load %arg2[%swap3A_57, %swap3A_58] : memref<8x1024xf32, #tpu.memory_space<vmem>>, vector<8x128xf32>
    tpu.vector_store %arg2[%swap3A_57, %swap3A_58], %scan3A_55#2 {strides = array<i32>} : memref<8x1024xf32, #tpu.memory_space<vmem>>, vector<8x128xf32>,
    %swap3A_60 = arith.constant 0 : index
    %swap3A_61 = arith.constant 256 : index
    %swap3A_62 = vector.load %arg3[%swap3A_60, %swap3A_61] : memref<8x1024xf32, #tpu.memory_space<vmem>>, vector<8x128xf32>
    tpu.vector_store %arg3[%swap3A_60, %swap3A_61], %scan3A_55#3 {strides = array<i32>} : memref<8x1024xf32, #tpu.memory_space<vmem>>, vector<8x128xf32>,
    %swap3A_63 = arith.constant 0 : index
    %swap3A_64 = arith.constant 256 : index
    %swap3A_65 = vector.load %arg4[%swap3A_63, %swap3A_64] : memref<8x1024xf32, #tpu.memory_space<vmem>>, vector<8x128xf32>
    tpu.vector_store %arg4[%swap3A_63, %swap3A_64], %scan3A_55#4 {strides = array<i32>} : memref<8x1024xf32, #tpu.memory_space<vmem>>, vector<8x128xf32>,
    %scan3A_66 = arith.constant 0 : i32
    %scan3A_67 = arith.constant 128 : i32
    %scan3A_68 = arith.addi %scan3A_66, %scan3A_67 : i32
    %scan3A_69 = arith.constant 1 : i32
    %scan3A_70:5 = scf.for %scan3A_141 = %scan3A_66 to %scan3A_68 step %scan3A_69 iter_args(%scan3A_142 = %scan3A_55#0, %scan3A_143 = %scan3A_55#1, %scan3A_144 = %broadcast_in_dim3A_22, %scan3A_145 = %broadcast_in_dim3A_22, %scan3A_146 = %broadcast_in_dim3A_22) -> (vector<8x4096xf32>, vector<8x4096xf32>, vector<8x128xf32>, vector<8x128xf32>, vector<8x128xf32>)  : i32 {
      %mul3A = arith.mulf %scan3A_143, %get3A_3 : vector<8x4096xf32>
      %reduce_sum3A = arith.constant dense<0.000000e+00> : vector<8xf32>
      %reduce_sum3A_147 = vector.multi_reduction <add>, %mul3A, %reduce_sum3A [1] : vector<8x4096xf32> to vector<8xf32>
      %broadcast_in_dim3A_148 = vector.shape_cast %reduce_sum3A_147 : vector<8xf32> to vector<8x1xf32>
      %mul3A_149 = arith.mulf %scan3A_143, %get3A_8 : vector<8x4096xf32>
      %reduce_sum3A_150 = arith.constant dense<0.000000e+00> : vector<8xf32>
      %reduce_sum3A_151 = vector.multi_reduction <add>, %mul3A_149, %reduce_sum3A_150 [1] : vector<8x4096xf32> to vector<8xf32>
      %broadcast_in_dim3A_152 = vector.shape_cast %reduce_sum3A_151 : vector<8xf32> to vector<8x1xf32>
      %mul3A_153 = arith.mulf %scan3A_143, %get3A_13 : vector<8x4096xf32>
      %reduce_sum3A_154 = arith.constant dense<0.000000e+00> : vector<8xf32>
      %reduce_sum3A_155 = vector.multi_reduction <add>, %mul3A_153, %reduce_sum3A_154 [1] : vector<8x4096xf32> to vector<8xf32>
      %broadcast_in_dim3A_156 = vector.shape_cast %reduce_sum3A_155 : vector<8xf32> to vector<8x1xf32>
      %eq3A_157 = vector.broadcast %scan3A_141 : i32 to vector<8x128xi32>
      %eq3A_158 = arith.cmpi eq, %iota3A_17, %eq3A_157 : vector<8x128xi32>
      %broadcast_in_dim3A_159 = vector.shape_cast %broadcast_in_dim3A_148 : vector<8x1xf32> to vector<8x1xf32>
      %broadcast_in_dim3A_160 = vector.broadcast %broadcast_in_dim3A_159 : vector<8x1xf32> to vector<8x128xf32>
      %select_n3A = arith.select %eq3A_158, %broadcast_in_dim3A_160, %scan3A_144 : vector<8x128xi1>, vector<8x128xf32>
      %broadcast_in_dim3A_161 = vector.shape_cast %broadcast_in_dim3A_152 : vector<8x1xf32> to vector<8x1xf32>
      %broadcast_in_dim3A_162 = vector.broadcast %broadcast_in_dim3A_161 : vector<8x1xf32> to vector<8x128xf32>
      %select_n3A_163 = arith.select %eq3A_158, %broadcast_in_dim3A_162, %scan3A_145 : vector<8x128xi1>, vector<8x128xf32>
      %broadcast_in_dim3A_164 = vector.shape_cast %broadcast_in_dim3A_156 : vector<8x1xf32> to vector<8x1xf32>
      %broadcast_in_dim3A_165 = vector.broadcast %broadcast_in_dim3A_164 : vector<8x1xf32> to vector<8x128xf32>
      %select_n3A_166 = arith.select %eq3A_158, %broadcast_in_dim3A_165, %scan3A_146 : vector<8x128xi1>, vector<8x128xf32>
      %sub3A = vector.broadcast %broadcast_in_dim3A_148 : vector<8x1xf32> to vector<8x4096xf32>
      %sub3A_167 = arith.subf %get3A_3, %sub3A : vector<8x4096xf32>
      %integer_pow3A = arith.mulf %sub3A_167, %sub3A_167 : vector<8x4096xf32>
      %sub3A_168 = vector.broadcast %broadcast_in_dim3A_152 : vector<8x1xf32> to vector<8x4096xf32>
      %sub3A_169 = arith.subf %get3A_8, %sub3A_168 : vector<8x4096xf32>
      %integer_pow3A_170 = arith.mulf %sub3A_169, %sub3A_169 : vector<8x4096xf32>
      %add3A = arith.addf %integer_pow3A, %integer_pow3A_170 : vector<8x4096xf32>
      %sub3A_171 = vector.broadcast %broadcast_in_dim3A_156 : vector<8x1xf32> to vector<8x4096xf32>
      %sub3A_172 = arith.subf %get3A_13, %sub3A_171 : vector<8x4096xf32>
      %integer_pow3A_173 = arith.mulf %sub3A_172, %sub3A_172 : vector<8x4096xf32>
      %add3A_174 = arith.addf %add3A, %integer_pow3A_173 : vector<8x4096xf32>
      %min3A = arith.minimumf %scan3A_142, %add3A_174 : vector<8x4096xf32>
      %reduce_max3A = arith.constant dense<0xFF800000> : vector<8xf32>
      %reduce_max3A_175 = vector.multi_reduction <maximumf>, %min3A, %reduce_max3A [1] : vector<8x4096xf32> to vector<8xf32>
      %broadcast_in_dim3A_176 = vector.shape_cast %reduce_max3A_175 : vector<8xf32> to vector<8x1xf32>
      %eq3A_177 = vector.broadcast %broadcast_in_dim3A_176 : vector<8x1xf32> to vector<8x4096xf32>
      %eq3A_178 = arith.cmpf oeq, %min3A, %eq3A_177 : vector<8x4096xf32>
      %convert_element_type3A_179 = arith.extui %eq3A_178 : vector<8x4096xi1> to vector<8x4096xi32>
      %convert_element_type3A_180 = arith.sitofp %convert_element_type3A_179 : vector<8x4096xi32> to vector<8x4096xf32>
      scf.yield %min3A, %convert_element_type3A_180, %select_n3A, %select_n3A_163, %select_n3A_166 : vector<8x4096xf32>, vector<8x4096xf32>, vector<8x128xf32>, vector<8x128xf32>, vector<8x128xf32>
    }
    %scan3A_71 = arith.constant 128 : i32
    %swap3A_72 = arith.constant 0 : index
    %swap3A_73 = arith.constant 384 : index
    %swap3A_74 = vector.load %arg2[%swap3A_72, %swap3A_73] : memref<8x1024xf32, #tpu.memory_space<vmem>>, vector<8x128xf32>
    tpu.vector_store %arg2[%swap3A_72, %swap3A_73], %scan3A_70#2 {strides = array<i32>} : memref<8x1024xf32, #tpu.memory_space<vmem>>, vector<8x128xf32>,
    %swap3A_75 = arith.constant 0 : index
    %swap3A_76 = arith.constant 384 : index
    %swap3A_77 = vector.load %arg3[%swap3A_75, %swap3A_76] : memref<8x1024xf32, #tpu.memory_space<vmem>>, vector<8x128xf32>
    tpu.vector_store %arg3[%swap3A_75, %swap3A_76], %scan3A_70#3 {strides = array<i32>} : memref<8x1024xf32, #tpu.memory_space<vmem>>, vector<8x128xf32>,
    %swap3A_78 = arith.constant 0 : index
    %swap3A_79 = arith.constant 384 : index
    %swap3A_80 = vector.load %arg4[%swap3A_78, %swap3A_79] : memref<8x1024xf32, #tpu.memory_space<vmem>>, vector<8x128xf32>
    tpu.vector_store %arg4[%swap3A_78, %swap3A_79], %scan3A_70#4 {strides = array<i32>} : memref<8x1024xf32, #tpu.memory_space<vmem>>, vector<8x128xf32>,
    %scan3A_81 = arith.constant 0 : i32
    %scan3A_82 = arith.constant 128 : i32
    %scan3A_83 = arith.addi %scan3A_81, %scan3A_82 : i32
    %scan3A_84 = arith.constant 1 : i32
    %scan3A_85:5 = scf.for %scan3A_141 = %scan3A_81 to %scan3A_83 step %scan3A_84 iter_args(%scan3A_142 = %scan3A_70#0, %scan3A_143 = %scan3A_70#1, %scan3A_144 = %broadcast_in_dim3A_22, %scan3A_145 = %broadcast_in_dim3A_22, %scan3A_146 = %broadcast_in_dim3A_22) -> (vector<8x4096xf32>, vector<8x4096xf32>, vector<8x128xf32>, vector<8x128xf32>, vector<8x128xf32>)  : i32 {
      %mul3A = arith.mulf %scan3A_143, %get3A_3 : vector<8x4096xf32>
      %reduce_sum3A = arith.constant dense<0.000000e+00> : vector<8xf32>
      %reduce_sum3A_147 = vector.multi_reduction <add>, %mul3A, %reduce_sum3A [1] : vector<8x4096xf32> to vector<8xf32>
      %broadcast_in_dim3A_148 = vector.shape_cast %reduce_sum3A_147 : vector<8xf32> to vector<8x1xf32>
      %mul3A_149 = arith.mulf %scan3A_143, %get3A_8 : vector<8x4096xf32>
      %reduce_sum3A_150 = arith.constant dense<0.000000e+00> : vector<8xf32>
      %reduce_sum3A_151 = vector.multi_reduction <add>, %mul3A_149, %reduce_sum3A_150 [1] : vector<8x4096xf32> to vector<8xf32>
      %broadcast_in_dim3A_152 = vector.shape_cast %reduce_sum3A_151 : vector<8xf32> to vector<8x1xf32>
      %mul3A_153 = arith.mulf %scan3A_143, %get3A_13 : vector<8x4096xf32>
      %reduce_sum3A_154 = arith.constant dense<0.000000e+00> : vector<8xf32>
      %reduce_sum3A_155 = vector.multi_reduction <add>, %mul3A_153, %reduce_sum3A_154 [1] : vector<8x4096xf32> to vector<8xf32>
      %broadcast_in_dim3A_156 = vector.shape_cast %reduce_sum3A_155 : vector<8xf32> to vector<8x1xf32>
      %eq3A_157 = vector.broadcast %scan3A_141 : i32 to vector<8x128xi32>
      %eq3A_158 = arith.cmpi eq, %iota3A_17, %eq3A_157 : vector<8x128xi32>
      %broadcast_in_dim3A_159 = vector.shape_cast %broadcast_in_dim3A_148 : vector<8x1xf32> to vector<8x1xf32>
      %broadcast_in_dim3A_160 = vector.broadcast %broadcast_in_dim3A_159 : vector<8x1xf32> to vector<8x128xf32>
      %select_n3A = arith.select %eq3A_158, %broadcast_in_dim3A_160, %scan3A_144 : vector<8x128xi1>, vector<8x128xf32>
      %broadcast_in_dim3A_161 = vector.shape_cast %broadcast_in_dim3A_152 : vector<8x1xf32> to vector<8x1xf32>
      %broadcast_in_dim3A_162 = vector.broadcast %broadcast_in_dim3A_161 : vector<8x1xf32> to vector<8x128xf32>
      %select_n3A_163 = arith.select %eq3A_158, %broadcast_in_dim3A_162, %scan3A_145 : vector<8x128xi1>, vector<8x128xf32>
      %broadcast_in_dim3A_164 = vector.shape_cast %broadcast_in_dim3A_156 : vector<8x1xf32> to vector<8x1xf32>
      %broadcast_in_dim3A_165 = vector.broadcast %broadcast_in_dim3A_164 : vector<8x1xf32> to vector<8x128xf32>
      %select_n3A_166 = arith.select %eq3A_158, %broadcast_in_dim3A_165, %scan3A_146 : vector<8x128xi1>, vector<8x128xf32>
      %sub3A = vector.broadcast %broadcast_in_dim3A_148 : vector<8x1xf32> to vector<8x4096xf32>
      %sub3A_167 = arith.subf %get3A_3, %sub3A : vector<8x4096xf32>
      %integer_pow3A = arith.mulf %sub3A_167, %sub3A_167 : vector<8x4096xf32>
      %sub3A_168 = vector.broadcast %broadcast_in_dim3A_152 : vector<8x1xf32> to vector<8x4096xf32>
      %sub3A_169 = arith.subf %get3A_8, %sub3A_168 : vector<8x4096xf32>
      %integer_pow3A_170 = arith.mulf %sub3A_169, %sub3A_169 : vector<8x4096xf32>
      %add3A = arith.addf %integer_pow3A, %integer_pow3A_170 : vector<8x4096xf32>
      %sub3A_171 = vector.broadcast %broadcast_in_dim3A_156 : vector<8x1xf32> to vector<8x4096xf32>
      %sub3A_172 = arith.subf %get3A_13, %sub3A_171 : vector<8x4096xf32>
      %integer_pow3A_173 = arith.mulf %sub3A_172, %sub3A_172 : vector<8x4096xf32>
      %add3A_174 = arith.addf %add3A, %integer_pow3A_173 : vector<8x4096xf32>
      %min3A = arith.minimumf %scan3A_142, %add3A_174 : vector<8x4096xf32>
      %reduce_max3A = arith.constant dense<0xFF800000> : vector<8xf32>
      %reduce_max3A_175 = vector.multi_reduction <maximumf>, %min3A, %reduce_max3A [1] : vector<8x4096xf32> to vector<8xf32>
      %broadcast_in_dim3A_176 = vector.shape_cast %reduce_max3A_175 : vector<8xf32> to vector<8x1xf32>
      %eq3A_177 = vector.broadcast %broadcast_in_dim3A_176 : vector<8x1xf32> to vector<8x4096xf32>
      %eq3A_178 = arith.cmpf oeq, %min3A, %eq3A_177 : vector<8x4096xf32>
      %convert_element_type3A_179 = arith.extui %eq3A_178 : vector<8x4096xi1> to vector<8x4096xi32>
      %convert_element_type3A_180 = arith.sitofp %convert_element_type3A_179 : vector<8x4096xi32> to vector<8x4096xf32>
      scf.yield %min3A, %convert_element_type3A_180, %select_n3A, %select_n3A_163, %select_n3A_166 : vector<8x4096xf32>, vector<8x4096xf32>, vector<8x128xf32>, vector<8x128xf32>, vector<8x128xf32>
    }
    %scan3A_86 = arith.constant 128 : i32
    %swap3A_87 = arith.constant 0 : index
    %swap3A_88 = arith.constant 512 : index
    %swap3A_89 = vector.load %arg2[%swap3A_87, %swap3A_88] : memref<8x1024xf32, #tpu.memory_space<vmem>>, vector<8x128xf32>
    tpu.vector_store %arg2[%swap3A_87, %swap3A_88], %scan3A_85#2 {strides = array<i32>} : memref<8x1024xf32, #tpu.memory_space<vmem>>, vector<8x128xf32>,
    %swap3A_90 = arith.constant 0 : index
    %swap3A_91 = arith.constant 512 : index
    %swap3A_92 = vector.load %arg3[%swap3A_90, %swap3A_91] : memref<8x1024xf32, #tpu.memory_space<vmem>>, vector<8x128xf32>
    tpu.vector_store %arg3[%swap3A_90, %swap3A_91], %scan3A_85#3 {strides = array<i32>} : memref<8x1024xf32, #tpu.memory_space<vmem>>, vector<8x128xf32>,
    %swap3A_93 = arith.constant 0 : index
    %swap3A_94 = arith.constant 512 : index
    %swap3A_95 = vector.load %arg4[%swap3A_93, %swap3A_94] : memref<8x1024xf32, #tpu.memory_space<vmem>>, vector<8x128xf32>
    tpu.vector_store %arg4[%swap3A_93, %swap3A_94], %scan3A_85#4 {strides = array<i32>} : memref<8x1024xf32, #tpu.memory_space<vmem>>, vector<8x128xf32>,
    %scan3A_96 = arith.constant 0 : i32
    %scan3A_97 = arith.constant 128 : i32
    %scan3A_98 = arith.addi %scan3A_96, %scan3A_97 : i32
    %scan3A_99 = arith.constant 1 : i32
    %scan3A_100:5 = scf.for %scan3A_141 = %scan3A_96 to %scan3A_98 step %scan3A_99 iter_args(%scan3A_142 = %scan3A_85#0, %scan3A_143 = %scan3A_85#1, %scan3A_144 = %broadcast_in_dim3A_22, %scan3A_145 = %broadcast_in_dim3A_22, %scan3A_146 = %broadcast_in_dim3A_22) -> (vector<8x4096xf32>, vector<8x4096xf32>, vector<8x128xf32>, vector<8x128xf32>, vector<8x128xf32>)  : i32 {
      %mul3A = arith.mulf %scan3A_143, %get3A_3 : vector<8x4096xf32>
      %reduce_sum3A = arith.constant dense<0.000000e+00> : vector<8xf32>
      %reduce_sum3A_147 = vector.multi_reduction <add>, %mul3A, %reduce_sum3A [1] : vector<8x4096xf32> to vector<8xf32>
      %broadcast_in_dim3A_148 = vector.shape_cast %reduce_sum3A_147 : vector<8xf32> to vector<8x1xf32>
      %mul3A_149 = arith.mulf %scan3A_143, %get3A_8 : vector<8x4096xf32>
      %reduce_sum3A_150 = arith.constant dense<0.000000e+00> : vector<8xf32>
      %reduce_sum3A_151 = vector.multi_reduction <add>, %mul3A_149, %reduce_sum3A_150 [1] : vector<8x4096xf32> to vector<8xf32>
      %broadcast_in_dim3A_152 = vector.shape_cast %reduce_sum3A_151 : vector<8xf32> to vector<8x1xf32>
      %mul3A_153 = arith.mulf %scan3A_143, %get3A_13 : vector<8x4096xf32>
      %reduce_sum3A_154 = arith.constant dense<0.000000e+00> : vector<8xf32>
      %reduce_sum3A_155 = vector.multi_reduction <add>, %mul3A_153, %reduce_sum3A_154 [1] : vector<8x4096xf32> to vector<8xf32>
      %broadcast_in_dim3A_156 = vector.shape_cast %reduce_sum3A_155 : vector<8xf32> to vector<8x1xf32>
      %eq3A_157 = vector.broadcast %scan3A_141 : i32 to vector<8x128xi32>
      %eq3A_158 = arith.cmpi eq, %iota3A_17, %eq3A_157 : vector<8x128xi32>
      %broadcast_in_dim3A_159 = vector.shape_cast %broadcast_in_dim3A_148 : vector<8x1xf32> to vector<8x1xf32>
      %broadcast_in_dim3A_160 = vector.broadcast %broadcast_in_dim3A_159 : vector<8x1xf32> to vector<8x128xf32>
      %select_n3A = arith.select %eq3A_158, %broadcast_in_dim3A_160, %scan3A_144 : vector<8x128xi1>, vector<8x128xf32>
      %broadcast_in_dim3A_161 = vector.shape_cast %broadcast_in_dim3A_152 : vector<8x1xf32> to vector<8x1xf32>
      %broadcast_in_dim3A_162 = vector.broadcast %broadcast_in_dim3A_161 : vector<8x1xf32> to vector<8x128xf32>
      %select_n3A_163 = arith.select %eq3A_158, %broadcast_in_dim3A_162, %scan3A_145 : vector<8x128xi1>, vector<8x128xf32>
      %broadcast_in_dim3A_164 = vector.shape_cast %broadcast_in_dim3A_156 : vector<8x1xf32> to vector<8x1xf32>
      %broadcast_in_dim3A_165 = vector.broadcast %broadcast_in_dim3A_164 : vector<8x1xf32> to vector<8x128xf32>
      %select_n3A_166 = arith.select %eq3A_158, %broadcast_in_dim3A_165, %scan3A_146 : vector<8x128xi1>, vector<8x128xf32>
      %sub3A = vector.broadcast %broadcast_in_dim3A_148 : vector<8x1xf32> to vector<8x4096xf32>
      %sub3A_167 = arith.subf %get3A_3, %sub3A : vector<8x4096xf32>
      %integer_pow3A = arith.mulf %sub3A_167, %sub3A_167 : vector<8x4096xf32>
      %sub3A_168 = vector.broadcast %broadcast_in_dim3A_152 : vector<8x1xf32> to vector<8x4096xf32>
      %sub3A_169 = arith.subf %get3A_8, %sub3A_168 : vector<8x4096xf32>
      %integer_pow3A_170 = arith.mulf %sub3A_169, %sub3A_169 : vector<8x4096xf32>
      %add3A = arith.addf %integer_pow3A, %integer_pow3A_170 : vector<8x4096xf32>
      %sub3A_171 = vector.broadcast %broadcast_in_dim3A_156 : vector<8x1xf32> to vector<8x4096xf32>
      %sub3A_172 = arith.subf %get3A_13, %sub3A_171 : vector<8x4096xf32>
      %integer_pow3A_173 = arith.mulf %sub3A_172, %sub3A_172 : vector<8x4096xf32>
      %add3A_174 = arith.addf %add3A, %integer_pow3A_173 : vector<8x4096xf32>
      %min3A = arith.minimumf %scan3A_142, %add3A_174 : vector<8x4096xf32>
      %reduce_max3A = arith.constant dense<0xFF800000> : vector<8xf32>
      %reduce_max3A_175 = vector.multi_reduction <maximumf>, %min3A, %reduce_max3A [1] : vector<8x4096xf32> to vector<8xf32>
      %broadcast_in_dim3A_176 = vector.shape_cast %reduce_max3A_175 : vector<8xf32> to vector<8x1xf32>
      %eq3A_177 = vector.broadcast %broadcast_in_dim3A_176 : vector<8x1xf32> to vector<8x4096xf32>
      %eq3A_178 = arith.cmpf oeq, %min3A, %eq3A_177 : vector<8x4096xf32>
      %convert_element_type3A_179 = arith.extui %eq3A_178 : vector<8x4096xi1> to vector<8x4096xi32>
      %convert_element_type3A_180 = arith.sitofp %convert_element_type3A_179 : vector<8x4096xi32> to vector<8x4096xf32>
      scf.yield %min3A, %convert_element_type3A_180, %select_n3A, %select_n3A_163, %select_n3A_166 : vector<8x4096xf32>, vector<8x4096xf32>, vector<8x128xf32>, vector<8x128xf32>, vector<8x128xf32>
    }
    %scan3A_101 = arith.constant 128 : i32
    %swap3A_102 = arith.constant 0 : index
    %swap3A_103 = arith.constant 640 : index
    %swap3A_104 = vector.load %arg2[%swap3A_102, %swap3A_103] : memref<8x1024xf32, #tpu.memory_space<vmem>>, vector<8x128xf32>
    tpu.vector_store %arg2[%swap3A_102, %swap3A_103], %scan3A_100#2 {strides = array<i32>} : memref<8x1024xf32, #tpu.memory_space<vmem>>, vector<8x128xf32>,
    %swap3A_105 = arith.constant 0 : index
    %swap3A_106 = arith.constant 640 : index
    %swap3A_107 = vector.load %arg3[%swap3A_105, %swap3A_106] : memref<8x1024xf32, #tpu.memory_space<vmem>>, vector<8x128xf32>
    tpu.vector_store %arg3[%swap3A_105, %swap3A_106], %scan3A_100#3 {strides = array<i32>} : memref<8x1024xf32, #tpu.memory_space<vmem>>, vector<8x128xf32>,
    %swap3A_108 = arith.constant 0 : index
    %swap3A_109 = arith.constant 640 : index
    %swap3A_110 = vector.load %arg4[%swap3A_108, %swap3A_109] : memref<8x1024xf32, #tpu.memory_space<vmem>>, vector<8x128xf32>
    tpu.vector_store %arg4[%swap3A_108, %swap3A_109], %scan3A_100#4 {strides = array<i32>} : memref<8x1024xf32, #tpu.memory_space<vmem>>, vector<8x128xf32>,
    %scan3A_111 = arith.constant 0 : i32
    %scan3A_112 = arith.constant 128 : i32
    %scan3A_113 = arith.addi %scan3A_111, %scan3A_112 : i32
    %scan3A_114 = arith.constant 1 : i32
    %scan3A_115:5 = scf.for %scan3A_141 = %scan3A_111 to %scan3A_113 step %scan3A_114 iter_args(%scan3A_142 = %scan3A_100#0, %scan3A_143 = %scan3A_100#1, %scan3A_144 = %broadcast_in_dim3A_22, %scan3A_145 = %broadcast_in_dim3A_22, %scan3A_146 = %broadcast_in_dim3A_22) -> (vector<8x4096xf32>, vector<8x4096xf32>, vector<8x128xf32>, vector<8x128xf32>, vector<8x128xf32>)  : i32 {
      %mul3A = arith.mulf %scan3A_143, %get3A_3 : vector<8x4096xf32>
      %reduce_sum3A = arith.constant dense<0.000000e+00> : vector<8xf32>
      %reduce_sum3A_147 = vector.multi_reduction <add>, %mul3A, %reduce_sum3A [1] : vector<8x4096xf32> to vector<8xf32>
      %broadcast_in_dim3A_148 = vector.shape_cast %reduce_sum3A_147 : vector<8xf32> to vector<8x1xf32>
      %mul3A_149 = arith.mulf %scan3A_143, %get3A_8 : vector<8x4096xf32>
      %reduce_sum3A_150 = arith.constant dense<0.000000e+00> : vector<8xf32>
      %reduce_sum3A_151 = vector.multi_reduction <add>, %mul3A_149, %reduce_sum3A_150 [1] : vector<8x4096xf32> to vector<8xf32>
      %broadcast_in_dim3A_152 = vector.shape_cast %reduce_sum3A_151 : vector<8xf32> to vector<8x1xf32>
      %mul3A_153 = arith.mulf %scan3A_143, %get3A_13 : vector<8x4096xf32>
      %reduce_sum3A_154 = arith.constant dense<0.000000e+00> : vector<8xf32>
      %reduce_sum3A_155 = vector.multi_reduction <add>, %mul3A_153, %reduce_sum3A_154 [1] : vector<8x4096xf32> to vector<8xf32>
      %broadcast_in_dim3A_156 = vector.shape_cast %reduce_sum3A_155 : vector<8xf32> to vector<8x1xf32>
      %eq3A_157 = vector.broadcast %scan3A_141 : i32 to vector<8x128xi32>
      %eq3A_158 = arith.cmpi eq, %iota3A_17, %eq3A_157 : vector<8x128xi32>
      %broadcast_in_dim3A_159 = vector.shape_cast %broadcast_in_dim3A_148 : vector<8x1xf32> to vector<8x1xf32>
      %broadcast_in_dim3A_160 = vector.broadcast %broadcast_in_dim3A_159 : vector<8x1xf32> to vector<8x128xf32>
      %select_n3A = arith.select %eq3A_158, %broadcast_in_dim3A_160, %scan3A_144 : vector<8x128xi1>, vector<8x128xf32>
      %broadcast_in_dim3A_161 = vector.shape_cast %broadcast_in_dim3A_152 : vector<8x1xf32> to vector<8x1xf32>
      %broadcast_in_dim3A_162 = vector.broadcast %broadcast_in_dim3A_161 : vector<8x1xf32> to vector<8x128xf32>
      %select_n3A_163 = arith.select %eq3A_158, %broadcast_in_dim3A_162, %scan3A_145 : vector<8x128xi1>, vector<8x128xf32>
      %broadcast_in_dim3A_164 = vector.shape_cast %broadcast_in_dim3A_156 : vector<8x1xf32> to vector<8x1xf32>
      %broadcast_in_dim3A_165 = vector.broadcast %broadcast_in_dim3A_164 : vector<8x1xf32> to vector<8x128xf32>
      %select_n3A_166 = arith.select %eq3A_158, %broadcast_in_dim3A_165, %scan3A_146 : vector<8x128xi1>, vector<8x128xf32>
      %sub3A = vector.broadcast %broadcast_in_dim3A_148 : vector<8x1xf32> to vector<8x4096xf32>
      %sub3A_167 = arith.subf %get3A_3, %sub3A : vector<8x4096xf32>
      %integer_pow3A = arith.mulf %sub3A_167, %sub3A_167 : vector<8x4096xf32>
      %sub3A_168 = vector.broadcast %broadcast_in_dim3A_152 : vector<8x1xf32> to vector<8x4096xf32>
      %sub3A_169 = arith.subf %get3A_8, %sub3A_168 : vector<8x4096xf32>
      %integer_pow3A_170 = arith.mulf %sub3A_169, %sub3A_169 : vector<8x4096xf32>
      %add3A = arith.addf %integer_pow3A, %integer_pow3A_170 : vector<8x4096xf32>
      %sub3A_171 = vector.broadcast %broadcast_in_dim3A_156 : vector<8x1xf32> to vector<8x4096xf32>
      %sub3A_172 = arith.subf %get3A_13, %sub3A_171 : vector<8x4096xf32>
      %integer_pow3A_173 = arith.mulf %sub3A_172, %sub3A_172 : vector<8x4096xf32>
      %add3A_174 = arith.addf %add3A, %integer_pow3A_173 : vector<8x4096xf32>
      %min3A = arith.minimumf %scan3A_142, %add3A_174 : vector<8x4096xf32>
      %reduce_max3A = arith.constant dense<0xFF800000> : vector<8xf32>
      %reduce_max3A_175 = vector.multi_reduction <maximumf>, %min3A, %reduce_max3A [1] : vector<8x4096xf32> to vector<8xf32>
      %broadcast_in_dim3A_176 = vector.shape_cast %reduce_max3A_175 : vector<8xf32> to vector<8x1xf32>
      %eq3A_177 = vector.broadcast %broadcast_in_dim3A_176 : vector<8x1xf32> to vector<8x4096xf32>
      %eq3A_178 = arith.cmpf oeq, %min3A, %eq3A_177 : vector<8x4096xf32>
      %convert_element_type3A_179 = arith.extui %eq3A_178 : vector<8x4096xi1> to vector<8x4096xi32>
      %convert_element_type3A_180 = arith.sitofp %convert_element_type3A_179 : vector<8x4096xi32> to vector<8x4096xf32>
      scf.yield %min3A, %convert_element_type3A_180, %select_n3A, %select_n3A_163, %select_n3A_166 : vector<8x4096xf32>, vector<8x4096xf32>, vector<8x128xf32>, vector<8x128xf32>, vector<8x128xf32>
    }
    %scan3A_116 = arith.constant 128 : i32
    %swap3A_117 = arith.constant 0 : index
    %swap3A_118 = arith.constant 768 : index
    %swap3A_119 = vector.load %arg2[%swap3A_117, %swap3A_118] : memref<8x1024xf32, #tpu.memory_space<vmem>>, vector<8x128xf32>
    tpu.vector_store %arg2[%swap3A_117, %swap3A_118], %scan3A_115#2 {strides = array<i32>} : memref<8x1024xf32, #tpu.memory_space<vmem>>, vector<8x128xf32>,
    %swap3A_120 = arith.constant 0 : index
    %swap3A_121 = arith.constant 768 : index
    %swap3A_122 = vector.load %arg3[%swap3A_120, %swap3A_121] : memref<8x1024xf32, #tpu.memory_space<vmem>>, vector<8x128xf32>
    tpu.vector_store %arg3[%swap3A_120, %swap3A_121], %scan3A_115#3 {strides = array<i32>} : memref<8x1024xf32, #tpu.memory_space<vmem>>, vector<8x128xf32>,
    %swap3A_123 = arith.constant 0 : index
    %swap3A_124 = arith.constant 768 : index
    %swap3A_125 = vector.load %arg4[%swap3A_123, %swap3A_124] : memref<8x1024xf32, #tpu.memory_space<vmem>>, vector<8x128xf32>
    tpu.vector_store %arg4[%swap3A_123, %swap3A_124], %scan3A_115#4 {strides = array<i32>} : memref<8x1024xf32, #tpu.memory_space<vmem>>, vector<8x128xf32>,
    %scan3A_126 = arith.constant 0 : i32
    %scan3A_127 = arith.constant 128 : i32
    %scan3A_128 = arith.addi %scan3A_126, %scan3A_127 : i32
    %scan3A_129 = arith.constant 1 : i32
    %scan3A_130:5 = scf.for %scan3A_141 = %scan3A_126 to %scan3A_128 step %scan3A_129 iter_args(%scan3A_142 = %scan3A_115#0, %scan3A_143 = %scan3A_115#1, %scan3A_144 = %broadcast_in_dim3A_22, %scan3A_145 = %broadcast_in_dim3A_22, %scan3A_146 = %broadcast_in_dim3A_22) -> (vector<8x4096xf32>, vector<8x4096xf32>, vector<8x128xf32>, vector<8x128xf32>, vector<8x128xf32>)  : i32 {
      %mul3A = arith.mulf %scan3A_143, %get3A_3 : vector<8x4096xf32>
      %reduce_sum3A = arith.constant dense<0.000000e+00> : vector<8xf32>
      %reduce_sum3A_147 = vector.multi_reduction <add>, %mul3A, %reduce_sum3A [1] : vector<8x4096xf32> to vector<8xf32>
      %broadcast_in_dim3A_148 = vector.shape_cast %reduce_sum3A_147 : vector<8xf32> to vector<8x1xf32>
      %mul3A_149 = arith.mulf %scan3A_143, %get3A_8 : vector<8x4096xf32>
      %reduce_sum3A_150 = arith.constant dense<0.000000e+00> : vector<8xf32>
      %reduce_sum3A_151 = vector.multi_reduction <add>, %mul3A_149, %reduce_sum3A_150 [1] : vector<8x4096xf32> to vector<8xf32>
      %broadcast_in_dim3A_152 = vector.shape_cast %reduce_sum3A_151 : vector<8xf32> to vector<8x1xf32>
      %mul3A_153 = arith.mulf %scan3A_143, %get3A_13 : vector<8x4096xf32>
      %reduce_sum3A_154 = arith.constant dense<0.000000e+00> : vector<8xf32>
      %reduce_sum3A_155 = vector.multi_reduction <add>, %mul3A_153, %reduce_sum3A_154 [1] : vector<8x4096xf32> to vector<8xf32>
      %broadcast_in_dim3A_156 = vector.shape_cast %reduce_sum3A_155 : vector<8xf32> to vector<8x1xf32>
      %eq3A_157 = vector.broadcast %scan3A_141 : i32 to vector<8x128xi32>
      %eq3A_158 = arith.cmpi eq, %iota3A_17, %eq3A_157 : vector<8x128xi32>
      %broadcast_in_dim3A_159 = vector.shape_cast %broadcast_in_dim3A_148 : vector<8x1xf32> to vector<8x1xf32>
      %broadcast_in_dim3A_160 = vector.broadcast %broadcast_in_dim3A_159 : vector<8x1xf32> to vector<8x128xf32>
      %select_n3A = arith.select %eq3A_158, %broadcast_in_dim3A_160, %scan3A_144 : vector<8x128xi1>, vector<8x128xf32>
      %broadcast_in_dim3A_161 = vector.shape_cast %broadcast_in_dim3A_152 : vector<8x1xf32> to vector<8x1xf32>
      %broadcast_in_dim3A_162 = vector.broadcast %broadcast_in_dim3A_161 : vector<8x1xf32> to vector<8x128xf32>
      %select_n3A_163 = arith.select %eq3A_158, %broadcast_in_dim3A_162, %scan3A_145 : vector<8x128xi1>, vector<8x128xf32>
      %broadcast_in_dim3A_164 = vector.shape_cast %broadcast_in_dim3A_156 : vector<8x1xf32> to vector<8x1xf32>
      %broadcast_in_dim3A_165 = vector.broadcast %broadcast_in_dim3A_164 : vector<8x1xf32> to vector<8x128xf32>
      %select_n3A_166 = arith.select %eq3A_158, %broadcast_in_dim3A_165, %scan3A_146 : vector<8x128xi1>, vector<8x128xf32>
      %sub3A = vector.broadcast %broadcast_in_dim3A_148 : vector<8x1xf32> to vector<8x4096xf32>
      %sub3A_167 = arith.subf %get3A_3, %sub3A : vector<8x4096xf32>
      %integer_pow3A = arith.mulf %sub3A_167, %sub3A_167 : vector<8x4096xf32>
      %sub3A_168 = vector.broadcast %broadcast_in_dim3A_152 : vector<8x1xf32> to vector<8x4096xf32>
      %sub3A_169 = arith.subf %get3A_8, %sub3A_168 : vector<8x4096xf32>
      %integer_pow3A_170 = arith.mulf %sub3A_169, %sub3A_169 : vector<8x4096xf32>
      %add3A = arith.addf %integer_pow3A, %integer_pow3A_170 : vector<8x4096xf32>
      %sub3A_171 = vector.broadcast %broadcast_in_dim3A_156 : vector<8x1xf32> to vector<8x4096xf32>
      %sub3A_172 = arith.subf %get3A_13, %sub3A_171 : vector<8x4096xf32>
      %integer_pow3A_173 = arith.mulf %sub3A_172, %sub3A_172 : vector<8x4096xf32>
      %add3A_174 = arith.addf %add3A, %integer_pow3A_173 : vector<8x4096xf32>
      %min3A = arith.minimumf %scan3A_142, %add3A_174 : vector<8x4096xf32>
      %reduce_max3A = arith.constant dense<0xFF800000> : vector<8xf32>
      %reduce_max3A_175 = vector.multi_reduction <maximumf>, %min3A, %reduce_max3A [1] : vector<8x4096xf32> to vector<8xf32>
      %broadcast_in_dim3A_176 = vector.shape_cast %reduce_max3A_175 : vector<8xf32> to vector<8x1xf32>
      %eq3A_177 = vector.broadcast %broadcast_in_dim3A_176 : vector<8x1xf32> to vector<8x4096xf32>
      %eq3A_178 = arith.cmpf oeq, %min3A, %eq3A_177 : vector<8x4096xf32>
      %convert_element_type3A_179 = arith.extui %eq3A_178 : vector<8x4096xi1> to vector<8x4096xi32>
      %convert_element_type3A_180 = arith.sitofp %convert_element_type3A_179 : vector<8x4096xi32> to vector<8x4096xf32>
      scf.yield %min3A, %convert_element_type3A_180, %select_n3A, %select_n3A_163, %select_n3A_166 : vector<8x4096xf32>, vector<8x4096xf32>, vector<8x128xf32>, vector<8x128xf32>, vector<8x128xf32>
    }
    %scan3A_131 = arith.constant 128 : i32
    %swap3A_132 = arith.constant 0 : index
    %swap3A_133 = arith.constant 896 : index
    %swap3A_134 = vector.load %arg2[%swap3A_132, %swap3A_133] : memref<8x1024xf32, #tpu.memory_space<vmem>>, vector<8x128xf32>
    tpu.vector_store %arg2[%swap3A_132, %swap3A_133], %scan3A_130#2 {strides = array<i32>} : memref<8x1024xf32, #tpu.memory_space<vmem>>, vector<8x128xf32>,
    %swap3A_135 = arith.constant 0 : index
    %swap3A_136 = arith.constant 896 : index
    %swap3A_137 = vector.load %arg3[%swap3A_135, %swap3A_136] : memref<8x1024xf32, #tpu.memory_space<vmem>>, vector<8x128xf32>
    tpu.vector_store %arg3[%swap3A_135, %swap3A_136], %scan3A_130#3 {strides = array<i32>} : memref<8x1024xf32, #tpu.memory_space<vmem>>, vector<8x128xf32>,
    %swap3A_138 = arith.constant 0 : index
    %swap3A_139 = arith.constant 896 : index
    %swap3A_140 = vector.load %arg4[%swap3A_138, %swap3A_139] : memref<8x1024xf32, #tpu.memory_space<vmem>>, vector<8x128xf32>
    tpu.vector_store %arg4[%swap3A_138, %swap3A_139], %scan3A_130#4 {strides = array<i32>} : memref<8x1024xf32, #tpu.memory_space<vmem>>, vector<8x128xf32>,
    return
  }
}

module attributes {stable_mosaic.version = 14 : i64} {
  func.func @_knn_body(%arg0: i32, %arg1: i32, %arg2: memref<1x3x4096xf32, #tpu.memory_space<vmem>>, %arg3: memref<1x256x3xf32, #tpu.memory_space<vmem>>, %arg4: memref<1x256x16xi32, #tpu.memory_space<vmem>>) attributes {dimension_semantics = [#tpu.dimension_semantics<arbitrary>, #tpu.dimension_semantics<arbitrary>], iteration_bounds = array<i64: 8, 4>, scalar_prefetch = 0 : i64, scratch_operands = 0 : i64, tpu.core_type = #tpu.core_type<tc>, window_params = [{transform_indices = @transform_0, window_bounds = array<i64: 1, 3, 4096>}, {transform_indices = @transform_1, window_bounds = array<i64: 1, 256, 3>}, {transform_indices = @transform_2, window_bounds = array<i64: 1, 256, 16>}]} {
    %get3A = arith.constant 0 : index
    %get3A_0 = arith.constant 0 : index
    %get3A_1 = arith.constant 0 : index
    %get3A_2 = vector.load %arg2[%get3A, %get3A_0, %get3A_1] : memref<1x3x4096xf32, #tpu.memory_space<vmem>>, vector<1x1x4096xf32>
    %get3A_3 = vector.shape_cast %get3A_2 : vector<1x1x4096xf32> to vector<1x4096xf32>
    %get3A_4 = arith.constant 0 : index
    %get3A_5 = arith.constant 1 : index
    %get3A_6 = arith.constant 0 : index
    %get3A_7 = vector.load %arg2[%get3A_4, %get3A_5, %get3A_6] : memref<1x3x4096xf32, #tpu.memory_space<vmem>>, vector<1x1x4096xf32>
    %get3A_8 = vector.shape_cast %get3A_7 : vector<1x1x4096xf32> to vector<1x4096xf32>
    %get3A_9 = arith.constant 0 : index
    %get3A_10 = arith.constant 2 : index
    %get3A_11 = arith.constant 0 : index
    %get3A_12 = vector.load %arg2[%get3A_9, %get3A_10, %get3A_11] : memref<1x3x4096xf32, #tpu.memory_space<vmem>>, vector<1x1x4096xf32>
    %get3A_13 = vector.shape_cast %get3A_12 : vector<1x1x4096xf32> to vector<1x4096xf32>
    %get3A_14 = arith.constant 0 : index
    %get3A_15 = arith.constant 0 : index
    %get3A_16 = arith.constant 0 : index
    %get3A_17 = vector.load %arg3[%get3A_14, %get3A_15, %get3A_16] : memref<1x256x3xf32, #tpu.memory_space<vmem>>, vector<1x256x1xf32>
    %get3A_18 = vector.shape_cast %get3A_17 : vector<1x256x1xf32> to vector<256x1xf32>
    %get3A_19 = arith.constant 0 : index
    %get3A_20 = arith.constant 0 : index
    %get3A_21 = arith.constant 1 : index
    %get3A_22 = vector.load %arg3[%get3A_19, %get3A_20, %get3A_21] : memref<1x256x3xf32, #tpu.memory_space<vmem>>, vector<1x256x1xf32>
    %get3A_23 = vector.shape_cast %get3A_22 : vector<1x256x1xf32> to vector<256x1xf32>
    %get3A_24 = arith.constant 0 : index
    %get3A_25 = arith.constant 0 : index
    %get3A_26 = arith.constant 2 : index
    %get3A_27 = vector.load %arg3[%get3A_24, %get3A_25, %get3A_26] : memref<1x256x3xf32, #tpu.memory_space<vmem>>, vector<1x256x1xf32>
    %get3A_28 = vector.shape_cast %get3A_27 : vector<1x256x1xf32> to vector<256x1xf32>
    %sub3A = vector.broadcast %get3A_18 : vector<256x1xf32> to vector<256x4096xf32>
    %sub3A_29 = vector.broadcast %get3A_3 : vector<1x4096xf32> to vector<256x4096xf32>
    %sub3A_30 = arith.subf %sub3A, %sub3A_29 : vector<256x4096xf32>
    %integer_pow3A = arith.mulf %sub3A_30, %sub3A_30 : vector<256x4096xf32>
    %sub3A_31 = vector.broadcast %get3A_23 : vector<256x1xf32> to vector<256x4096xf32>
    %sub3A_32 = vector.broadcast %get3A_8 : vector<1x4096xf32> to vector<256x4096xf32>
    %sub3A_33 = arith.subf %sub3A_31, %sub3A_32 : vector<256x4096xf32>
    %integer_pow3A_34 = arith.mulf %sub3A_33, %sub3A_33 : vector<256x4096xf32>
    %add3A = arith.addf %integer_pow3A, %integer_pow3A_34 : vector<256x4096xf32>
    %sub3A_35 = vector.broadcast %get3A_28 : vector<256x1xf32> to vector<256x4096xf32>
    %sub3A_36 = vector.broadcast %get3A_13 : vector<1x4096xf32> to vector<256x4096xf32>
    %sub3A_37 = arith.subf %sub3A_35, %sub3A_36 : vector<256x4096xf32>
    %integer_pow3A_38 = arith.mulf %sub3A_37, %sub3A_37 : vector<256x4096xf32>
    %add3A_39 = arith.addf %add3A, %integer_pow3A_38 : vector<256x4096xf32>
    %iota3A = tpu.iota {dimensions = array<i32: 1>} : vector<256x4096xi32>
    %iota3A_40 = tpu.iota {dimensions = array<i32: 1>} : vector<256x16xi32>
    %broadcast_in_dim3A = arith.constant 0 : i32
    %broadcast_in_dim3A_41 = vector.broadcast %broadcast_in_dim3A : i32 to vector<256x16xi32>
    %reduce_min3A = arith.constant dense<0x7F800000> : vector<256xf32>
    %reduce_min3A_42 = vector.multi_reduction <minimumf>, %add3A_39, %reduce_min3A [1] : vector<256x4096xf32> to vector<256xf32>
    %broadcast_in_dim3A_43 = vector.shape_cast %reduce_min3A_42 : vector<256xf32> to vector<256x1xf32>
    %eq3A = vector.broadcast %broadcast_in_dim3A_43 : vector<256x1xf32> to vector<256x4096xf32>
    %eq3A_44 = arith.cmpf oeq, %add3A_39, %eq3A : vector<256x4096xf32>
    %jit3A = arith.constant 4096 : i32
    %broadcast_in_dim3A_45 = vector.broadcast %jit3A : i32 to vector<256x4096xi32>
    %select_n3A = arith.select %eq3A_44, %iota3A, %broadcast_in_dim3A_45 : vector<256x4096xi1>, vector<256x4096xi32>
    %reduce_min3A_46 = arith.constant dense<2147483647> : vector<256xi32>
    %reduce_min3A_47 = vector.multi_reduction <minsi>, %select_n3A, %reduce_min3A_46 [1] : vector<256x4096xi32> to vector<256xi32>
    %broadcast_in_dim3A_48 = vector.shape_cast %reduce_min3A_47 : vector<256xi32> to vector<256x1xi32>
    %eq3A_49 = arith.constant 0 : i32
    %eq3A_50 = vector.broadcast %eq3A_49 : i32 to vector<256x16xi32>
    %eq3A_51 = arith.cmpi eq, %iota3A_40, %eq3A_50 : vector<256x16xi32>
    %broadcast_in_dim3A_52 = vector.shape_cast %broadcast_in_dim3A_48 : vector<256x1xi32> to vector<256x1xi32>
    %broadcast_in_dim3A_53 = vector.broadcast %broadcast_in_dim3A_52 : vector<256x1xi32> to vector<256x16xi32>
    %select_n3A_54 = arith.select %eq3A_51, %broadcast_in_dim3A_53, %broadcast_in_dim3A_41 : vector<256x16xi1>, vector<256x16xi32>
    %jit3A_55 = arith.constant 3.000000e+38 : f32
    %broadcast_in_dim3A_56 = vector.broadcast %jit3A_55 : f32 to vector<256x4096xf32>
    %select_n3A_57 = arith.select %eq3A_44, %broadcast_in_dim3A_56, %add3A_39 : vector<256x4096xi1>, vector<256x4096xf32>
    %reduce_min3A_58 = arith.constant dense<0x7F800000> : vector<256xf32>
    %reduce_min3A_59 = vector.multi_reduction <minimumf>, %select_n3A_57, %reduce_min3A_58 [1] : vector<256x4096xf32> to vector<256xf32>
    %broadcast_in_dim3A_60 = vector.shape_cast %reduce_min3A_59 : vector<256xf32> to vector<256x1xf32>
    %eq3A_61 = vector.broadcast %broadcast_in_dim3A_60 : vector<256x1xf32> to vector<256x4096xf32>
    %eq3A_62 = arith.cmpf oeq, %select_n3A_57, %eq3A_61 : vector<256x4096xf32>
    %jit3A_63 = arith.constant 4096 : i32
    %broadcast_in_dim3A_64 = vector.broadcast %jit3A_63 : i32 to vector<256x4096xi32>
    %select_n3A_65 = arith.select %eq3A_62, %iota3A, %broadcast_in_dim3A_64 : vector<256x4096xi1>, vector<256x4096xi32>
    %reduce_min3A_66 = arith.constant dense<2147483647> : vector<256xi32>
    %reduce_min3A_67 = vector.multi_reduction <minsi>, %select_n3A_65, %reduce_min3A_66 [1] : vector<256x4096xi32> to vector<256xi32>
    %broadcast_in_dim3A_68 = vector.shape_cast %reduce_min3A_67 : vector<256xi32> to vector<256x1xi32>
    %eq3A_69 = arith.constant 1 : i32
    %eq3A_70 = vector.broadcast %eq3A_69 : i32 to vector<256x16xi32>
    %eq3A_71 = arith.cmpi eq, %iota3A_40, %eq3A_70 : vector<256x16xi32>
    %broadcast_in_dim3A_72 = vector.shape_cast %broadcast_in_dim3A_68 : vector<256x1xi32> to vector<256x1xi32>
    %broadcast_in_dim3A_73 = vector.broadcast %broadcast_in_dim3A_72 : vector<256x1xi32> to vector<256x16xi32>
    %select_n3A_74 = arith.select %eq3A_71, %broadcast_in_dim3A_73, %select_n3A_54 : vector<256x16xi1>, vector<256x16xi32>
    %jit3A_75 = arith.constant 3.000000e+38 : f32
    %broadcast_in_dim3A_76 = vector.broadcast %jit3A_75 : f32 to vector<256x4096xf32>
    %select_n3A_77 = arith.select %eq3A_62, %broadcast_in_dim3A_76, %select_n3A_57 : vector<256x4096xi1>, vector<256x4096xf32>
    %reduce_min3A_78 = arith.constant dense<0x7F800000> : vector<256xf32>
    %reduce_min3A_79 = vector.multi_reduction <minimumf>, %select_n3A_77, %reduce_min3A_78 [1] : vector<256x4096xf32> to vector<256xf32>
    %broadcast_in_dim3A_80 = vector.shape_cast %reduce_min3A_79 : vector<256xf32> to vector<256x1xf32>
    %eq3A_81 = vector.broadcast %broadcast_in_dim3A_80 : vector<256x1xf32> to vector<256x4096xf32>
    %eq3A_82 = arith.cmpf oeq, %select_n3A_77, %eq3A_81 : vector<256x4096xf32>
    %jit3A_83 = arith.constant 4096 : i32
    %broadcast_in_dim3A_84 = vector.broadcast %jit3A_83 : i32 to vector<256x4096xi32>
    %select_n3A_85 = arith.select %eq3A_82, %iota3A, %broadcast_in_dim3A_84 : vector<256x4096xi1>, vector<256x4096xi32>
    %reduce_min3A_86 = arith.constant dense<2147483647> : vector<256xi32>
    %reduce_min3A_87 = vector.multi_reduction <minsi>, %select_n3A_85, %reduce_min3A_86 [1] : vector<256x4096xi32> to vector<256xi32>
    %broadcast_in_dim3A_88 = vector.shape_cast %reduce_min3A_87 : vector<256xi32> to vector<256x1xi32>
    %eq3A_89 = arith.constant 2 : i32
    %eq3A_90 = vector.broadcast %eq3A_89 : i32 to vector<256x16xi32>
    %eq3A_91 = arith.cmpi eq, %iota3A_40, %eq3A_90 : vector<256x16xi32>
    %broadcast_in_dim3A_92 = vector.shape_cast %broadcast_in_dim3A_88 : vector<256x1xi32> to vector<256x1xi32>
    %broadcast_in_dim3A_93 = vector.broadcast %broadcast_in_dim3A_92 : vector<256x1xi32> to vector<256x16xi32>
    %select_n3A_94 = arith.select %eq3A_91, %broadcast_in_dim3A_93, %select_n3A_74 : vector<256x16xi1>, vector<256x16xi32>
    %jit3A_95 = arith.constant 3.000000e+38 : f32
    %broadcast_in_dim3A_96 = vector.broadcast %jit3A_95 : f32 to vector<256x4096xf32>
    %select_n3A_97 = arith.select %eq3A_82, %broadcast_in_dim3A_96, %select_n3A_77 : vector<256x4096xi1>, vector<256x4096xf32>
    %reduce_min3A_98 = arith.constant dense<0x7F800000> : vector<256xf32>
    %reduce_min3A_99 = vector.multi_reduction <minimumf>, %select_n3A_97, %reduce_min3A_98 [1] : vector<256x4096xf32> to vector<256xf32>
    %broadcast_in_dim3A_100 = vector.shape_cast %reduce_min3A_99 : vector<256xf32> to vector<256x1xf32>
    %eq3A_101 = vector.broadcast %broadcast_in_dim3A_100 : vector<256x1xf32> to vector<256x4096xf32>
    %eq3A_102 = arith.cmpf oeq, %select_n3A_97, %eq3A_101 : vector<256x4096xf32>
    %jit3A_103 = arith.constant 4096 : i32
    %broadcast_in_dim3A_104 = vector.broadcast %jit3A_103 : i32 to vector<256x4096xi32>
    %select_n3A_105 = arith.select %eq3A_102, %iota3A, %broadcast_in_dim3A_104 : vector<256x4096xi1>, vector<256x4096xi32>
    %reduce_min3A_106 = arith.constant dense<2147483647> : vector<256xi32>
    %reduce_min3A_107 = vector.multi_reduction <minsi>, %select_n3A_105, %reduce_min3A_106 [1] : vector<256x4096xi32> to vector<256xi32>
    %broadcast_in_dim3A_108 = vector.shape_cast %reduce_min3A_107 : vector<256xi32> to vector<256x1xi32>
    %eq3A_109 = arith.constant 3 : i32
    %eq3A_110 = vector.broadcast %eq3A_109 : i32 to vector<256x16xi32>
    %eq3A_111 = arith.cmpi eq, %iota3A_40, %eq3A_110 : vector<256x16xi32>
    %broadcast_in_dim3A_112 = vector.shape_cast %broadcast_in_dim3A_108 : vector<256x1xi32> to vector<256x1xi32>
    %broadcast_in_dim3A_113 = vector.broadcast %broadcast_in_dim3A_112 : vector<256x1xi32> to vector<256x16xi32>
    %select_n3A_114 = arith.select %eq3A_111, %broadcast_in_dim3A_113, %select_n3A_94 : vector<256x16xi1>, vector<256x16xi32>
    %jit3A_115 = arith.constant 3.000000e+38 : f32
    %broadcast_in_dim3A_116 = vector.broadcast %jit3A_115 : f32 to vector<256x4096xf32>
    %select_n3A_117 = arith.select %eq3A_102, %broadcast_in_dim3A_116, %select_n3A_97 : vector<256x4096xi1>, vector<256x4096xf32>
    %reduce_min3A_118 = arith.constant dense<0x7F800000> : vector<256xf32>
    %reduce_min3A_119 = vector.multi_reduction <minimumf>, %select_n3A_117, %reduce_min3A_118 [1] : vector<256x4096xf32> to vector<256xf32>
    %broadcast_in_dim3A_120 = vector.shape_cast %reduce_min3A_119 : vector<256xf32> to vector<256x1xf32>
    %eq3A_121 = vector.broadcast %broadcast_in_dim3A_120 : vector<256x1xf32> to vector<256x4096xf32>
    %eq3A_122 = arith.cmpf oeq, %select_n3A_117, %eq3A_121 : vector<256x4096xf32>
    %jit3A_123 = arith.constant 4096 : i32
    %broadcast_in_dim3A_124 = vector.broadcast %jit3A_123 : i32 to vector<256x4096xi32>
    %select_n3A_125 = arith.select %eq3A_122, %iota3A, %broadcast_in_dim3A_124 : vector<256x4096xi1>, vector<256x4096xi32>
    %reduce_min3A_126 = arith.constant dense<2147483647> : vector<256xi32>
    %reduce_min3A_127 = vector.multi_reduction <minsi>, %select_n3A_125, %reduce_min3A_126 [1] : vector<256x4096xi32> to vector<256xi32>
    %broadcast_in_dim3A_128 = vector.shape_cast %reduce_min3A_127 : vector<256xi32> to vector<256x1xi32>
    %eq3A_129 = arith.constant 4 : i32
    %eq3A_130 = vector.broadcast %eq3A_129 : i32 to vector<256x16xi32>
    %eq3A_131 = arith.cmpi eq, %iota3A_40, %eq3A_130 : vector<256x16xi32>
    %broadcast_in_dim3A_132 = vector.shape_cast %broadcast_in_dim3A_128 : vector<256x1xi32> to vector<256x1xi32>
    %broadcast_in_dim3A_133 = vector.broadcast %broadcast_in_dim3A_132 : vector<256x1xi32> to vector<256x16xi32>
    %select_n3A_134 = arith.select %eq3A_131, %broadcast_in_dim3A_133, %select_n3A_114 : vector<256x16xi1>, vector<256x16xi32>
    %jit3A_135 = arith.constant 3.000000e+38 : f32
    %broadcast_in_dim3A_136 = vector.broadcast %jit3A_135 : f32 to vector<256x4096xf32>
    %select_n3A_137 = arith.select %eq3A_122, %broadcast_in_dim3A_136, %select_n3A_117 : vector<256x4096xi1>, vector<256x4096xf32>
    %reduce_min3A_138 = arith.constant dense<0x7F800000> : vector<256xf32>
    %reduce_min3A_139 = vector.multi_reduction <minimumf>, %select_n3A_137, %reduce_min3A_138 [1] : vector<256x4096xf32> to vector<256xf32>
    %broadcast_in_dim3A_140 = vector.shape_cast %reduce_min3A_139 : vector<256xf32> to vector<256x1xf32>
    %eq3A_141 = vector.broadcast %broadcast_in_dim3A_140 : vector<256x1xf32> to vector<256x4096xf32>
    %eq3A_142 = arith.cmpf oeq, %select_n3A_137, %eq3A_141 : vector<256x4096xf32>
    %jit3A_143 = arith.constant 4096 : i32
    %broadcast_in_dim3A_144 = vector.broadcast %jit3A_143 : i32 to vector<256x4096xi32>
    %select_n3A_145 = arith.select %eq3A_142, %iota3A, %broadcast_in_dim3A_144 : vector<256x4096xi1>, vector<256x4096xi32>
    %reduce_min3A_146 = arith.constant dense<2147483647> : vector<256xi32>
    %reduce_min3A_147 = vector.multi_reduction <minsi>, %select_n3A_145, %reduce_min3A_146 [1] : vector<256x4096xi32> to vector<256xi32>
    %broadcast_in_dim3A_148 = vector.shape_cast %reduce_min3A_147 : vector<256xi32> to vector<256x1xi32>
    %eq3A_149 = arith.constant 5 : i32
    %eq3A_150 = vector.broadcast %eq3A_149 : i32 to vector<256x16xi32>
    %eq3A_151 = arith.cmpi eq, %iota3A_40, %eq3A_150 : vector<256x16xi32>
    %broadcast_in_dim3A_152 = vector.shape_cast %broadcast_in_dim3A_148 : vector<256x1xi32> to vector<256x1xi32>
    %broadcast_in_dim3A_153 = vector.broadcast %broadcast_in_dim3A_152 : vector<256x1xi32> to vector<256x16xi32>
    %select_n3A_154 = arith.select %eq3A_151, %broadcast_in_dim3A_153, %select_n3A_134 : vector<256x16xi1>, vector<256x16xi32>
    %jit3A_155 = arith.constant 3.000000e+38 : f32
    %broadcast_in_dim3A_156 = vector.broadcast %jit3A_155 : f32 to vector<256x4096xf32>
    %select_n3A_157 = arith.select %eq3A_142, %broadcast_in_dim3A_156, %select_n3A_137 : vector<256x4096xi1>, vector<256x4096xf32>
    %reduce_min3A_158 = arith.constant dense<0x7F800000> : vector<256xf32>
    %reduce_min3A_159 = vector.multi_reduction <minimumf>, %select_n3A_157, %reduce_min3A_158 [1] : vector<256x4096xf32> to vector<256xf32>
    %broadcast_in_dim3A_160 = vector.shape_cast %reduce_min3A_159 : vector<256xf32> to vector<256x1xf32>
    %eq3A_161 = vector.broadcast %broadcast_in_dim3A_160 : vector<256x1xf32> to vector<256x4096xf32>
    %eq3A_162 = arith.cmpf oeq, %select_n3A_157, %eq3A_161 : vector<256x4096xf32>
    %jit3A_163 = arith.constant 4096 : i32
    %broadcast_in_dim3A_164 = vector.broadcast %jit3A_163 : i32 to vector<256x4096xi32>
    %select_n3A_165 = arith.select %eq3A_162, %iota3A, %broadcast_in_dim3A_164 : vector<256x4096xi1>, vector<256x4096xi32>
    %reduce_min3A_166 = arith.constant dense<2147483647> : vector<256xi32>
    %reduce_min3A_167 = vector.multi_reduction <minsi>, %select_n3A_165, %reduce_min3A_166 [1] : vector<256x4096xi32> to vector<256xi32>
    %broadcast_in_dim3A_168 = vector.shape_cast %reduce_min3A_167 : vector<256xi32> to vector<256x1xi32>
    %eq3A_169 = arith.constant 6 : i32
    %eq3A_170 = vector.broadcast %eq3A_169 : i32 to vector<256x16xi32>
    %eq3A_171 = arith.cmpi eq, %iota3A_40, %eq3A_170 : vector<256x16xi32>
    %broadcast_in_dim3A_172 = vector.shape_cast %broadcast_in_dim3A_168 : vector<256x1xi32> to vector<256x1xi32>
    %broadcast_in_dim3A_173 = vector.broadcast %broadcast_in_dim3A_172 : vector<256x1xi32> to vector<256x16xi32>
    %select_n3A_174 = arith.select %eq3A_171, %broadcast_in_dim3A_173, %select_n3A_154 : vector<256x16xi1>, vector<256x16xi32>
    %jit3A_175 = arith.constant 3.000000e+38 : f32
    %broadcast_in_dim3A_176 = vector.broadcast %jit3A_175 : f32 to vector<256x4096xf32>
    %select_n3A_177 = arith.select %eq3A_162, %broadcast_in_dim3A_176, %select_n3A_157 : vector<256x4096xi1>, vector<256x4096xf32>
    %reduce_min3A_178 = arith.constant dense<0x7F800000> : vector<256xf32>
    %reduce_min3A_179 = vector.multi_reduction <minimumf>, %select_n3A_177, %reduce_min3A_178 [1] : vector<256x4096xf32> to vector<256xf32>
    %broadcast_in_dim3A_180 = vector.shape_cast %reduce_min3A_179 : vector<256xf32> to vector<256x1xf32>
    %eq3A_181 = vector.broadcast %broadcast_in_dim3A_180 : vector<256x1xf32> to vector<256x4096xf32>
    %eq3A_182 = arith.cmpf oeq, %select_n3A_177, %eq3A_181 : vector<256x4096xf32>
    %jit3A_183 = arith.constant 4096 : i32
    %broadcast_in_dim3A_184 = vector.broadcast %jit3A_183 : i32 to vector<256x4096xi32>
    %select_n3A_185 = arith.select %eq3A_182, %iota3A, %broadcast_in_dim3A_184 : vector<256x4096xi1>, vector<256x4096xi32>
    %reduce_min3A_186 = arith.constant dense<2147483647> : vector<256xi32>
    %reduce_min3A_187 = vector.multi_reduction <minsi>, %select_n3A_185, %reduce_min3A_186 [1] : vector<256x4096xi32> to vector<256xi32>
    %broadcast_in_dim3A_188 = vector.shape_cast %reduce_min3A_187 : vector<256xi32> to vector<256x1xi32>
    %eq3A_189 = arith.constant 7 : i32
    %eq3A_190 = vector.broadcast %eq3A_189 : i32 to vector<256x16xi32>
    %eq3A_191 = arith.cmpi eq, %iota3A_40, %eq3A_190 : vector<256x16xi32>
    %broadcast_in_dim3A_192 = vector.shape_cast %broadcast_in_dim3A_188 : vector<256x1xi32> to vector<256x1xi32>
    %broadcast_in_dim3A_193 = vector.broadcast %broadcast_in_dim3A_192 : vector<256x1xi32> to vector<256x16xi32>
    %select_n3A_194 = arith.select %eq3A_191, %broadcast_in_dim3A_193, %select_n3A_174 : vector<256x16xi1>, vector<256x16xi32>
    %jit3A_195 = arith.constant 3.000000e+38 : f32
    %broadcast_in_dim3A_196 = vector.broadcast %jit3A_195 : f32 to vector<256x4096xf32>
    %select_n3A_197 = arith.select %eq3A_182, %broadcast_in_dim3A_196, %select_n3A_177 : vector<256x4096xi1>, vector<256x4096xf32>
    %reduce_min3A_198 = arith.constant dense<0x7F800000> : vector<256xf32>
    %reduce_min3A_199 = vector.multi_reduction <minimumf>, %select_n3A_197, %reduce_min3A_198 [1] : vector<256x4096xf32> to vector<256xf32>
    %broadcast_in_dim3A_200 = vector.shape_cast %reduce_min3A_199 : vector<256xf32> to vector<256x1xf32>
    %eq3A_201 = vector.broadcast %broadcast_in_dim3A_200 : vector<256x1xf32> to vector<256x4096xf32>
    %eq3A_202 = arith.cmpf oeq, %select_n3A_197, %eq3A_201 : vector<256x4096xf32>
    %jit3A_203 = arith.constant 4096 : i32
    %broadcast_in_dim3A_204 = vector.broadcast %jit3A_203 : i32 to vector<256x4096xi32>
    %select_n3A_205 = arith.select %eq3A_202, %iota3A, %broadcast_in_dim3A_204 : vector<256x4096xi1>, vector<256x4096xi32>
    %reduce_min3A_206 = arith.constant dense<2147483647> : vector<256xi32>
    %reduce_min3A_207 = vector.multi_reduction <minsi>, %select_n3A_205, %reduce_min3A_206 [1] : vector<256x4096xi32> to vector<256xi32>
    %broadcast_in_dim3A_208 = vector.shape_cast %reduce_min3A_207 : vector<256xi32> to vector<256x1xi32>
    %eq3A_209 = arith.constant 8 : i32
    %eq3A_210 = vector.broadcast %eq3A_209 : i32 to vector<256x16xi32>
    %eq3A_211 = arith.cmpi eq, %iota3A_40, %eq3A_210 : vector<256x16xi32>
    %broadcast_in_dim3A_212 = vector.shape_cast %broadcast_in_dim3A_208 : vector<256x1xi32> to vector<256x1xi32>
    %broadcast_in_dim3A_213 = vector.broadcast %broadcast_in_dim3A_212 : vector<256x1xi32> to vector<256x16xi32>
    %select_n3A_214 = arith.select %eq3A_211, %broadcast_in_dim3A_213, %select_n3A_194 : vector<256x16xi1>, vector<256x16xi32>
    %jit3A_215 = arith.constant 3.000000e+38 : f32
    %broadcast_in_dim3A_216 = vector.broadcast %jit3A_215 : f32 to vector<256x4096xf32>
    %select_n3A_217 = arith.select %eq3A_202, %broadcast_in_dim3A_216, %select_n3A_197 : vector<256x4096xi1>, vector<256x4096xf32>
    %reduce_min3A_218 = arith.constant dense<0x7F800000> : vector<256xf32>
    %reduce_min3A_219 = vector.multi_reduction <minimumf>, %select_n3A_217, %reduce_min3A_218 [1] : vector<256x4096xf32> to vector<256xf32>
    %broadcast_in_dim3A_220 = vector.shape_cast %reduce_min3A_219 : vector<256xf32> to vector<256x1xf32>
    %eq3A_221 = vector.broadcast %broadcast_in_dim3A_220 : vector<256x1xf32> to vector<256x4096xf32>
    %eq3A_222 = arith.cmpf oeq, %select_n3A_217, %eq3A_221 : vector<256x4096xf32>
    %jit3A_223 = arith.constant 4096 : i32
    %broadcast_in_dim3A_224 = vector.broadcast %jit3A_223 : i32 to vector<256x4096xi32>
    %select_n3A_225 = arith.select %eq3A_222, %iota3A, %broadcast_in_dim3A_224 : vector<256x4096xi1>, vector<256x4096xi32>
    %reduce_min3A_226 = arith.constant dense<2147483647> : vector<256xi32>
    %reduce_min3A_227 = vector.multi_reduction <minsi>, %select_n3A_225, %reduce_min3A_226 [1] : vector<256x4096xi32> to vector<256xi32>
    %broadcast_in_dim3A_228 = vector.shape_cast %reduce_min3A_227 : vector<256xi32> to vector<256x1xi32>
    %eq3A_229 = arith.constant 9 : i32
    %eq3A_230 = vector.broadcast %eq3A_229 : i32 to vector<256x16xi32>
    %eq3A_231 = arith.cmpi eq, %iota3A_40, %eq3A_230 : vector<256x16xi32>
    %broadcast_in_dim3A_232 = vector.shape_cast %broadcast_in_dim3A_228 : vector<256x1xi32> to vector<256x1xi32>
    %broadcast_in_dim3A_233 = vector.broadcast %broadcast_in_dim3A_232 : vector<256x1xi32> to vector<256x16xi32>
    %select_n3A_234 = arith.select %eq3A_231, %broadcast_in_dim3A_233, %select_n3A_214 : vector<256x16xi1>, vector<256x16xi32>
    %jit3A_235 = arith.constant 3.000000e+38 : f32
    %broadcast_in_dim3A_236 = vector.broadcast %jit3A_235 : f32 to vector<256x4096xf32>
    %select_n3A_237 = arith.select %eq3A_222, %broadcast_in_dim3A_236, %select_n3A_217 : vector<256x4096xi1>, vector<256x4096xf32>
    %reduce_min3A_238 = arith.constant dense<0x7F800000> : vector<256xf32>
    %reduce_min3A_239 = vector.multi_reduction <minimumf>, %select_n3A_237, %reduce_min3A_238 [1] : vector<256x4096xf32> to vector<256xf32>
    %broadcast_in_dim3A_240 = vector.shape_cast %reduce_min3A_239 : vector<256xf32> to vector<256x1xf32>
    %eq3A_241 = vector.broadcast %broadcast_in_dim3A_240 : vector<256x1xf32> to vector<256x4096xf32>
    %eq3A_242 = arith.cmpf oeq, %select_n3A_237, %eq3A_241 : vector<256x4096xf32>
    %jit3A_243 = arith.constant 4096 : i32
    %broadcast_in_dim3A_244 = vector.broadcast %jit3A_243 : i32 to vector<256x4096xi32>
    %select_n3A_245 = arith.select %eq3A_242, %iota3A, %broadcast_in_dim3A_244 : vector<256x4096xi1>, vector<256x4096xi32>
    %reduce_min3A_246 = arith.constant dense<2147483647> : vector<256xi32>
    %reduce_min3A_247 = vector.multi_reduction <minsi>, %select_n3A_245, %reduce_min3A_246 [1] : vector<256x4096xi32> to vector<256xi32>
    %broadcast_in_dim3A_248 = vector.shape_cast %reduce_min3A_247 : vector<256xi32> to vector<256x1xi32>
    %eq3A_249 = arith.constant 10 : i32
    %eq3A_250 = vector.broadcast %eq3A_249 : i32 to vector<256x16xi32>
    %eq3A_251 = arith.cmpi eq, %iota3A_40, %eq3A_250 : vector<256x16xi32>
    %broadcast_in_dim3A_252 = vector.shape_cast %broadcast_in_dim3A_248 : vector<256x1xi32> to vector<256x1xi32>
    %broadcast_in_dim3A_253 = vector.broadcast %broadcast_in_dim3A_252 : vector<256x1xi32> to vector<256x16xi32>
    %select_n3A_254 = arith.select %eq3A_251, %broadcast_in_dim3A_253, %select_n3A_234 : vector<256x16xi1>, vector<256x16xi32>
    %jit3A_255 = arith.constant 3.000000e+38 : f32
    %broadcast_in_dim3A_256 = vector.broadcast %jit3A_255 : f32 to vector<256x4096xf32>
    %select_n3A_257 = arith.select %eq3A_242, %broadcast_in_dim3A_256, %select_n3A_237 : vector<256x4096xi1>, vector<256x4096xf32>
    %reduce_min3A_258 = arith.constant dense<0x7F800000> : vector<256xf32>
    %reduce_min3A_259 = vector.multi_reduction <minimumf>, %select_n3A_257, %reduce_min3A_258 [1] : vector<256x4096xf32> to vector<256xf32>
    %broadcast_in_dim3A_260 = vector.shape_cast %reduce_min3A_259 : vector<256xf32> to vector<256x1xf32>
    %eq3A_261 = vector.broadcast %broadcast_in_dim3A_260 : vector<256x1xf32> to vector<256x4096xf32>
    %eq3A_262 = arith.cmpf oeq, %select_n3A_257, %eq3A_261 : vector<256x4096xf32>
    %jit3A_263 = arith.constant 4096 : i32
    %broadcast_in_dim3A_264 = vector.broadcast %jit3A_263 : i32 to vector<256x4096xi32>
    %select_n3A_265 = arith.select %eq3A_262, %iota3A, %broadcast_in_dim3A_264 : vector<256x4096xi1>, vector<256x4096xi32>
    %reduce_min3A_266 = arith.constant dense<2147483647> : vector<256xi32>
    %reduce_min3A_267 = vector.multi_reduction <minsi>, %select_n3A_265, %reduce_min3A_266 [1] : vector<256x4096xi32> to vector<256xi32>
    %broadcast_in_dim3A_268 = vector.shape_cast %reduce_min3A_267 : vector<256xi32> to vector<256x1xi32>
    %eq3A_269 = arith.constant 11 : i32
    %eq3A_270 = vector.broadcast %eq3A_269 : i32 to vector<256x16xi32>
    %eq3A_271 = arith.cmpi eq, %iota3A_40, %eq3A_270 : vector<256x16xi32>
    %broadcast_in_dim3A_272 = vector.shape_cast %broadcast_in_dim3A_268 : vector<256x1xi32> to vector<256x1xi32>
    %broadcast_in_dim3A_273 = vector.broadcast %broadcast_in_dim3A_272 : vector<256x1xi32> to vector<256x16xi32>
    %select_n3A_274 = arith.select %eq3A_271, %broadcast_in_dim3A_273, %select_n3A_254 : vector<256x16xi1>, vector<256x16xi32>
    %jit3A_275 = arith.constant 3.000000e+38 : f32
    %broadcast_in_dim3A_276 = vector.broadcast %jit3A_275 : f32 to vector<256x4096xf32>
    %select_n3A_277 = arith.select %eq3A_262, %broadcast_in_dim3A_276, %select_n3A_257 : vector<256x4096xi1>, vector<256x4096xf32>
    %reduce_min3A_278 = arith.constant dense<0x7F800000> : vector<256xf32>
    %reduce_min3A_279 = vector.multi_reduction <minimumf>, %select_n3A_277, %reduce_min3A_278 [1] : vector<256x4096xf32> to vector<256xf32>
    %broadcast_in_dim3A_280 = vector.shape_cast %reduce_min3A_279 : vector<256xf32> to vector<256x1xf32>
    %eq3A_281 = vector.broadcast %broadcast_in_dim3A_280 : vector<256x1xf32> to vector<256x4096xf32>
    %eq3A_282 = arith.cmpf oeq, %select_n3A_277, %eq3A_281 : vector<256x4096xf32>
    %jit3A_283 = arith.constant 4096 : i32
    %broadcast_in_dim3A_284 = vector.broadcast %jit3A_283 : i32 to vector<256x4096xi32>
    %select_n3A_285 = arith.select %eq3A_282, %iota3A, %broadcast_in_dim3A_284 : vector<256x4096xi1>, vector<256x4096xi32>
    %reduce_min3A_286 = arith.constant dense<2147483647> : vector<256xi32>
    %reduce_min3A_287 = vector.multi_reduction <minsi>, %select_n3A_285, %reduce_min3A_286 [1] : vector<256x4096xi32> to vector<256xi32>
    %broadcast_in_dim3A_288 = vector.shape_cast %reduce_min3A_287 : vector<256xi32> to vector<256x1xi32>
    %eq3A_289 = arith.constant 12 : i32
    %eq3A_290 = vector.broadcast %eq3A_289 : i32 to vector<256x16xi32>
    %eq3A_291 = arith.cmpi eq, %iota3A_40, %eq3A_290 : vector<256x16xi32>
    %broadcast_in_dim3A_292 = vector.shape_cast %broadcast_in_dim3A_288 : vector<256x1xi32> to vector<256x1xi32>
    %broadcast_in_dim3A_293 = vector.broadcast %broadcast_in_dim3A_292 : vector<256x1xi32> to vector<256x16xi32>
    %select_n3A_294 = arith.select %eq3A_291, %broadcast_in_dim3A_293, %select_n3A_274 : vector<256x16xi1>, vector<256x16xi32>
    %jit3A_295 = arith.constant 3.000000e+38 : f32
    %broadcast_in_dim3A_296 = vector.broadcast %jit3A_295 : f32 to vector<256x4096xf32>
    %select_n3A_297 = arith.select %eq3A_282, %broadcast_in_dim3A_296, %select_n3A_277 : vector<256x4096xi1>, vector<256x4096xf32>
    %reduce_min3A_298 = arith.constant dense<0x7F800000> : vector<256xf32>
    %reduce_min3A_299 = vector.multi_reduction <minimumf>, %select_n3A_297, %reduce_min3A_298 [1] : vector<256x4096xf32> to vector<256xf32>
    %broadcast_in_dim3A_300 = vector.shape_cast %reduce_min3A_299 : vector<256xf32> to vector<256x1xf32>
    %eq3A_301 = vector.broadcast %broadcast_in_dim3A_300 : vector<256x1xf32> to vector<256x4096xf32>
    %eq3A_302 = arith.cmpf oeq, %select_n3A_297, %eq3A_301 : vector<256x4096xf32>
    %jit3A_303 = arith.constant 4096 : i32
    %broadcast_in_dim3A_304 = vector.broadcast %jit3A_303 : i32 to vector<256x4096xi32>
    %select_n3A_305 = arith.select %eq3A_302, %iota3A, %broadcast_in_dim3A_304 : vector<256x4096xi1>, vector<256x4096xi32>
    %reduce_min3A_306 = arith.constant dense<2147483647> : vector<256xi32>
    %reduce_min3A_307 = vector.multi_reduction <minsi>, %select_n3A_305, %reduce_min3A_306 [1] : vector<256x4096xi32> to vector<256xi32>
    %broadcast_in_dim3A_308 = vector.shape_cast %reduce_min3A_307 : vector<256xi32> to vector<256x1xi32>
    %eq3A_309 = arith.constant 13 : i32
    %eq3A_310 = vector.broadcast %eq3A_309 : i32 to vector<256x16xi32>
    %eq3A_311 = arith.cmpi eq, %iota3A_40, %eq3A_310 : vector<256x16xi32>
    %broadcast_in_dim3A_312 = vector.shape_cast %broadcast_in_dim3A_308 : vector<256x1xi32> to vector<256x1xi32>
    %broadcast_in_dim3A_313 = vector.broadcast %broadcast_in_dim3A_312 : vector<256x1xi32> to vector<256x16xi32>
    %select_n3A_314 = arith.select %eq3A_311, %broadcast_in_dim3A_313, %select_n3A_294 : vector<256x16xi1>, vector<256x16xi32>
    %jit3A_315 = arith.constant 3.000000e+38 : f32
    %broadcast_in_dim3A_316 = vector.broadcast %jit3A_315 : f32 to vector<256x4096xf32>
    %select_n3A_317 = arith.select %eq3A_302, %broadcast_in_dim3A_316, %select_n3A_297 : vector<256x4096xi1>, vector<256x4096xf32>
    %reduce_min3A_318 = arith.constant dense<0x7F800000> : vector<256xf32>
    %reduce_min3A_319 = vector.multi_reduction <minimumf>, %select_n3A_317, %reduce_min3A_318 [1] : vector<256x4096xf32> to vector<256xf32>
    %broadcast_in_dim3A_320 = vector.shape_cast %reduce_min3A_319 : vector<256xf32> to vector<256x1xf32>
    %eq3A_321 = vector.broadcast %broadcast_in_dim3A_320 : vector<256x1xf32> to vector<256x4096xf32>
    %eq3A_322 = arith.cmpf oeq, %select_n3A_317, %eq3A_321 : vector<256x4096xf32>
    %jit3A_323 = arith.constant 4096 : i32
    %broadcast_in_dim3A_324 = vector.broadcast %jit3A_323 : i32 to vector<256x4096xi32>
    %select_n3A_325 = arith.select %eq3A_322, %iota3A, %broadcast_in_dim3A_324 : vector<256x4096xi1>, vector<256x4096xi32>
    %reduce_min3A_326 = arith.constant dense<2147483647> : vector<256xi32>
    %reduce_min3A_327 = vector.multi_reduction <minsi>, %select_n3A_325, %reduce_min3A_326 [1] : vector<256x4096xi32> to vector<256xi32>
    %broadcast_in_dim3A_328 = vector.shape_cast %reduce_min3A_327 : vector<256xi32> to vector<256x1xi32>
    %eq3A_329 = arith.constant 14 : i32
    %eq3A_330 = vector.broadcast %eq3A_329 : i32 to vector<256x16xi32>
    %eq3A_331 = arith.cmpi eq, %iota3A_40, %eq3A_330 : vector<256x16xi32>
    %broadcast_in_dim3A_332 = vector.shape_cast %broadcast_in_dim3A_328 : vector<256x1xi32> to vector<256x1xi32>
    %broadcast_in_dim3A_333 = vector.broadcast %broadcast_in_dim3A_332 : vector<256x1xi32> to vector<256x16xi32>
    %select_n3A_334 = arith.select %eq3A_331, %broadcast_in_dim3A_333, %select_n3A_314 : vector<256x16xi1>, vector<256x16xi32>
    %jit3A_335 = arith.constant 3.000000e+38 : f32
    %broadcast_in_dim3A_336 = vector.broadcast %jit3A_335 : f32 to vector<256x4096xf32>
    %select_n3A_337 = arith.select %eq3A_322, %broadcast_in_dim3A_336, %select_n3A_317 : vector<256x4096xi1>, vector<256x4096xf32>
    %reduce_min3A_338 = arith.constant dense<0x7F800000> : vector<256xf32>
    %reduce_min3A_339 = vector.multi_reduction <minimumf>, %select_n3A_337, %reduce_min3A_338 [1] : vector<256x4096xf32> to vector<256xf32>
    %broadcast_in_dim3A_340 = vector.shape_cast %reduce_min3A_339 : vector<256xf32> to vector<256x1xf32>
    %eq3A_341 = vector.broadcast %broadcast_in_dim3A_340 : vector<256x1xf32> to vector<256x4096xf32>
    %eq3A_342 = arith.cmpf oeq, %select_n3A_337, %eq3A_341 : vector<256x4096xf32>
    %jit3A_343 = arith.constant 4096 : i32
    %broadcast_in_dim3A_344 = vector.broadcast %jit3A_343 : i32 to vector<256x4096xi32>
    %select_n3A_345 = arith.select %eq3A_342, %iota3A, %broadcast_in_dim3A_344 : vector<256x4096xi1>, vector<256x4096xi32>
    %reduce_min3A_346 = arith.constant dense<2147483647> : vector<256xi32>
    %reduce_min3A_347 = vector.multi_reduction <minsi>, %select_n3A_345, %reduce_min3A_346 [1] : vector<256x4096xi32> to vector<256xi32>
    %broadcast_in_dim3A_348 = vector.shape_cast %reduce_min3A_347 : vector<256xi32> to vector<256x1xi32>
    %eq3A_349 = arith.constant 15 : i32
    %eq3A_350 = vector.broadcast %eq3A_349 : i32 to vector<256x16xi32>
    %eq3A_351 = arith.cmpi eq, %iota3A_40, %eq3A_350 : vector<256x16xi32>
    %broadcast_in_dim3A_352 = vector.shape_cast %broadcast_in_dim3A_348 : vector<256x1xi32> to vector<256x1xi32>
    %broadcast_in_dim3A_353 = vector.broadcast %broadcast_in_dim3A_352 : vector<256x1xi32> to vector<256x16xi32>
    %select_n3A_354 = arith.select %eq3A_351, %broadcast_in_dim3A_353, %select_n3A_334 : vector<256x16xi1>, vector<256x16xi32>
    %swap3A = arith.constant 0 : index
    %swap3A_355 = arith.constant 0 : index
    %swap3A_356 = arith.constant 0 : index
    %swap3A_357 = vector.load %arg4[%swap3A, %swap3A_355, %swap3A_356] : memref<1x256x16xi32, #tpu.memory_space<vmem>>, vector<1x256x16xi32>
    %swap3A_358 = vector.shape_cast %swap3A_357 : vector<1x256x16xi32> to vector<256x16xi32>
    %swap3A_359 = vector.shape_cast %select_n3A_354 : vector<256x16xi32> to vector<1x256x16xi32>
    tpu.vector_store %arg4[%swap3A, %swap3A_355, %swap3A_356], %swap3A_359 {strides = array<i32>} : memref<1x256x16xi32, #tpu.memory_space<vmem>>, vector<1x256x16xi32>,
    return
  }
  func.func @transform_0(%arg0: i32, %arg1: i32) -> (i32, i32, i32) {
    %c0_i32 = arith.constant 0 : i32
    %c0_i32_0 = arith.constant 0 : i32
    %c0_i32_1 = arith.constant 0 : i32
    return %arg0, %c0_i32, %c0_i32_0 : i32, i32, i32
  }
  func.func @transform_1(%arg0: i32, %arg1: i32) -> (i32, i32, i32) {
    %c0_i32 = arith.constant 0 : i32
    %c0_i32_0 = arith.constant 0 : i32
    return %arg0, %arg1, %c0_i32 : i32, i32, i32
  }
  func.func @transform_2(%arg0: i32, %arg1: i32) -> (i32, i32, i32) {
    %c0_i32 = arith.constant 0 : i32
    %c0_i32_0 = arith.constant 0 : i32
    return %arg0, %arg1, %c0_i32 : i32, i32, i32
  }
}

module attributes {stable_mosaic.version = 14 : i64} {
  func.func @_mlp1_body(%arg0: i32, %arg1: memref<2048x128xf32, #tpu.memory_space<vmem>>, %arg2: memref<2048x16xf32, #tpu.memory_space<vmem>>, %arg3: memref<2048x16xf32, #tpu.memory_space<vmem>>, %arg4: memref<160x256xf32, #tpu.memory_space<vmem>>, %arg5: memref<1x256xf32, #tpu.memory_space<vmem>>, %arg6: memref<1x256xf32, #tpu.memory_space<vmem>>) attributes {dimension_semantics = [#tpu.dimension_semantics<arbitrary>], iteration_bounds = array<i64: 64>, scalar_prefetch = 0 : i64, scratch_operands = 0 : i64, tpu.core_type = #tpu.core_type<tc>, window_params = [{transform_indices = @transform_0, window_bounds = array<i64: 2048, 128>}, {transform_indices = @transform_1, window_bounds = array<i64: 2048, 16>}, {transform_indices = @transform_2, window_bounds = array<i64: 2048, 16>}, {pipeline_mode = #tpu.pipeline_mode<synchronous>, transform_indices = @transform_3, window_bounds = array<i64: 160, 256>}, {pipeline_mode = #tpu.pipeline_mode<synchronous>, transform_indices = @transform_4, window_bounds = array<i64: 1, 256>}, {pipeline_mode = #tpu.pipeline_mode<synchronous>, transform_indices = @transform_5, window_bounds = array<i64: 1, 256>}]} {
    %get3A = arith.constant 0 : index
    %get3A_0 = arith.constant 0 : index
    %get3A_1 = vector.load %arg1[%get3A, %get3A_0] : memref<2048x128xf32, #tpu.memory_space<vmem>>, vector<2048x128xf32>
    %get3A_2 = arith.constant 0 : index
    %get3A_3 = arith.constant 0 : index
    %get3A_4 = vector.load %arg2[%get3A_2, %get3A_3] : memref<2048x16xf32, #tpu.memory_space<vmem>>, vector<2048x16xf32>
    %get3A_5 = arith.constant 0 : index
    %get3A_6 = arith.constant 0 : index
    %get3A_7 = vector.load %arg3[%get3A_5, %get3A_6] : memref<2048x16xf32, #tpu.memory_space<vmem>>, vector<2048x16xf32>
    %get3A_8 = arith.constant 0 : index
    %get3A_9 = arith.constant 0 : index
    %get3A_10 = vector.load %arg4[%get3A_8, %get3A_9] : memref<160x256xf32, #tpu.memory_space<vmem>>, vector<128x256xf32>
    %dot_general3A = arith.constant dense<0.000000e+00> : vector<2048x256xf32>
    %dot_general3A_11 = tpu.matmul %get3A_1, %get3A_10, %dot_general3A {dimension_numbers = #tpu.dot_dimension_numbers<[1], [0], [0], [1], [0, 0, 1, 1], [], []>, transpose_lhs_hint = false} : vector<2048x128xf32>, vector<128x256xf32>, vector<2048x256xf32> -> vector<2048x256xf32>
    %get3A_12 = arith.constant 128 : index
    %get3A_13 = arith.constant 0 : index
    %get3A_14 = vector.load %arg4[%get3A_12, %get3A_13] : memref<160x256xf32, #tpu.memory_space<vmem>>, vector<16x256xf32>
    %dot_general3A_15 = arith.constant dense<0.000000e+00> : vector<2048x256xf32>
    %dot_general3A_16 = tpu.matmul %get3A_4, %get3A_14, %dot_general3A_15 {dimension_numbers = #tpu.dot_dimension_numbers<[1], [0], [0], [1], [0, 0, 1, 1], [], []>, transpose_lhs_hint = false} : vector<2048x16xf32>, vector<16x256xf32>, vector<2048x256xf32> -> vector<2048x256xf32>
    %add3A = arith.addf %dot_general3A_11, %dot_general3A_16 : vector<2048x256xf32>
    %get3A_17 = arith.constant 144 : index
    %get3A_18 = arith.constant 0 : index
    %get3A_19 = vector.load %arg4[%get3A_17, %get3A_18] : memref<160x256xf32, #tpu.memory_space<vmem>>, vector<16x256xf32>
    %dot_general3A_20 = arith.constant dense<0.000000e+00> : vector<2048x256xf32>
    %dot_general3A_21 = tpu.matmul %get3A_7, %get3A_19, %dot_general3A_20 {dimension_numbers = #tpu.dot_dimension_numbers<[1], [0], [0], [1], [0, 0, 1, 1], [], []>, transpose_lhs_hint = false} : vector<2048x16xf32>, vector<16x256xf32>, vector<2048x256xf32> -> vector<2048x256xf32>
    %add3A_22 = arith.addf %add3A, %dot_general3A_21 : vector<2048x256xf32>
    %eq3A = arith.constant 0 : i32
    %eq3A_23 = arith.cmpi eq, %arg0, %eq3A : i32
    %convert_element_type3A = arith.extui %eq3A_23 : i1 to i32
    %cond3A = arith.constant 0 : i32
    %cond3A_24 = arith.cmpi ne, %convert_element_type3A, %cond3A : i32
    scf.if %cond3A_24 {
      %broadcast_in_dim3A_42 = arith.constant 0.000000e+00 : f32
      %broadcast_in_dim3A_43 = vector.broadcast %broadcast_in_dim3A_42 : f32 to vector<1x256xf32>
      %swap3A_44 = arith.constant 0 : index
      %swap3A_45 = arith.constant 0 : index
      %swap3A_46 = vector.load %arg5[%swap3A_44, %swap3A_45] : memref<1x256xf32, #tpu.memory_space<vmem>>, vector<1x256xf32>
      tpu.vector_store %arg5[%swap3A_44, %swap3A_45], %broadcast_in_dim3A_43 {strides = array<i32>} : memref<1x256xf32, #tpu.memory_space<vmem>>, vector<1x256xf32>,
      %broadcast_in_dim3A_47 = arith.constant 0.000000e+00 : f32
      %broadcast_in_dim3A_48 = vector.broadcast %broadcast_in_dim3A_47 : f32 to vector<1x256xf32>
      %swap3A_49 = arith.constant 0 : index
      %swap3A_50 = arith.constant 0 : index
      %swap3A_51 = vector.load %arg6[%swap3A_49, %swap3A_50] : memref<1x256xf32, #tpu.memory_space<vmem>>, vector<1x256xf32>
      tpu.vector_store %arg6[%swap3A_49, %swap3A_50], %broadcast_in_dim3A_48 {strides = array<i32>} : memref<1x256xf32, #tpu.memory_space<vmem>>, vector<1x256xf32>,
    } else {
    }
    %get3A_25 = arith.constant 0 : index
    %get3A_26 = arith.constant 0 : index
    %get3A_27 = vector.load %arg5[%get3A_25, %get3A_26] : memref<1x256xf32, #tpu.memory_space<vmem>>, vector<1x256xf32>
    %reduce_sum3A = arith.constant dense<0.000000e+00> : vector<256xf32>
    %reduce_sum3A_28 = vector.multi_reduction <add>, %add3A_22, %reduce_sum3A [0] : vector<2048x256xf32> to vector<256xf32>
    %broadcast_in_dim3A = vector.shape_cast %reduce_sum3A_28 : vector<256xf32> to vector<1x256xf32>
    %add3A_29 = arith.addf %get3A_27, %broadcast_in_dim3A : vector<1x256xf32>
    %swap3A = arith.constant 0 : index
    %swap3A_30 = arith.constant 0 : index
    %swap3A_31 = vector.load %arg5[%swap3A, %swap3A_30] : memref<1x256xf32, #tpu.memory_space<vmem>>, vector<1x256xf32>
    tpu.vector_store %arg5[%swap3A, %swap3A_30], %add3A_29 {strides = array<i32>} : memref<1x256xf32, #tpu.memory_space<vmem>>, vector<1x256xf32>,
    %get3A_32 = arith.constant 0 : index
    %get3A_33 = arith.constant 0 : index
    %get3A_34 = vector.load %arg6[%get3A_32, %get3A_33] : memref<1x256xf32, #tpu.memory_space<vmem>>, vector<1x256xf32>
    %mul3A = arith.mulf %add3A_22, %add3A_22 : vector<2048x256xf32>
    %reduce_sum3A_35 = arith.constant dense<0.000000e+00> : vector<256xf32>
    %reduce_sum3A_36 = vector.multi_reduction <add>, %mul3A, %reduce_sum3A_35 [0] : vector<2048x256xf32> to vector<256xf32>
    %broadcast_in_dim3A_37 = vector.shape_cast %reduce_sum3A_36 : vector<256xf32> to vector<1x256xf32>
    %add3A_38 = arith.addf %get3A_34, %broadcast_in_dim3A_37 : vector<1x256xf32>
    %swap3A_39 = arith.constant 0 : index
    %swap3A_40 = arith.constant 0 : index
    %swap3A_41 = vector.load %arg6[%swap3A_39, %swap3A_40] : memref<1x256xf32, #tpu.memory_space<vmem>>, vector<1x256xf32>
    tpu.vector_store %arg6[%swap3A_39, %swap3A_40], %add3A_38 {strides = array<i32>} : memref<1x256xf32, #tpu.memory_space<vmem>>, vector<1x256xf32>,
    return
  }
  func.func @transform_0(%arg0: i32) -> (i32, i32) {
    %c0_i32 = arith.constant 0 : i32
    %c0_i32_0 = arith.constant 0 : i32
    return %arg0, %c0_i32 : i32, i32
  }
  func.func @transform_1(%arg0: i32) -> (i32, i32) {
    %c0_i32 = arith.constant 0 : i32
    %c0_i32_0 = arith.constant 0 : i32
    return %arg0, %c0_i32 : i32, i32
  }
  func.func @transform_2(%arg0: i32) -> (i32, i32) {
    %jit3A = arith.constant 4 : i32
    %eq3A = arith.constant 0 : i32
    %eq3A_0 = arith.cmpi eq, %jit3A, %eq3A : i32
    %jit3A_1 = arith.constant 1 : i32
    %select_n3A = arith.select %eq3A_0, %jit3A_1, %jit3A : i32
    %rem3A = arith.remsi %arg0, %select_n3A : i32
    %ne3A = arith.constant 0 : i32
    %ne3A_2 = arith.cmpi ne, %rem3A, %ne3A : i32
    %lt3A = arith.constant 0 : i32
    %lt3A_3 = arith.cmpi slt, %rem3A, %lt3A : i32
    %lt3A_4 = arith.constant 0 : i32
    %lt3A_5 = arith.cmpi slt, %select_n3A, %lt3A_4 : i32
    %ne3A_6 = arith.xori %lt3A_3, %lt3A_5 : i1
    %and3A = arith.andi %ne3A_6, %ne3A_2 : i1
    %add3A = arith.addi %rem3A, %select_n3A : i32
    %select_n3A_7 = arith.select %and3A, %add3A, %rem3A : i32
    %c0_i32 = arith.constant 0 : i32
    %c0_i32_8 = arith.constant 0 : i32
    return %select_n3A_7, %c0_i32 : i32, i32
  }
  func.func @transform_3(%arg0: i32) -> (i32, i32) {
    %c0_i32 = arith.constant 0 : i32
    %c0_i32_0 = arith.constant 0 : i32
    %c0_i32_1 = arith.constant 0 : i32
    return %c0_i32, %c0_i32_0 : i32, i32
  }
  func.func @transform_4(%arg0: i32) -> (i32, i32) {
    %c0_i32 = arith.constant 0 : i32
    %c0_i32_0 = arith.constant 0 : i32
    %c0_i32_1 = arith.constant 0 : i32
    return %c0_i32, %c0_i32_0 : i32, i32
  }
  func.func @transform_5(%arg0: i32) -> (i32, i32) {
    %c0_i32 = arith.constant 0 : i32
    %c0_i32_0 = arith.constant 0 : i32
    %c0_i32_1 = arith.constant 0 : i32
    return %c0_i32, %c0_i32_0 : i32, i32
  }
}

module attributes {stable_mosaic.version = 14 : i64} {
  func.func @_mlp2_body(%arg0: i32, %arg1: memref<2048x128xf32, #tpu.memory_space<vmem>>, %arg2: memref<2048x16xf32, #tpu.memory_space<vmem>>, %arg3: memref<2048x16xf32, #tpu.memory_space<vmem>>, %arg4: memref<160x256xf32, #tpu.memory_space<vmem>>, %arg5: memref<256x256xf32, #tpu.memory_space<vmem>>, %arg6: memref<1x256xf32, #tpu.memory_space<vmem>>, %arg7: memref<1x256xf32, #tpu.memory_space<vmem>>, %arg8: memref<1x256xf32, #tpu.memory_space<vmem>>, %arg9: memref<1x256xf32, #tpu.memory_space<vmem>>) attributes {dimension_semantics = [#tpu.dimension_semantics<arbitrary>], iteration_bounds = array<i64: 64>, scalar_prefetch = 0 : i64, scratch_operands = 0 : i64, tpu.core_type = #tpu.core_type<tc>, window_params = [{transform_indices = @transform_0, window_bounds = array<i64: 2048, 128>}, {transform_indices = @transform_1, window_bounds = array<i64: 2048, 16>}, {transform_indices = @transform_2, window_bounds = array<i64: 2048, 16>}, {pipeline_mode = #tpu.pipeline_mode<synchronous>, transform_indices = @transform_3, window_bounds = array<i64: 160, 256>}, {pipeline_mode = #tpu.pipeline_mode<synchronous>, transform_indices = @transform_4, window_bounds = array<i64: 256, 256>}, {pipeline_mode = #tpu.pipeline_mode<synchronous>, transform_indices = @transform_5, window_bounds = array<i64: 1, 256>}, {pipeline_mode = #tpu.pipeline_mode<synchronous>, transform_indices = @transform_6, window_bounds = array<i64: 1, 256>}, {pipeline_mode = #tpu.pipeline_mode<synchronous>, transform_indices = @transform_7, window_bounds = array<i64: 1, 256>}, {pipeline_mode = #tpu.pipeline_mode<synchronous>, transform_indices = @transform_8, window_bounds = array<i64: 1, 256>}]} {
    %get3A = arith.constant 0 : index
    %get3A_0 = arith.constant 0 : index
    %get3A_1 = vector.load %arg1[%get3A, %get3A_0] : memref<2048x128xf32, #tpu.memory_space<vmem>>, vector<2048x128xf32>
    %get3A_2 = arith.constant 0 : index
    %get3A_3 = arith.constant 0 : index
    %get3A_4 = vector.load %arg2[%get3A_2, %get3A_3] : memref<2048x16xf32, #tpu.memory_space<vmem>>, vector<2048x16xf32>
    %get3A_5 = arith.constant 0 : index
    %get3A_6 = arith.constant 0 : index
    %get3A_7 = vector.load %arg3[%get3A_5, %get3A_6] : memref<2048x16xf32, #tpu.memory_space<vmem>>, vector<2048x16xf32>
    %get3A_8 = arith.constant 0 : index
    %get3A_9 = arith.constant 0 : index
    %get3A_10 = vector.load %arg4[%get3A_8, %get3A_9] : memref<160x256xf32, #tpu.memory_space<vmem>>, vector<128x256xf32>
    %dot_general3A = arith.constant dense<0.000000e+00> : vector<2048x256xf32>
    %dot_general3A_11 = tpu.matmul %get3A_1, %get3A_10, %dot_general3A {dimension_numbers = #tpu.dot_dimension_numbers<[1], [0], [0], [1], [0, 0, 1, 1], [], []>, transpose_lhs_hint = false} : vector<2048x128xf32>, vector<128x256xf32>, vector<2048x256xf32> -> vector<2048x256xf32>
    %get3A_12 = arith.constant 128 : index
    %get3A_13 = arith.constant 0 : index
    %get3A_14 = vector.load %arg4[%get3A_12, %get3A_13] : memref<160x256xf32, #tpu.memory_space<vmem>>, vector<16x256xf32>
    %dot_general3A_15 = arith.constant dense<0.000000e+00> : vector<2048x256xf32>
    %dot_general3A_16 = tpu.matmul %get3A_4, %get3A_14, %dot_general3A_15 {dimension_numbers = #tpu.dot_dimension_numbers<[1], [0], [0], [1], [0, 0, 1, 1], [], []>, transpose_lhs_hint = false} : vector<2048x16xf32>, vector<16x256xf32>, vector<2048x256xf32> -> vector<2048x256xf32>
    %add3A = arith.addf %dot_general3A_11, %dot_general3A_16 : vector<2048x256xf32>
    %get3A_17 = arith.constant 144 : index
    %get3A_18 = arith.constant 0 : index
    %get3A_19 = vector.load %arg4[%get3A_17, %get3A_18] : memref<160x256xf32, #tpu.memory_space<vmem>>, vector<16x256xf32>
    %dot_general3A_20 = arith.constant dense<0.000000e+00> : vector<2048x256xf32>
    %dot_general3A_21 = tpu.matmul %get3A_7, %get3A_19, %dot_general3A_20 {dimension_numbers = #tpu.dot_dimension_numbers<[1], [0], [0], [1], [0, 0, 1, 1], [], []>, transpose_lhs_hint = false} : vector<2048x16xf32>, vector<16x256xf32>, vector<2048x256xf32> -> vector<2048x256xf32>
    %add3A_22 = arith.addf %add3A, %dot_general3A_21 : vector<2048x256xf32>
    %get3A_23 = arith.constant 0 : index
    %get3A_24 = arith.constant 0 : index
    %get3A_25 = vector.load %arg6[%get3A_23, %get3A_24] : memref<1x256xf32, #tpu.memory_space<vmem>>, vector<1x256xf32>
    %mul3A = vector.broadcast %get3A_25 : vector<1x256xf32> to vector<2048x256xf32>
    %mul3A_26 = arith.mulf %add3A_22, %mul3A : vector<2048x256xf32>
    %get3A_27 = arith.constant 0 : index
    %get3A_28 = arith.constant 0 : index
    %get3A_29 = vector.load %arg7[%get3A_27, %get3A_28] : memref<1x256xf32, #tpu.memory_space<vmem>>, vector<1x256xf32>
    %add3A_30 = vector.broadcast %get3A_29 : vector<1x256xf32> to vector<2048x256xf32>
    %add3A_31 = arith.addf %mul3A_26, %add3A_30 : vector<2048x256xf32>
    %max3A = arith.constant 0.000000e+00 : f32
    %max3A_32 = vector.broadcast %max3A : f32 to vector<2048x256xf32>
    %max3A_33 = arith.maximumf %add3A_31, %max3A_32 : vector<2048x256xf32>
    %get3A_34 = arith.constant 0 : index
    %get3A_35 = arith.constant 0 : index
    %get3A_36 = vector.load %arg5[%get3A_34, %get3A_35] : memref<256x256xf32, #tpu.memory_space<vmem>>, vector<256x256xf32>
    %dot_general3A_37 = arith.constant dense<0.000000e+00> : vector<2048x256xf32>
    %dot_general3A_38 = tpu.matmul %max3A_33, %get3A_36, %dot_general3A_37 {dimension_numbers = #tpu.dot_dimension_numbers<[1], [0], [0], [1], [0, 0, 1, 1], [], []>, transpose_lhs_hint = false} : vector<2048x256xf32>, vector<256x256xf32>, vector<2048x256xf32> -> vector<2048x256xf32>
    %eq3A = arith.constant 0 : i32
    %eq3A_39 = arith.cmpi eq, %arg0, %eq3A : i32
    %convert_element_type3A = arith.extui %eq3A_39 : i1 to i32
    %cond3A = arith.constant 0 : i32
    %cond3A_40 = arith.cmpi ne, %convert_element_type3A, %cond3A : i32
    scf.if %cond3A_40 {
      %broadcast_in_dim3A_59 = arith.constant 0.000000e+00 : f32
      %broadcast_in_dim3A_60 = vector.broadcast %broadcast_in_dim3A_59 : f32 to vector<1x256xf32>
      %swap3A_61 = arith.constant 0 : index
      %swap3A_62 = arith.constant 0 : index
      %swap3A_63 = vector.load %arg8[%swap3A_61, %swap3A_62] : memref<1x256xf32, #tpu.memory_space<vmem>>, vector<1x256xf32>
      tpu.vector_store %arg8[%swap3A_61, %swap3A_62], %broadcast_in_dim3A_60 {strides = array<i32>} : memref<1x256xf32, #tpu.memory_space<vmem>>, vector<1x256xf32>,
      %broadcast_in_dim3A_64 = arith.constant 0.000000e+00 : f32
      %broadcast_in_dim3A_65 = vector.broadcast %broadcast_in_dim3A_64 : f32 to vector<1x256xf32>
      %swap3A_66 = arith.constant 0 : index
      %swap3A_67 = arith.constant 0 : index
      %swap3A_68 = vector.load %arg9[%swap3A_66, %swap3A_67] : memref<1x256xf32, #tpu.memory_space<vmem>>, vector<1x256xf32>
      tpu.vector_store %arg9[%swap3A_66, %swap3A_67], %broadcast_in_dim3A_65 {strides = array<i32>} : memref<1x256xf32, #tpu.memory_space<vmem>>, vector<1x256xf32>,
    } else {
    }
    %get3A_41 = arith.constant 0 : index
    %get3A_42 = arith.constant 0 : index
    %get3A_43 = vector.load %arg8[%get3A_41, %get3A_42] : memref<1x256xf32, #tpu.memory_space<vmem>>, vector<1x256xf32>
    %reduce_sum3A = arith.constant dense<0.000000e+00> : vector<256xf32>
    %reduce_sum3A_44 = vector.multi_reduction <add>, %dot_general3A_38, %reduce_sum3A [0] : vector<2048x256xf32> to vector<256xf32>
    %broadcast_in_dim3A = vector.shape_cast %reduce_sum3A_44 : vector<256xf32> to vector<1x256xf32>
    %add3A_45 = arith.addf %get3A_43, %broadcast_in_dim3A : vector<1x256xf32>
    %swap3A = arith.constant 0 : index
    %swap3A_46 = arith.constant 0 : index
    %swap3A_47 = vector.load %arg8[%swap3A, %swap3A_46] : memref<1x256xf32, #tpu.memory_space<vmem>>, vector<1x256xf32>
    tpu.vector_store %arg8[%swap3A, %swap3A_46], %add3A_45 {strides = array<i32>} : memref<1x256xf32, #tpu.memory_space<vmem>>, vector<1x256xf32>,
    %get3A_48 = arith.constant 0 : index
    %get3A_49 = arith.constant 0 : index
    %get3A_50 = vector.load %arg9[%get3A_48, %get3A_49] : memref<1x256xf32, #tpu.memory_space<vmem>>, vector<1x256xf32>
    %mul3A_51 = arith.mulf %dot_general3A_38, %dot_general3A_38 : vector<2048x256xf32>
    %reduce_sum3A_52 = arith.constant dense<0.000000e+00> : vector<256xf32>
    %reduce_sum3A_53 = vector.multi_reduction <add>, %mul3A_51, %reduce_sum3A_52 [0] : vector<2048x256xf32> to vector<256xf32>
    %broadcast_in_dim3A_54 = vector.shape_cast %reduce_sum3A_53 : vector<256xf32> to vector<1x256xf32>
    %add3A_55 = arith.addf %get3A_50, %broadcast_in_dim3A_54 : vector<1x256xf32>
    %swap3A_56 = arith.constant 0 : index
    %swap3A_57 = arith.constant 0 : index
    %swap3A_58 = vector.load %arg9[%swap3A_56, %swap3A_57] : memref<1x256xf32, #tpu.memory_space<vmem>>, vector<1x256xf32>
    tpu.vector_store %arg9[%swap3A_56, %swap3A_57], %add3A_55 {strides = array<i32>} : memref<1x256xf32, #tpu.memory_space<vmem>>, vector<1x256xf32>,
    return
  }
  func.func @transform_0(%arg0: i32) -> (i32, i32) {
    %c0_i32 = arith.constant 0 : i32
    %c0_i32_0 = arith.constant 0 : i32
    return %arg0, %c0_i32 : i32, i32
  }
  func.func @transform_1(%arg0: i32) -> (i32, i32) {
    %c0_i32 = arith.constant 0 : i32
    %c0_i32_0 = arith.constant 0 : i32
    return %arg0, %c0_i32 : i32, i32
  }
  func.func @transform_2(%arg0: i32) -> (i32, i32) {
    %jit3A = arith.constant 4 : i32
    %eq3A = arith.constant 0 : i32
    %eq3A_0 = arith.cmpi eq, %jit3A, %eq3A : i32
    %jit3A_1 = arith.constant 1 : i32
    %select_n3A = arith.select %eq3A_0, %jit3A_1, %jit3A : i32
    %rem3A = arith.remsi %arg0, %select_n3A : i32
    %ne3A = arith.constant 0 : i32
    %ne3A_2 = arith.cmpi ne, %rem3A, %ne3A : i32
    %lt3A = arith.constant 0 : i32
    %lt3A_3 = arith.cmpi slt, %rem3A, %lt3A : i32
    %lt3A_4 = arith.constant 0 : i32
    %lt3A_5 = arith.cmpi slt, %select_n3A, %lt3A_4 : i32
    %ne3A_6 = arith.xori %lt3A_3, %lt3A_5 : i1
    %and3A = arith.andi %ne3A_6, %ne3A_2 : i1
    %add3A = arith.addi %rem3A, %select_n3A : i32
    %select_n3A_7 = arith.select %and3A, %add3A, %rem3A : i32
    %c0_i32 = arith.constant 0 : i32
    %c0_i32_8 = arith.constant 0 : i32
    return %select_n3A_7, %c0_i32 : i32, i32
  }
  func.func @transform_3(%arg0: i32) -> (i32, i32) {
    %c0_i32 = arith.constant 0 : i32
    %c0_i32_0 = arith.constant 0 : i32
    %c0_i32_1 = arith.constant 0 : i32
    return %c0_i32, %c0_i32_0 : i32, i32
  }
  func.func @transform_4(%arg0: i32) -> (i32, i32) {
    %c0_i32 = arith.constant 0 : i32
    %c0_i32_0 = arith.constant 0 : i32
    %c0_i32_1 = arith.constant 0 : i32
    return %c0_i32, %c0_i32_0 : i32, i32
  }
  func.func @transform_5(%arg0: i32) -> (i32, i32) {
    %c0_i32 = arith.constant 0 : i32
    %c0_i32_0 = arith.constant 0 : i32
    %c0_i32_1 = arith.constant 0 : i32
    return %c0_i32, %c0_i32_0 : i32, i32
  }
  func.func @transform_6(%arg0: i32) -> (i32, i32) {
    %c0_i32 = arith.constant 0 : i32
    %c0_i32_0 = arith.constant 0 : i32
    %c0_i32_1 = arith.constant 0 : i32
    return %c0_i32, %c0_i32_0 : i32, i32
  }
  func.func @transform_7(%arg0: i32) -> (i32, i32) {
    %c0_i32 = arith.constant 0 : i32
    %c0_i32_0 = arith.constant 0 : i32
    %c0_i32_1 = arith.constant 0 : i32
    return %c0_i32, %c0_i32_0 : i32, i32
  }
  func.func @transform_8(%arg0: i32) -> (i32, i32) {
    %c0_i32 = arith.constant 0 : i32
    %c0_i32_0 = arith.constant 0 : i32
    %c0_i32_1 = arith.constant 0 : i32
    return %c0_i32, %c0_i32_0 : i32, i32
  }
}

module attributes {stable_mosaic.version = 14 : i64} {
  func.func @_mlp3_body(%arg0: i32, %arg1: i32, %arg2: memref<2048x128xf32, #tpu.memory_space<vmem>>, %arg3: memref<2048x16xf32, #tpu.memory_space<vmem>>, %arg4: memref<2048x16xf32, #tpu.memory_space<vmem>>, %arg5: memref<160x256xf32, #tpu.memory_space<vmem>>, %arg6: memref<256x256xf32, #tpu.memory_space<vmem>>, %arg7: memref<1x256xf32, #tpu.memory_space<vmem>>, %arg8: memref<1x256xf32, #tpu.memory_space<vmem>>, %arg9: memref<1x256xf32, #tpu.memory_space<vmem>>, %arg10: memref<1x256xf32, #tpu.memory_space<vmem>>, %arg11: memref<2048x256xf32, #tpu.memory_space<vmem>>) attributes {dimension_semantics = [#tpu.dimension_semantics<arbitrary>, #tpu.dimension_semantics<arbitrary>], iteration_bounds = array<i64: 4, 16>, scalar_prefetch = 0 : i64, scratch_operands = 0 : i64, tpu.core_type = #tpu.core_type<tc>, window_params = [{transform_indices = @transform_0, window_bounds = array<i64: 2048, 128>}, {transform_indices = @transform_1, window_bounds = array<i64: 2048, 16>}, {transform_indices = @transform_2, window_bounds = array<i64: 2048, 16>}, {pipeline_mode = #tpu.pipeline_mode<synchronous>, transform_indices = @transform_3, window_bounds = array<i64: 160, 256>}, {pipeline_mode = #tpu.pipeline_mode<synchronous>, transform_indices = @transform_4, window_bounds = array<i64: 256, 256>}, {pipeline_mode = #tpu.pipeline_mode<synchronous>, transform_indices = @transform_5, window_bounds = array<i64: 1, 256>}, {pipeline_mode = #tpu.pipeline_mode<synchronous>, transform_indices = @transform_6, window_bounds = array<i64: 1, 256>}, {pipeline_mode = #tpu.pipeline_mode<synchronous>, transform_indices = @transform_7, window_bounds = array<i64: 1, 256>}, {pipeline_mode = #tpu.pipeline_mode<synchronous>, transform_indices = @transform_8, window_bounds = array<i64: 1, 256>}, {transform_indices = @transform_9, window_bounds = array<i64: 2048, 256>}]} {
    %get3A = arith.constant 0 : index
    %get3A_0 = arith.constant 0 : index
    %get3A_1 = vector.load %arg2[%get3A, %get3A_0] : memref<2048x128xf32, #tpu.memory_space<vmem>>, vector<2048x128xf32>
    %get3A_2 = arith.constant 0 : index
    %get3A_3 = arith.constant 0 : index
    %get3A_4 = vector.load %arg3[%get3A_2, %get3A_3] : memref<2048x16xf32, #tpu.memory_space<vmem>>, vector<2048x16xf32>
    %get3A_5 = arith.constant 0 : index
    %get3A_6 = arith.constant 0 : index
    %get3A_7 = vector.load %arg4[%get3A_5, %get3A_6] : memref<2048x16xf32, #tpu.memory_space<vmem>>, vector<2048x16xf32>
    %get3A_8 = arith.constant 0 : index
    %get3A_9 = arith.constant 0 : index
    %get3A_10 = vector.load %arg5[%get3A_8, %get3A_9] : memref<160x256xf32, #tpu.memory_space<vmem>>, vector<128x256xf32>
    %dot_general3A = arith.constant dense<0.000000e+00> : vector<2048x256xf32>
    %dot_general3A_11 = tpu.matmul %get3A_1, %get3A_10, %dot_general3A {dimension_numbers = #tpu.dot_dimension_numbers<[1], [0], [0], [1], [0, 0, 1, 1], [], []>, transpose_lhs_hint = false} : vector<2048x128xf32>, vector<128x256xf32>, vector<2048x256xf32> -> vector<2048x256xf32>
    %get3A_12 = arith.constant 128 : index
    %get3A_13 = arith.constant 0 : index
    %get3A_14 = vector.load %arg5[%get3A_12, %get3A_13] : memref<160x256xf32, #tpu.memory_space<vmem>>, vector<16x256xf32>
    %dot_general3A_15 = arith.constant dense<0.000000e+00> : vector<2048x256xf32>
    %dot_general3A_16 = tpu.matmul %get3A_4, %get3A_14, %dot_general3A_15 {dimension_numbers = #tpu.dot_dimension_numbers<[1], [0], [0], [1], [0, 0, 1, 1], [], []>, transpose_lhs_hint = false} : vector<2048x16xf32>, vector<16x256xf32>, vector<2048x256xf32> -> vector<2048x256xf32>
    %add3A = arith.addf %dot_general3A_11, %dot_general3A_16 : vector<2048x256xf32>
    %get3A_17 = arith.constant 144 : index
    %get3A_18 = arith.constant 0 : index
    %get3A_19 = vector.load %arg5[%get3A_17, %get3A_18] : memref<160x256xf32, #tpu.memory_space<vmem>>, vector<16x256xf32>
    %dot_general3A_20 = arith.constant dense<0.000000e+00> : vector<2048x256xf32>
    %dot_general3A_21 = tpu.matmul %get3A_7, %get3A_19, %dot_general3A_20 {dimension_numbers = #tpu.dot_dimension_numbers<[1], [0], [0], [1], [0, 0, 1, 1], [], []>, transpose_lhs_hint = false} : vector<2048x16xf32>, vector<16x256xf32>, vector<2048x256xf32> -> vector<2048x256xf32>
    %add3A_22 = arith.addf %add3A, %dot_general3A_21 : vector<2048x256xf32>
    %get3A_23 = arith.constant 0 : index
    %get3A_24 = arith.constant 0 : index
    %get3A_25 = vector.load %arg7[%get3A_23, %get3A_24] : memref<1x256xf32, #tpu.memory_space<vmem>>, vector<1x256xf32>
    %mul3A = vector.broadcast %get3A_25 : vector<1x256xf32> to vector<2048x256xf32>
    %mul3A_26 = arith.mulf %add3A_22, %mul3A : vector<2048x256xf32>
    %get3A_27 = arith.constant 0 : index
    %get3A_28 = arith.constant 0 : index
    %get3A_29 = vector.load %arg8[%get3A_27, %get3A_28] : memref<1x256xf32, #tpu.memory_space<vmem>>, vector<1x256xf32>
    %add3A_30 = vector.broadcast %get3A_29 : vector<1x256xf32> to vector<2048x256xf32>
    %add3A_31 = arith.addf %mul3A_26, %add3A_30 : vector<2048x256xf32>
    %max3A = arith.constant 0.000000e+00 : f32
    %max3A_32 = vector.broadcast %max3A : f32 to vector<2048x256xf32>
    %max3A_33 = arith.maximumf %add3A_31, %max3A_32 : vector<2048x256xf32>
    %get3A_34 = arith.constant 0 : index
    %get3A_35 = arith.constant 0 : index
    %get3A_36 = vector.load %arg6[%get3A_34, %get3A_35] : memref<256x256xf32, #tpu.memory_space<vmem>>, vector<256x256xf32>
    %dot_general3A_37 = arith.constant dense<0.000000e+00> : vector<2048x256xf32>
    %dot_general3A_38 = tpu.matmul %max3A_33, %get3A_36, %dot_general3A_37 {dimension_numbers = #tpu.dot_dimension_numbers<[1], [0], [0], [1], [0, 0, 1, 1], [], []>, transpose_lhs_hint = false} : vector<2048x256xf32>, vector<256x256xf32>, vector<2048x256xf32> -> vector<2048x256xf32>
    %get3A_39 = arith.constant 0 : index
    %get3A_40 = arith.constant 0 : index
    %get3A_41 = vector.load %arg9[%get3A_39, %get3A_40] : memref<1x256xf32, #tpu.memory_space<vmem>>, vector<1x256xf32>
    %mul3A_42 = vector.broadcast %get3A_41 : vector<1x256xf32> to vector<2048x256xf32>
    %mul3A_43 = arith.mulf %dot_general3A_38, %mul3A_42 : vector<2048x256xf32>
    %get3A_44 = arith.constant 0 : index
    %get3A_45 = arith.constant 0 : index
    %get3A_46 = vector.load %arg10[%get3A_44, %get3A_45] : memref<1x256xf32, #tpu.memory_space<vmem>>, vector<1x256xf32>
    %add3A_47 = vector.broadcast %get3A_46 : vector<1x256xf32> to vector<2048x256xf32>
    %add3A_48 = arith.addf %mul3A_43, %add3A_47 : vector<2048x256xf32>
    %max3A_49 = arith.constant 0.000000e+00 : f32
    %max3A_50 = vector.broadcast %max3A_49 : f32 to vector<2048x256xf32>
    %max3A_51 = arith.maximumf %add3A_48, %max3A_50 : vector<2048x256xf32>
    %eq3A = arith.constant 0 : i32
    %eq3A_52 = arith.cmpi eq, %arg1, %eq3A : i32
    %convert_element_type3A = arith.extui %eq3A_52 : i1 to i32
    %cond3A = arith.constant 0 : i32
    %cond3A_53 = arith.cmpi ne, %convert_element_type3A, %cond3A : i32
    scf.if %cond3A_53 {
      %swap3A = arith.constant 0 : index
      %swap3A_58 = arith.constant 0 : index
      %swap3A_59 = vector.load %arg11[%swap3A, %swap3A_58] : memref<2048x256xf32, #tpu.memory_space<vmem>>, vector<2048x256xf32>
      tpu.vector_store %arg11[%swap3A, %swap3A_58], %max3A_51 {strides = array<i32>} : memref<2048x256xf32, #tpu.memory_space<vmem>>, vector<2048x256xf32>,
    } else {
    }
    %gt3A = arith.constant 0 : i32
    %gt3A_54 = arith.cmpi sgt, %arg1, %gt3A : i32
    %convert_element_type3A_55 = arith.extui %gt3A_54 : i1 to i32
    %cond3A_56 = arith.constant 0 : i32
    %cond3A_57 = arith.cmpi ne, %convert_element_type3A_55, %cond3A_56 : i32
    scf.if %cond3A_57 {
      %get3A_58 = arith.constant 0 : index
      %get3A_59 = arith.constant 0 : index
      %get3A_60 = vector.load %arg11[%get3A_58, %get3A_59] : memref<2048x256xf32, #tpu.memory_space<vmem>>, vector<2048x256xf32>
      %max3A_61 = arith.maximumf %get3A_60, %max3A_51 : vector<2048x256xf32>
      %swap3A = arith.constant 0 : index
      %swap3A_62 = arith.constant 0 : index
      %swap3A_63 = vector.load %arg11[%swap3A, %swap3A_62] : memref<2048x256xf32, #tpu.memory_space<vmem>>, vector<2048x256xf32>
      tpu.vector_store %arg11[%swap3A, %swap3A_62], %max3A_61 {strides = array<i32>} : memref<2048x256xf32, #tpu.memory_space<vmem>>, vector<2048x256xf32>,
    } else {
    }
    return
  }
  func.func @transform_0(%arg0: i32, %arg1: i32) -> (i32, i32) {
    %mul3A = arith.constant 4 : i32
    %mul3A_0 = arith.muli %arg1, %mul3A : i32
    %add3A = arith.addi %mul3A_0, %arg0 : i32
    %c0_i32 = arith.constant 0 : i32
    %c0_i32_1 = arith.constant 0 : i32
    return %add3A, %c0_i32 : i32, i32
  }
  func.func @transform_1(%arg0: i32, %arg1: i32) -> (i32, i32) {
    %mul3A = arith.constant 4 : i32
    %mul3A_0 = arith.muli %arg1, %mul3A : i32
    %add3A = arith.addi %mul3A_0, %arg0 : i32
    %c0_i32 = arith.constant 0 : i32
    %c0_i32_1 = arith.constant 0 : i32
    return %add3A, %c0_i32 : i32, i32
  }
  func.func @transform_2(%arg0: i32, %arg1: i32) -> (i32, i32) {
    %c0_i32 = arith.constant 0 : i32
    %c0_i32_0 = arith.constant 0 : i32
    return %arg0, %c0_i32 : i32, i32
  }
  func.func @transform_3(%arg0: i32, %arg1: i32) -> (i32, i32) {
    %c0_i32 = arith.constant 0 : i32
    %c0_i32_0 = arith.constant 0 : i32
    %c0_i32_1 = arith.constant 0 : i32
    return %c0_i32, %c0_i32_0 : i32, i32
  }
  func.func @transform_4(%arg0: i32, %arg1: i32) -> (i32, i32) {
    %c0_i32 = arith.constant 0 : i32
    %c0_i32_0 = arith.constant 0 : i32
    %c0_i32_1 = arith.constant 0 : i32
    return %c0_i32, %c0_i32_0 : i32, i32
  }
  func.func @transform_5(%arg0: i32, %arg1: i32) -> (i32, i32) {
    %c0_i32 = arith.constant 0 : i32
    %c0_i32_0 = arith.constant 0 : i32
    %c0_i32_1 = arith.constant 0 : i32
    return %c0_i32, %c0_i32_0 : i32, i32
  }
  func.func @transform_6(%arg0: i32, %arg1: i32) -> (i32, i32) {
    %c0_i32 = arith.constant 0 : i32
    %c0_i32_0 = arith.constant 0 : i32
    %c0_i32_1 = arith.constant 0 : i32
    return %c0_i32, %c0_i32_0 : i32, i32
  }
  func.func @transform_7(%arg0: i32, %arg1: i32) -> (i32, i32) {
    %c0_i32 = arith.constant 0 : i32
    %c0_i32_0 = arith.constant 0 : i32
    %c0_i32_1 = arith.constant 0 : i32
    return %c0_i32, %c0_i32_0 : i32, i32
  }
  func.func @transform_8(%arg0: i32, %arg1: i32) -> (i32, i32) {
    %c0_i32 = arith.constant 0 : i32
    %c0_i32_0 = arith.constant 0 : i32
    %c0_i32_1 = arith.constant 0 : i32
    return %c0_i32, %c0_i32_0 : i32, i32
  }
  func.func @transform_9(%arg0: i32, %arg1: i32) -> (i32, i32) {
    %c0_i32 = arith.constant 0 : i32
    %c0_i32_0 = arith.constant 0 : i32
    return %arg0, %c0_i32 : i32, i32
  }
}

</mosaic_0001>

<sc_bundles>
// kernel: kernel.8.cloned.1.call-start
scs
__scs_entry_jumppad:
0x0: {  	(pc) =	sbr.rel $0x88, $3  }
0x1: {  	(tag) =	ssettag $0x0;
	lr =	simm.s32 $0x1  }
0x2: {  	[smem:$0x3F99] =	sst lr;
	_ =	strace $0xD0000000  }
0x3: {  	_ = 	snop  }
0x4: {  	_ = 	snop  }
0x5: {  	_ = 	snop  }
0x6: {  	_ = 	snop  }
0x7: {  	_ = 	snop  }
__scs_overlays_trampoline_lowered:
0x8: {  	[smem:$0x3FA8] =	sst s0  }
0x9: {  	[smem:$0x3FA9] =	sst s1  }
0xa: {  	[smem:$0x3FAA] =	sst s2  }
0xb: {  	[smem:$0x3FAB] =	sst s3  }
0xc: {  	[smem:$0x3FAC] =	sst s4  }
0xd: {  	[smem:$0x3FAD] =	sst s5  }
0xe: {  	[smem:$0x3FAE] =	sst s6  }
0xf: {  	[smem:$0x3FAF] =	sst s7  }
0x10: {  	[smem:$0x3FB0] =	sst s8  }
0x11: {  	[smem:$0x3FB1] =	sst s9;
	s0 =	simm.s32 @!p0 $0x0  }
0x12: {  	s1 =	sld [smem:$0x3F97];
	s0 =	simm.s32 @p0 $0x1  }
0x13: {  	[smem:$0x3FB2] =	sst s0;
	s0 =	simm.s32 @!p1 $0x0  }
0x14: {  	s2 =	sld [smem:$0x3F96];
	s0 =	simm.s32 @p1 $0x1  }
0x15: {  	[smem:$0x3FB3] =	sst s0;
	s0 =	simm.s32 @!p2 $0x0  }
0x16: {  	s3 =	sld [smem:$0x3FDB];
	s0 =	simm.s32 @p2 $0x1  }
0x17: {  	s4 =	simm.s32 $0x1BF5;
	[smem:$0x3FB5] =	sst s0  }
0x18: {  	s0 =	sld [smem:$0x3F98];
	_ =	swait.ge [sflag:s4], $0x0  }
0x19: {  	s7 =	sld [smem:$0x3F99]  }
0x1a: {  	s8 =	sadd.s32 $0xFFFFE003, lr  }
0x1b: {  	s9 =	sadd.s32 $0xFFFFFEF7, lr;
	s5 =	simm.s32 $0xFFFFFFFF;
	p2 =	slt.u32 s8, $0xFFFFF086  }
0x1c: {  	p1 =	slt.u32 s9, $0xF7A;
	s5 =	simm.s32 @!p2 $0x0  }
0x1d: {  	s5 =	simm.s32 @p1 $0x1;
	p0 =	seq.s32 s7, s2  }
0x1e: {  	s7 =	smul.u32 @!p0 $0xF7A, s2;
	p2 =	seq.s32 @!p0 s5, $0x0  }
0x1f: {  	s9 =	smul.u32 $0xF7A, s1;
	s8 =	simm.s32 @!p0 $0x1BF5;
	p2 =	por !p2, p0  }
0x20: {  	[sflag:s8] =	ssyncset.s32 @!p0 $0xFFFFF086;
	s6 =	sadd.s32 @!p0 s3, s7;
	s7 =	simm.s32 @!p0 $0x108  }
0x21: {  	s3 =	sadd.s32 s3, s9;
	s6 =	sadd.s32 @!p0 $0x88, s6;
	s7 =	simm.s32 @p2 $0x1082  }
0x22: {  	[simem:s7], [sflag:s8] =	dma.local @!p0 [hbm:s6], $0xF7A  }
0x23: {  	s9 =	sor.u32 $0xD0000000, s2;
	s6 =	simm.s32 $0x108;
	_ =	swait.ge @!p0 [sflag:s8], $0x0  }
0x24: {  	s3 =	sadd.s32 $0x88, s3;
	s6 =	simm.s32 @!p1 $0x1082;
	[sflag:s4] =	ssyncset.s32 $0xFFFFF086  }
0x25: {  	[simem:s6], [sflag:s4] =	dma.local [hbm:s3], $0xF7A  }
0x26: {  	[smem:$0x3F99] =	sst s1;
	(tag) =	ssettag s2;
	_ =	strace s9  }
0x27: {  	s1 =	sld [smem:$0x3FA9]  }
0x28: {  	s2 =	sld [smem:$0x3FAA]  }
0x29: {  	s4 =	sld [smem:$0x3FAC]  }
0x2a: {  	p0 =	seq.s32 s5, $0x0;
	s5 =	sld [smem:$0x3FAD]  }
0x2b: {  	s6 =	sld [smem:$0x3FAE]  }
0x2c: {  	s7 =	sld [smem:$0x3FAF]  }
0x2d: {  	s3 =	simm.s32 $0x108;
	s8 =	sld [smem:$0x3FB0]  }
0x2e: {  	s3 =	simm.s32 @!p0 $0x1082;
	s9 =	sld [smem:$0x3FB1]  }
0x2f: {  	lr =	sadd.s32 s0, s3;
	s0 =	sld [smem:$0x3FA8]  }
0x30: {  	s3 =	sld [smem:$0x3FAB]  }
0x31: {  	[smem:$0x3FB4] =	sst s10  }
0x32: {  	s10 =	sld [smem:$0x3FB2];
	_ =	sdelay $0x3  }
0x33: {  	p0 =	seq.s32 s10, $0x1;
	s10 =	sld [smem:$0x3FB4];
	_ =	sdelay $0x3  }
0x34: {  	[smem:$0x3FB4] =	sst s10  }
0x35: {  	s10 =	sld [smem:$0x3FB3];
	_ =	sdelay $0x3  }
0x36: {  	p1 =	seq.s32 s10, $0x1;
	s10 =	sld [smem:$0x3FB4];
	_ =	sdelay $0x3  }
0x37: {  	[smem:$0x3FB4] =	sst s10  }
0x38: {  	s10 =	sld [smem:$0x3FB5]  }
0x39: {  	_ = 	snop;
	(pc) =	sbr.ind lr, $3  }
0x3a: {  	_ = 	snop  }
0x3b: {  	_ = 	snop  }
0x3c: {  	p2 =	seq.s32 s10, $0x1;
	s10 =	sld [smem:$0x3FB4]  }
0x3d: {  	_ =	shalt  }
0x3e: {  	_ =	shalt  }
0x3f: {  	_ =	shalt  }
0x40: {  	_ =	shalt  }
0x41: {  	_ =	shalt  }
0x42: {  	_ =	shalt  }
0x43: {  	_ =	shalt  }
0x44: {  	_ =	shalt  }
0x45: {  	_ =	shalt  }
0x46: {  	_ =	shalt  }
0x47: {  	_ =	shalt  }
0x48: {  	_ =	shalt  }
0x49: {  	_ =	shalt  }
0x4a: {  	_ =	shalt  }
0x4b: {  	_ =	shalt  }
0x4c: {  	_ =	shalt  }
0x4d: {  	_ =	shalt  }
0x4e: {  	_ =	shalt  }
0x4f: {  	_ =	shalt  }
0x50: {  	_ =	shalt  }
0x51: {  	_ =	shalt  }
0x52: {  	_ =	shalt  }
0x53: {  	_ =	shalt  }
0x54: {  	_ =	shalt  }
0x55: {  	_ =	shalt  }
0x56: {  	_ =	shalt  }
0x57: {  	_ =	shalt  }
0x58: {  	_ =	shalt  }
0x59: {  	_ =	shalt  }
0x5a: {  	_ =	shalt  }
0x5b: {  	_ =	shalt  }
0x5c: {  	_ =	shalt  }
0x5d: {  	_ =	shalt  }
0x5e: {  	_ =	shalt  }
0x5f: {  	_ =	shalt  }
0x60: {  	_ =	shalt  }
0x61: {  	_ =	shalt  }
0x62: {  	_ =	shalt  }
0x63: {  	_ =	shalt  }
0x64: {  	_ =	shalt  }
0x65: {  	_ =	shalt  }
0x66: {  	_ =	shalt  }
0x67: {  	_ =	shalt  }
0x68: {  	_ =	shalt  }
0x69: {  	_ =	shalt  }
0x6a: {  	_ =	shalt  }
0x6b: {  	_ =	shalt  }
0x6c: {  	_ =	shalt  }
0x6d: {  	_ =	shalt  }
0x6e: {  	_ =	shalt  }
0x6f: {  	_ =	shalt  }
0x70: {  	_ =	shalt  }
0x71: {  	_ =	shalt  }
0x72: {  	_ =	shalt  }
0x73: {  	_ =	shalt  }
0x74: {  	_ =	shalt  }
0x75: {  	_ =	shalt  }
0x76: {  	_ =	shalt  }
0x77: {  	_ =	shalt  }
0x78: {  	_ =	shalt  }
0x79: {  	_ =	shalt  }
0x7a: {  	_ =	shalt  }
0x7b: {  	_ =	shalt  }
0x7c: {  	_ =	shalt  }
0x7d: {  	_ =	shalt  }
0x7e: {  	_ =	shalt  }
0x7f: {  	_ =	shalt  }
0x80: {  	_ =	shalt  }
0x81: {  	_ =	shalt  }
0x82: {  	_ =	shalt  }
0x83: {  	_ =	shalt  }
0x84: {  	_ =	shalt  }
0x85: {  	_ =	shalt  }
0x86: {  	_ =	shalt  }
0x87: {  	_ =	shalt  }
.Lfunc_end0:
.L_simem_size_0:
called_computation_lowered:
.L_overlay_start_0:
0x88: {  	s2 =	sld [smem:$0x3FD9]  }
0x89: {  	s3 =	sld [smem:$0x3FFE];
	_ =	sdelay $0x1  }
0x8a: {  	s1 =	srdreg.scid  }
0x8b: {  	s0 =	sand.u32 $0x1, s1  }
0x8c: {  	s14 =	sshll.u32 s0, $0xA;
	s2 =	sadd.s32 s3, s2  }
0x8d: {  	s2 =	sadd.s32 s2, s14  }
0x8e: {  	[smem:$0x3FC0] =	sst s2  }
0x8f: {  	_ = 	snop  }
0x90: {  	s2 =	sld [smem:$0x3FD0];
	_ =	sdelay $0x2  }
0x91: {  	s4 =	simm.s32 $0xA;
	s5 =	simm.s32 $0x10;
	s15 =	sld [smem:$0x3FC8]  }
0x92: {  	[smem:s5], [sflag:s4] =	dma.local [hbm:s2], $0x1  }
0x93: {  	_ =	swait.eq [sflag:s4], $0x1  }
0x94: {  	[sflag:s4] =	ssyncset.done $0x0  }
0x95: {  	[sflag:s4] =	ssyncadd.s32 $0xFFFFFFFF  }
0x96: {  	s16 =	sld [smem:$0x11];
	(tm) =	ssettm $0x1  }
0x97: {  	s17 =	sld [smem:$0x3FFB];
	_ =	sdelay $0x3  }
0x98: {  	_ =	strace s17  }
0x99: {  	s4 =	sld [smem:$0x3FFC];
	_ =	sdelay $0x3  }
0x9a: {  	_ =	strace s4  }
0x9b: {  	s4 =	sld [smem:$0x3FFD];
	_ =	sdelay $0x3  }
0x9c: {  	_ =	strace s4  }
0x9d: {  	_ =	strace $0x8FFFFFFF  }
0x9e: {  	s18 =	sld [smem:$0x3FDB];
	_ =	sdelay $0x1  }
0x9f: {  	s19 =	simm.s32 $_scs_section_size  }
0xa0: {  	s6 =	simm.s32 $_size__tile_overlayer_lowered;
	s7 =	simm.s32 $_tile_overlayer_lowered  }
0xa1: {  	s22 =	simm.s32 $0x1BFF;
	s21 =	sshll.u32 s7, $0x1;
	s4 =	sadd.s32 s19, s18  }
0xa2: {  	s8 =	simm.s32 $0x0;
	s20 =	sshll.u32 s6, $0x1;
	s6 =	sadd.s32 s21, s4  }
0xa3: {  	[timem:s8], [sflag:s22] =	dma.local [hbm:s6], s20  }
0xa4: {  	_ =	swait.ge [sflag:s22], s20  }
0xa5: {  	s5 =	ssub.s32 $0x0, s20;
	[sflag:s22] =	ssyncset.done $0x0  }
0xa6: {  	[sflag:s22] =	ssyncadd.s32 s5;
	_ =	sdelay $0x1  }
0xa7: {  	s23 =	simm.s32 $0x1B8B  }
0xa8: {  	_ =	swait.ge [sflag:s23], $0x1  }
0xa9: {  	[sflag:s23] =	ssyncset.done $0x0  }
0xaa: {  	s25 =	simm.s32 $0x1B8E;
	s24 =	sld [smem:$0x3FFE];
	[sflag:s23] =	ssyncadd.s32 $0xFFFFFFFF  }
0xab: {  	s26 =	simm.s32 $execute0_lowered;
	[smem:$0x3FD2] =	sst s25  }
0xac: {  	s6 =	sshll.u32 s26, $0x1;
	_ =	strace $0x80000046;
	[dreg:$0x1] =	wrdreg $0xFFFFFFFF  }
0xad: {  	s28 =	simm.s32 $_size_execute0_lowered;
	s4 =	sadd.s32 s4, s6;
	[dreg:$0x0] =	wrdreg $0x0  }
0xae: {  	s6 =	sshll.u32 s28, $0x1;
	[dreg:$0x2] =	wrdreg s4  }
0xaf: {  	[dreg:$0x3] =	wrdreg s6  }
0xb0: {  	[dreg:$0x4] =	wrdreg $0xC0  }
0xb1: {  	_ =	task [dreg:s8], $0x5FFFF  }
0xb2: {  	[dreg:$0x1] =	wrdreg $0xFFFFFFFF  }
0xb3: {  	[dreg:$0x0] =	wrdreg $0x60  }
0xb4: {  	[dreg:$0x2] =	wrdreg s15  }
0xb5: {  	[dreg:$0x3] =	wrdreg s24  }
0xb6: {  	[dreg:$0x4] =	wrdreg s16  }
0xb7: {  	[dreg:$0x5] =	wrdreg $0x9  }
0xb8: {  	_ =	task.clear_ibuf [dreg:s8], $0x6FFFF;
	_ =	strace $0x90000046  }
0xb9: {  	s29 =	simm.s32 $0x9;
	_ =	strace $0x80000048  }
0xba: {  	_ =	swait.ge [sflag:s29], $0x1  }
0xbb: {  	[sflag:s29] =	ssyncadd.s32 $0xFFFFFFFF  }
0xbc: {  	_ =	strace $0x90000048  }
0xbd: {  	_ =	sfence  }
0xbe: {  	s30 =	sld [smem:$0x0];
	_ =	sdelay $0x2  }
0xbf: {  	s31 =	sshll.u32 s1, $0xD;
	s1 =	sshrl.u32 s1, $0x2  }
0xc0: {  	s3 =	sand.u32 $0x4000, s31;
	s1 =	sadd.s32 s1, s30  }
0xc1: {  	s0 =	sor.u32 s3, s0;
	s1 =	sshll.u32 s1, $0x11  }
0xc2: {  	s0 =	sor.u32 s1, s0  }
0xc3: {  	s0 =	sadd.s32 $0x8F2B, s0  }
0xc4: {  	[sflag:s0] =	ssyncadd.remote.s32 $0x1  }
0xc5: {  	_ =	sfence.sel $0xFFFF  }
0xc6: {  	[dreg:$0x0] =	wrdreg $0xFFFFFFFF;
	(pc) =	sbr.abs _section_cstart, $3  }
0xc7: {  	[dreg:$0x1] =	wrdreg $0xFFFFFFFF  }
0xc8: {  	_ =	task.clear_ibuf [dreg:s8], $0x2FFFF;
	_ =	strace $0x9FFFFFFF  }
0xc9: {  	(tm) =	ssettm $0x7FFFFFFF  }
tec
execute0_lowered:
.L_overlay_start_1:
0x0: {  	(tag) =	ssettag $0x1  }
0x1: {  	s1 =	rddreg [dreg:$0x0]  }
0x2: {  	s4 =	rddreg [dreg:$0x1]  }
0x3: {  	s11 =	rddreg [dreg:$0x2]  }
0x4: {  	s3 =	srdreg.scid;
	s2 =	simm.s32 $0x0;
	s0 =	stileid.u32  }
0x5: {  	s17 =	simm.s32 $0x10900;
	s18 =	simm.s32 $0x80;
	s19 =	simm.s32 $0x100  }
0x6: {  	s20 =	simm.s32 $0x4100;
	s21 =	simm.s32 $0x8100;
	s22 =	simm.s32 $0x1  }
0x7: {  	s9 =	sand.u32 $0x1, s3;
	[smem:$0x7FF] =	sst s2;
	s13 =	sadd.s32 $0x5400, s4  }
0x8: {  	s5 =	sshll.u32 s0, $0x11;
	s10 =	sshll.u32 s0, $0xD;
	s15 =	sshll.u32 s0, $0xE  }
0x9: {  	s3 =	sshll.u32 s9, $0xB;
	_ =	strace $0x80000047;
	s7 =	ssub.s32 $0x2, s9  }
0xa: {  	v0 =	vlaneseq.u32;
	s12 =	sshll.u32 s9, $0xC;
	s14 =	sadd.s32 s5, s4;
	s23 =	sshll.u32 s9, $0xE  }
0xb: {  	v0 =	vmul.u32 $0x10, v0;
	s25 =	sshll.u32 s9, $0x10;
	s26 =	sadd.s32 s15, s11;
	s28 =	sshll.u32 s9, $0xD  }
0xc: {  	v2 =	vimm.f32 $0.0e+00;
	s15 =	simm.s32 $0x3;
	s6 =	sadd.s32 s3, s4;
	s8 =	sshrl.u32 s7, $0x1  }
0xd: {  	s12 =	sor.u32 s12, s10;
	v1 =	vmov s23;
	s10 =	sadd.s32 s25, s14;
	v3 =	vor.u32 $0x1, v0;
	v4 =	vor.u32 $0x2, v0;
	s23 =	simm.s32 $0x2  }
0xe: {  	v5 =	vor.u32 $0x100, v0;
	v6 =	vor.u32 $0x101, v0;
	v7 =	vor.u32 $0x102, v0;
	s8 =	ssub.s32 s7, s8;
	s3 =	sadd.s32 $0x4400, s6;
	s24 =	sshrl.u32 s12, $0x3  }
0xf: {  	v8 =	vor.u32 $0x200, v0;
	v9 =	vor.u32 $0x201, v0;
	v10 =	vor.u32 $0x202, v0;
	s5 =	sadd.s32 $0x3400, s6;
	s6 =	sadd.s32 $0x2400, s6;
	s9 =	sadd.s32 $0x9400, s10  }
0x10: {  	v11 =	vor.u32 $0x300, v0;
	v12 =	vor.u32 $0x301, v0;
	v13 =	vor.u32 $0x302, v0;
	s10 =	sadd.s32 s28, s26;
	s29 =	sor.u32 $0x80, s12;
	s16 =	sor.u32 $0x100, s12  }
0x11: {  	v14 =	vor.u32 $0x400, v0;
	v15 =	vor.u32 $0x401, v0;
	v16 =	vor.u32 $0x402, v0;
	[dreg:$0x4] =	wrdreg s3;
	s7 =	sadd.s32 s13, s24;
	s8 =	smax.u32 s8, $0x1  }
0x12: {  	v17 =	vor.u32 $0x500, v0;
	v18 =	vor.u32 $0x501, v0;
	v19 =	vor.u32 $0x502, v0;
	s30 =	sshll.u32 s29, $0x1;
	s14 =	sshrl.u32 s29, $0x3;
	s31 =	sshrl.u32 s16, $0x3  }
0x13: {  	v20 =	vor.u32 $0x600, v0;
	v21 =	vor.u32 $0x601, v0;
	v22 =	vor.u32 $0x602, v0;
	s16 =	simm.s32 $0xC900;
	s24 =	simm.s32 $0x0;
	s11 =	sadd.s32 s30, s11  }
0x14: {  	v23 =	vor.u32 $0x700, v0;
	v24 =	vor.u32 $0x701, v0;
	v25 =	vor.u32 $0x702, v0;
	s12 =	sadd.s32 s14, s13;
	s13 =	sadd.s32 s31, s13;
	s14 =	simm.s32 $0x8900  }
.LBB2_1:
0x15: {  	s0 =	rddreg [dreg:$0x4]  }
0x16: {  	[tilespmem:s14], [sflag:$0x3] =	stream.linear.gather [hbm4b:s0+s2], $0x4000, $0x38;
	[tilespmem:$0x14900] =	vst v63  }
0x17: {  	_ =	swait.ge [sflag:s15], $0x4000  }
0x18: {  	[sflag:s15] =	ssyncset.done $0x0  }
0x19: {  	[sflag:s15] =	ssyncadd.s32 $0xFFFFC000  }
0x1a: {  	[tilespmem:s16], [sflag:$0x3] =	stream.linear.gather [hbm4b:s5+s2], $0x4000, $0x38;
	[tilespmem:$0x14900] =	vst v63  }
0x1b: {  	_ =	swait.ge [sflag:s15], $0x4000  }
0x1c: {  	[sflag:s15] =	ssyncset.done $0x0  }
0x1d: {  	[sflag:s15] =	ssyncadd.s32 $0xFFFFC000  }
0x1e: {  	[tilespmem:s17], [sflag:$0x3] =	stream.linear.gather [hbm4b:s6+s2], $0x4000, $0x38;
	[tilespmem:$0x14900] =	vst v63  }
0x1f: {  	_ =	swait.ge [sflag:s15], $0x4000  }
0x20: {  	[sflag:s15] =	ssyncset.done $0x0  }
0x21: {  	s25 =	simm.s32 $0x40;
	s26 =	simm.s32 $0x0;
	[sflag:s15] =	ssyncadd.s32 $0xFFFFC000  }
.LBB2_2:
0x22: {  	p0 =	sne.s32 s25, $0x1FC0;
	[tilespmem:s26+$0x8100] =	vst v2;
	s26 =	smov.u32 s25;
	s25 =	sadd.s32 $0x40, s25  }
.Ltmp0:
0x23: {  	(pc) =	sbr.rel @p0 .LBB2_2-.Ltmp0, $2  }
0x24: {  	_ =	sdelay $0x2  }
0x25: {  	s26 =	sshra.s32 s26, $0x2  }
0x26: {  	[tilespmem:s26+$0x8100] =	vst v2;
	s25 =	simm.s32 $0x0  }
0x27: {  	[tilespmem:s25], [sflag:$0x3] =	stream.linear.gather [hbm4b:s7+s25], $0x80, $0x38;
	[tilespmem:$0x14900] =	vst v63  }
0x28: {  	_ =	swait.ge [sflag:s15], $0x80  }
0x29: {  	s26 =	smov.u32 s13;
	s28 =	smov.u32 s12;
	[sflag:s15] =	ssyncset.done $0x0  }
0x2a: {  	s29 =	smov.u32 s11;
	s30 =	smov.u32 s10;
	[sflag:s15] =	ssyncadd.s32 $0xFFFFFF80  }
0x2b: {  	[tilespmem:s19], [sflag:$0x1] =	stream.indirect.gather [hbm4b:s1+s18], $0x80, s25, s18, $0xb8;
	[tilespmem:$0x14900] =	vst v63  }
.LBB2_4:
0x2c: {  	[tilespmem:s18], [sflag:$0x3] =	stream.linear.gather [hbm4b:s28+s2], $0x80, $0x38;
	[tilespmem:$0x14900] =	vst v63  }
0x2d: {  	_ =	swait.ge [sflag:s15], $0x80  }
0x2e: {  	[sflag:s15] =	ssyncset.done $0x0  }
0x2f: {  	[sflag:s15] =	ssyncadd.s32 $0xFFFFFF80  }
0x30: {  	[tilespmem:s20], [sflag:$0x2] =	stream.indirect.gather [hbm4b:s1+s18], $0x80, s18, s18, $0xb8;
	[tilespmem:$0x14900] =	vst v63  }
0x31: {  	v26 =	vld [tilespmem:$0x0];
	_ =	sdelay $0x4  }
0x32: {  	v27 =	vsub.s32 v26, v1  }
0x33: {  	v26 =	vand.u32 $0x7F, v26;
	v27 =	vand.u32 $0xFFFFFF80, v27  }
0x34: {  	v26 =	vor.u32 v26, v27;
	_ =	sdelay $0x4  }
0x35: {  	v27 =	vld.idx.msk [tilespmem:v26+s14+$0x0], $0xffff;
	_ =	sdelay $0x4  }
0x36: {  	[tilespmem:v0+s21+$0x0] =	vst.idx.msk $0xffff, v27  }
0x37: {  	v27 =	vld.idx.msk [tilespmem:v26+s16+$0x0], $0xffff;
	_ =	sdelay $0x4  }
0x38: {  	[tilespmem:v3+s21+$0x0] =	vst.idx.msk $0xffff, v27  }
0x39: {  	v26 =	vld.idx.msk [tilespmem:v26+s17+$0x0], $0xffff;
	_ =	sdelay $0x4  }
0x3a: {  	[tilespmem:v4+s21+$0x0] =	vst.idx.msk $0xffff, v26  }
0x3b: {  	v26 =	vld [tilespmem:$0x10];
	_ =	sdelay $0x4  }
0x3c: {  	v27 =	vsub.s32 v26, v1  }
0x3d: {  	v26 =	vand.u32 $0x7F, v26;
	v27 =	vand.u32 $0xFFFFFF80, v27  }
0x3e: {  	v26 =	vor.u32 v26, v27;
	_ =	sdelay $0x4  }
0x3f: {  	v27 =	vld.idx.msk [tilespmem:v26+s14+$0x0], $0xffff;
	_ =	sdelay $0x4  }
0x40: {  	[tilespmem:v5+s21+$0x0] =	vst.idx.msk $0xffff, v27  }
0x41: {  	v27 =	vld.idx.msk [tilespmem:v26+s16+$0x0], $0xffff;
	_ =	sdelay $0x4  }
0x42: {  	[tilespmem:v6+s21+$0x0] =	vst.idx.msk $0xffff, v27  }
0x43: {  	v26 =	vld.idx.msk [tilespmem:v26+s17+$0x0], $0xffff;
	_ =	sdelay $0x4  }
0x44: {  	[tilespmem:v7+s21+$0x0] =	vst.idx.msk $0xffff, v26  }
0x45: {  	v26 =	vld [tilespmem:$0x20];
	_ =	sdelay $0x4  }
0x46: {  	v27 =	vsub.s32 v26, v1  }
0x47: {  	v26 =	vand.u32 $0x7F, v26;
	v27 =	vand.u32 $0xFFFFFF80, v27  }
0x48: {  	v26 =	vor.u32 v26, v27;
	_ =	sdelay $0x4  }
0x49: {  	v27 =	vld.idx.msk [tilespmem:v26+s14+$0x0], $0xffff;
	_ =	sdelay $0x4  }
0x4a: {  	[tilespmem:v8+s21+$0x0] =	vst.idx.msk $0xffff, v27  }
0x4b: {  	v27 =	vld.idx.msk [tilespmem:v26+s16+$0x0], $0xffff;
	_ =	sdelay $0x4  }
0x4c: {  	[tilespmem:v9+s21+$0x0] =	vst.idx.msk $0xffff, v27  }
0x4d: {  	v26 =	vld.idx.msk [tilespmem:v26+s17+$0x0], $0xffff;
	_ =	sdelay $0x4  }
0x4e: {  	[tilespmem:v10+s21+$0x0] =	vst.idx.msk $0xffff, v26  }
0x4f: {  	v26 =	vld [tilespmem:$0x30];
	_ =	sdelay $0x4  }
0x50: {  	v27 =	vsub.s32 v26, v1  }
0x51: {  	v26 =	vand.u32 $0x7F, v26;
	v27 =	vand.u32 $0xFFFFFF80, v27  }
0x52: {  	v26 =	vor.u32 v26, v27;
	_ =	sdelay $0x4  }
0x53: {  	v27 =	vld.idx.msk [tilespmem:v26+s14+$0x0], $0xffff;
	_ =	sdelay $0x4  }
0x54: {  	[tilespmem:v11+s21+$0x0] =	vst.idx.msk $0xffff, v27  }
0x55: {  	v27 =	vld.idx.msk [tilespmem:v26+s16+$0x0], $0xffff;
	_ =	sdelay $0x4  }
0x56: {  	[tilespmem:v12+s21+$0x0] =	vst.idx.msk $0xffff, v27  }
0x57: {  	v26 =	vld.idx.msk [tilespmem:v26+s17+$0x0], $0xffff;
	_ =	sdelay $0x4  }
0x58: {  	[tilespmem:v13+s21+$0x0] =	vst.idx.msk $0xffff, v26  }
0x59: {  	v26 =	vld [tilespmem:$0x40];
	_ =	sdelay $0x4  }
0x5a: {  	v27 =	vsub.s32 v26, v1  }
0x5b: {  	v26 =	vand.u32 $0x7F, v26;
	v27 =	vand.u32 $0xFFFFFF80, v27  }
0x5c: {  	v26 =	vor.u32 v26, v27;
	_ =	sdelay $0x4  }
0x5d: {  	v27 =	vld.idx.msk [tilespmem:v26+s14+$0x0], $0xffff;
	_ =	sdelay $0x4  }
0x5e: {  	[tilespmem:v14+s21+$0x0] =	vst.idx.msk $0xffff, v27  }
0x5f: {  	v27 =	vld.idx.msk [tilespmem:v26+s16+$0x0], $0xffff;
	_ =	sdelay $0x4  }
0x60: {  	[tilespmem:v15+s21+$0x0] =	vst.idx.msk $0xffff, v27  }
0x61: {  	v26 =	vld.idx.msk [tilespmem:v26+s17+$0x0], $0xffff;
	_ =	sdelay $0x4  }
0x62: {  	[tilespmem:v16+s21+$0x0] =	vst.idx.msk $0xffff, v26  }
0x63: {  	v26 =	vld [tilespmem:$0x50];
	_ =	sdelay $0x4  }
0x64: {  	v27 =	vsub.s32 v26, v1  }
0x65: {  	v26 =	vand.u32 $0x7F, v26;
	v27 =	vand.u32 $0xFFFFFF80, v27  }
0x66: {  	v26 =	vor.u32 v26, v27;
	_ =	sdelay $0x4  }
0x67: {  	v27 =	vld.idx.msk [tilespmem:v26+s14+$0x0], $0xffff;
	_ =	sdelay $0x4  }
0x68: {  	[tilespmem:v17+s21+$0x0] =	vst.idx.msk $0xffff, v27  }
0x69: {  	v27 =	vld.idx.msk [tilespmem:v26+s16+$0x0], $0xffff;
	_ =	sdelay $0x4  }
0x6a: {  	[tilespmem:v18+s21+$0x0] =	vst.idx.msk $0xffff, v27  }
0x6b: {  	v26 =	vld.idx.msk [tilespmem:v26+s17+$0x0], $0xffff;
	_ =	sdelay $0x4  }
0x6c: {  	[tilespmem:v19+s21+$0x0] =	vst.idx.msk $0xffff, v26  }
0x6d: {  	v26 =	vld [tilespmem:$0x60];
	_ =	sdelay $0x4  }
0x6e: {  	v27 =	vsub.s32 v26, v1  }
0x6f: {  	v26 =	vand.u32 $0x7F, v26;
	v27 =	vand.u32 $0xFFFFFF80, v27  }
0x70: {  	v26 =	vor.u32 v26, v27;
	_ =	sdelay $0x4  }
0x71: {  	v27 =	vld.idx.msk [tilespmem:v26+s14+$0x0], $0xffff;
	_ =	sdelay $0x4  }
0x72: {  	[tilespmem:v20+s21+$0x0] =	vst.idx.msk $0xffff, v27  }
0x73: {  	v27 =	vld.idx.msk [tilespmem:v26+s16+$0x0], $0xffff;
	_ =	sdelay $0x4  }
0x74: {  	[tilespmem:v21+s21+$0x0] =	vst.idx.msk $0xffff, v27  }
0x75: {  	v26 =	vld.idx.msk [tilespmem:v26+s17+$0x0], $0xffff;
	_ =	sdelay $0x4  }
0x76: {  	[tilespmem:v22+s21+$0x0] =	vst.idx.msk $0xffff, v26  }
0x77: {  	v26 =	vld [tilespmem:$0x70];
	_ =	sdelay $0x4  }
0x78: {  	v27 =	vsub.s32 v26, v1  }
0x79: {  	v26 =	vand.u32 $0x7F, v26;
	v27 =	vand.u32 $0xFFFFFF80, v27  }
0x7a: {  	v26 =	vor.u32 v26, v27;
	_ =	sdelay $0x4  }
0x7b: {  	v27 =	vld.idx.msk [tilespmem:v26+s14+$0x0], $0xffff;
	_ =	sdelay $0x4  }
0x7c: {  	[tilespmem:v23+s21+$0x0] =	vst.idx.msk $0xffff, v27  }
0x7d: {  	v27 =	vld.idx.msk [tilespmem:v26+s16+$0x0], $0xffff;
	_ =	sdelay $0x4  }
0x7e: {  	[tilespmem:v24+s21+$0x0] =	vst.idx.msk $0xffff, v27  }
0x7f: {  	v26 =	vld.idx.msk [tilespmem:v26+s17+$0x0], $0xffff;
	_ =	sdelay $0x4  }
0x80: {  	[tilespmem:v25+s21+$0x0] =	vst.idx.msk $0xffff, v26  }
0x81: {  	[hbm4b:s30+s2] =	stream.linear.scatter [tilespmem:s21], [sflag:$0x3], $0x800, $0x38;
	[tilespmem:$0x14900] =	vst v63  }
0x82: {  	_ =	swait.ge [sflag:s15], $0x800  }
0x83: {  	[sflag:s15] =	ssyncset.done $0x0  }
0x84: {  	[sflag:s15] =	ssyncadd.s32 $0xFFFFF800  }
0x85: {  	_ =	swait.ge [sflag:s22], $0x4000  }
0x86: {  	[sflag:s22] =	ssyncset.done $0x0  }
0x87: {  	s31 =	sadd.s32 s25, s9;
	[sflag:s22] =	ssyncadd.s32 $0xFFFFC000  }
0x88: {  	[hbm4b:s31+s2] =	stream.linear.scatter [tilespmem:s19], [sflag:$0x3], $0x4000, $0x38;
	[tilespmem:$0x14900] =	vst v63  }
0x89: {  	_ =	swait.ge [sflag:s15], $0x4000  }
0x8a: {  	p0 =	seq.s32 s25, $0xF000;
	[sflag:s15] =	ssyncset.done $0x0  }
0x8b: {  	s0 =	simm.s32 @!p0 $0x0;
	s3 =	simm.s32 @!p0 $0x3;
	[sflag:s15] =	ssyncadd.s32 $0xFFFFC000  }
0x8c: {  	[tilespmem:s0], [sflag:$0x3] =	stream.linear.gather @!p0 [hbm4b:s26+s0], $0x80, $0x38;
	[tilespmem:$0x14900] =	vst v63  }
0x8d: {  	_ =	swait.ge @!p0 [sflag:s3], $0x80  }
0x8e: {  	[sflag:s3] =	ssyncset.done @!p0 $0x0  }
0x8f: {  	s4 =	simm.s32 @!p0 $0x100;
	[sflag:s3] =	ssyncadd.s32 @!p0 $0xFFFFFF80;
	s3 =	simm.s32 @!p0 $0x80  }
0x90: {  	[tilespmem:s4], [sflag:$0x1] =	stream.indirect.gather @!p0 [hbm4b:s1+s3], $0x80, s0, s3, $0xb8;
	[tilespmem:$0x14900] =	vst v63  }
0x91: {  	v26 =	vld [tilespmem:$0x80];
	_ =	sdelay $0x4  }
0x92: {  	v27 =	vsub.s32 v26, v1  }
0x93: {  	v26 =	vand.u32 $0x7F, v26;
	v27 =	vand.u32 $0xFFFFFF80, v27  }
0x94: {  	v26 =	vor.u32 v26, v27;
	_ =	sdelay $0x4  }
0x95: {  	v27 =	vld.idx.msk [tilespmem:v26+s14+$0x0], $0xffff;
	_ =	sdelay $0x4  }
0x96: {  	[tilespmem:v0+s21+$0x0] =	vst.idx.msk $0xffff, v27  }
0x97: {  	v27 =	vld.idx.msk [tilespmem:v26+s16+$0x0], $0xffff;
	_ =	sdelay $0x4  }
0x98: {  	[tilespmem:v3+s21+$0x0] =	vst.idx.msk $0xffff, v27  }
0x99: {  	v26 =	vld.idx.msk [tilespmem:v26+s17+$0x0], $0xffff;
	_ =	sdelay $0x4  }
0x9a: {  	[tilespmem:v4+s21+$0x0] =	vst.idx.msk $0xffff, v26  }
0x9b: {  	v26 =	vld [tilespmem:$0x90];
	_ =	sdelay $0x4  }
0x9c: {  	v27 =	vsub.s32 v26, v1  }
0x9d: {  	v26 =	vand.u32 $0x7F, v26;
	v27 =	vand.u32 $0xFFFFFF80, v27  }
0x9e: {  	v26 =	vor.u32 v26, v27;
	_ =	sdelay $0x4  }
0x9f: {  	v27 =	vld.idx.msk [tilespmem:v26+s14+$0x0], $0xffff;
	_ =	sdelay $0x4  }
0xa0: {  	[tilespmem:v5+s21+$0x0] =	vst.idx.msk $0xffff, v27  }
0xa1: {  	v27 =	vld.idx.msk [tilespmem:v26+s16+$0x0], $0xffff;
	_ =	sdelay $0x4  }
0xa2: {  	[tilespmem:v6+s21+$0x0] =	vst.idx.msk $0xffff, v27  }
0xa3: {  	v26 =	vld.idx.msk [tilespmem:v26+s17+$0x0], $0xffff;
	_ =	sdelay $0x4  }
0xa4: {  	[tilespmem:v7+s21+$0x0] =	vst.idx.msk $0xffff, v26  }
0xa5: {  	v26 =	vld [tilespmem:$0xA0];
	_ =	sdelay $0x4  }
0xa6: {  	v27 =	vsub.s32 v26, v1  }
0xa7: {  	v26 =	vand.u32 $0x7F, v26;
	v27 =	vand.u32 $0xFFFFFF80, v27  }
0xa8: {  	v26 =	vor.u32 v26, v27;
	_ =	sdelay $0x4  }
0xa9: {  	v27 =	vld.idx.msk [tilespmem:v26+s14+$0x0], $0xffff;
	_ =	sdelay $0x4  }
0xaa: {  	[tilespmem:v8+s21+$0x0] =	vst.idx.msk $0xffff, v27  }
0xab: {  	v27 =	vld.idx.msk [tilespmem:v26+s16+$0x0], $0xffff;
	_ =	sdelay $0x4  }
0xac: {  	[tilespmem:v9+s21+$0x0] =	vst.idx.msk $0xffff, v27  }
0xad: {  	v26 =	vld.idx.msk [tilespmem:v26+s17+$0x0], $0xffff;
	_ =	sdelay $0x4  }
0xae: {  	[tilespmem:v10+s21+$0x0] =	vst.idx.msk $0xffff, v26  }
0xaf: {  	v26 =	vld [tilespmem:$0xB0];
	_ =	sdelay $0x4  }
0xb0: {  	v27 =	vsub.s32 v26, v1  }
0xb1: {  	v26 =	vand.u32 $0x7F, v26;
	v27 =	vand.u32 $0xFFFFFF80, v27  }
0xb2: {  	v26 =	vor.u32 v26, v27;
	_ =	sdelay $0x4  }
0xb3: {  	v27 =	vld.idx.msk [tilespmem:v26+s14+$0x0], $0xffff;
	_ =	sdelay $0x4  }
0xb4: {  	[tilespmem:v11+s21+$0x0] =	vst.idx.msk $0xffff, v27  }
0xb5: {  	v27 =	vld.idx.msk [tilespmem:v26+s16+$0x0], $0xffff;
	_ =	sdelay $0x4  }
0xb6: {  	[tilespmem:v12+s21+$0x0] =	vst.idx.msk $0xffff, v27  }
0xb7: {  	v26 =	vld.idx.msk [tilespmem:v26+s17+$0x0], $0xffff;
	_ =	sdelay $0x4  }
0xb8: {  	[tilespmem:v13+s21+$0x0] =	vst.idx.msk $0xffff, v26  }
0xb9: {  	v26 =	vld [tilespmem:$0xC0];
	_ =	sdelay $0x4  }
0xba: {  	v27 =	vsub.s32 v26, v1  }
0xbb: {  	v26 =	vand.u32 $0x7F, v26;
	v27 =	vand.u32 $0xFFFFFF80, v27  }
0xbc: {  	v26 =	vor.u32 v26, v27;
	_ =	sdelay $0x4  }
0xbd: {  	v27 =	vld.idx.msk [tilespmem:v26+s14+$0x0], $0xffff;
	_ =	sdelay $0x4  }
0xbe: {  	[tilespmem:v14+s21+$0x0] =	vst.idx.msk $0xffff, v27  }
0xbf: {  	v27 =	vld.idx.msk [tilespmem:v26+s16+$0x0], $0xffff;
	_ =	sdelay $0x4  }
0xc0: {  	[tilespmem:v15+s21+$0x0] =	vst.idx.msk $0xffff, v27  }
0xc1: {  	v26 =	vld.idx.msk [tilespmem:v26+s17+$0x0], $0xffff;
	_ =	sdelay $0x4  }
0xc2: {  	[tilespmem:v16+s21+$0x0] =	vst.idx.msk $0xffff, v26  }
0xc3: {  	v26 =	vld [tilespmem:$0xD0];
	_ =	sdelay $0x4  }
0xc4: {  	v27 =	vsub.s32 v26, v1  }
0xc5: {  	v26 =	vand.u32 $0x7F, v26;
	v27 =	vand.u32 $0xFFFFFF80, v27  }
0xc6: {  	v26 =	vor.u32 v26, v27;
	_ =	sdelay $0x4  }
0xc7: {  	v27 =	vld.idx.msk [tilespmem:v26+s14+$0x0], $0xffff;
	_ =	sdelay $0x4  }
0xc8: {  	[tilespmem:v17+s21+$0x0] =	vst.idx.msk $0xffff, v27  }
0xc9: {  	v27 =	vld.idx.msk [tilespmem:v26+s16+$0x0], $0xffff;
	_ =	sdelay $0x4  }
0xca: {  	[tilespmem:v18+s21+$0x0] =	vst.idx.msk $0xffff, v27  }
0xcb: {  	v26 =	vld.idx.msk [tilespmem:v26+s17+$0x0], $0xffff;
	_ =	sdelay $0x4  }
0xcc: {  	[tilespmem:v19+s21+$0x0] =	vst.idx.msk $0xffff, v26  }
0xcd: {  	v26 =	vld [tilespmem:$0xE0];
	_ =	sdelay $0x4  }
0xce: {  	v27 =	vsub.s32 v26, v1  }
0xcf: {  	v26 =	vand.u32 $0x7F, v26;
	v27 =	vand.u32 $0xFFFFFF80, v27  }
0xd0: {  	v26 =	vor.u32 v26, v27;
	_ =	sdelay $0x4  }
0xd1: {  	v27 =	vld.idx.msk [tilespmem:v26+s14+$0x0], $0xffff;
	_ =	sdelay $0x4  }
0xd2: {  	[tilespmem:v20+s21+$0x0] =	vst.idx.msk $0xffff, v27  }
0xd3: {  	v27 =	vld.idx.msk [tilespmem:v26+s16+$0x0], $0xffff;
	_ =	sdelay $0x4  }
0xd4: {  	[tilespmem:v21+s21+$0x0] =	vst.idx.msk $0xffff, v27  }
0xd5: {  	v26 =	vld.idx.msk [tilespmem:v26+s17+$0x0], $0xffff;
	_ =	sdelay $0x4  }
0xd6: {  	[tilespmem:v22+s21+$0x0] =	vst.idx.msk $0xffff, v26  }
0xd7: {  	v26 =	vld [tilespmem:$0xF0];
	_ =	sdelay $0x4  }
0xd8: {  	v27 =	vsub.s32 v26, v1  }
0xd9: {  	v26 =	vand.u32 $0x7F, v26;
	v27 =	vand.u32 $0xFFFFFF80, v27  }
0xda: {  	v26 =	vor.u32 v26, v27;
	_ =	sdelay $0x4  }
0xdb: {  	v27 =	vld.idx.msk [tilespmem:v26+s14+$0x0], $0xffff;
	_ =	sdelay $0x4  }
0xdc: {  	[tilespmem:v23+s21+$0x0] =	vst.idx.msk $0xffff, v27  }
0xdd: {  	v27 =	vld.idx.msk [tilespmem:v26+s16+$0x0], $0xffff;
	_ =	sdelay $0x4  }
0xde: {  	[tilespmem:v24+s21+$0x0] =	vst.idx.msk $0xffff, v27  }
0xdf: {  	v26 =	vld.idx.msk [tilespmem:v26+s17+$0x0], $0xffff;
	_ =	sdelay $0x4  }
0xe0: {  	[tilespmem:v25+s21+$0x0] =	vst.idx.msk $0xffff, v26  }
0xe1: {  	[hbm4b:s29+s2] =	stream.linear.scatter [tilespmem:s21], [sflag:$0x3], $0x800, $0x38;
	[tilespmem:$0x14900] =	vst v63  }
0xe2: {  	_ =	swait.ge [sflag:s15], $0x800  }
0xe3: {  	[sflag:s15] =	ssyncset.done $0x0  }
0xe4: {  	[sflag:s15] =	ssyncadd.s32 $0xFFFFF800  }
0xe5: {  	s25 =	sadd.s32 $0x1000, s25;
	_ =	swait.ge [sflag:s23], $0x4000  }
0xe6: {  	p0 =	sne.s32 s25, $0x10000;
	[sflag:s23] =	ssyncset.done $0x0  }
.Ltmp1:
0xe7: {  	s31 =	sadd.s32 $0x800, s31;
	[sflag:s23] =	ssyncadd.s32 $0xFFFFC000;
	(pc) =	sbr.rel @p0 .LBB2_4-.Ltmp1, $4  }
0xe8: {  	[hbm4b:s31+s2] =	stream.linear.scatter [tilespmem:s20], [sflag:$0x3], $0x4000, $0x38;
	[tilespmem:$0x14900] =	vst v63  }
0xe9: {  	_ =	swait.ge [sflag:s15], $0x4000  }
0xea: {  	s28 =	sadd.s32 $0x20, s28;
	s30 =	sadd.s32 $0x200, s30;
	[sflag:s15] =	ssyncset.done $0x0  }
0xeb: {  	s26 =	sadd.s32 $0x20, s26;
	s29 =	sadd.s32 $0x200, s29;
	[sflag:s15] =	ssyncadd.s32 $0xFFFFC000  }
0xec: {  	s24 =	sadd.s32 $0x1, s24  }
0xed: {  	p0 =	sne.s32 s24, s8  }
.Ltmp2:
0xee: {  	_ = 	snop;
	(pc) =	sbr.rel @p0 .LBB2_1-.Ltmp2, $1  }
0xef: {  	_ =	sdelay $0x3  }
0xf0: {  	_ =	sfence.sel $0x180000  }
0xf1: {  	[bflag:$0x0] =	sbarrier.arrive $0xFFFF  }
0xf2: {  	_ =	strace $0x90000047  }
0xf3: {  	s0 =	stileid.u32;
	[bflag:$0x2] =	sbarrier.arrive $0xFFFF  }
0xf4: {  	p0 =	sne.s32 s0, $0x0;
	s0 =	rddreg [dreg:$0x3]  }
0xf5: {  	s0 =	sadd.s32 @!p0 $0x100000, s0  }
0xf6: {  	[sflag:s0] =	ssyncadd.tile.s32 @!p0 $0x1;
	_ =	shalt  }
.Lfunc_end2:
_tile_overlayer_lowered:
.L_overlay_start_2:
0xf7: {  	(tag) =	ssettag $0x2  }
0xf8: {  	s0 =	rddreg [dreg:$0x0];
	s2 =	stileid.u32  }
0xf9: {  	s1 =	rddreg [dreg:$0x1];
	p0 =	sne.s32 s2, $0x0  }
0xfa: {  	s3 =	rddreg [dreg:$0x2];
	[bflag:$0x3] =	sbarrier.arrive $0xFFFF;
	s2 =	simm.s32 @!p0 $0x1C03  }
0xfb: {  	[timem:s3], [sflag:s2] =	dma.local @!p0 [hbm:s0], s1  }
0xfc: {  	s0 =	simm.s32 @!p0 $0x3  }
0xfd: {  	_ =	swait.ge @!p0 [sflag:s0], s1  }
0xfe: {  	s1 =	ssub.s32 @!p0 $0x0, s1;
	[sflag:s0] =	ssyncset.done @!p0 $0x0  }
0xff: {  	[sflag:s0] =	ssyncadd.s32 @!p0 s1  }
0x100: {  	[bflag:$0x3] =	sbarrier.arrive $0xFFFF  }
0x101: {  	_ =	shalt  }

</sc_bundles>
